<compile_context>
chip_gen: v7x
topology: tpu7x:2x2x1
jax: 0.10.2.dev20260603
libtpu: 0.0.44.dev20260713+nightly
codegen_flags: <defaults>
</compile_context>

<pallas_src>
import functools

import jax
import jax.numpy as jnp
from jax import lax
from jax.experimental import pallas as pl
from jax.experimental.pallas import tpu as pltpu
from jax.experimental.pallas import tpu_sc as plsc

N = 10000
E = 320000
B = 128
NB = E // B
NC = 2
NS = 16
OWN = 624
TAIL = N - NS * OWN
CHUNKS = (128, 128, 128, 128, 112)


def _fill(ref, nrows, ncols, val):
    nc16 = ncols // 16

    def body(i, carry):
        r = i // nc16
        k = i % nc16
        ref[r, pl.ds(k * 16, 16)] = jnp.full((16,), val, jnp.float32)
        return carry

    lax.fori_loop(0, nrows * nc16, body, 0)


def _fill_i32(ref, val):
    for j in range(B // 16):
        ref[pl.ds(j * 16, 16)] = jnp.full((16,), val, jnp.int32)


def _acc_zero(zero_v, acc, s):
    base = pl.multiple_of(s * OWN, 8)
    off = 0
    for sz in CHUNKS:
        pltpu.sync_copy(zero_v.at[pl.ds(0, sz)], acc.at[pl.ds(base + off, sz)])
        off += sz

    @pl.when(s == 0)
    def _():
        pltpu.sync_copy(zero_v.at[pl.ds(0, TAIL)],
                        acc.at[pl.ds(NS * OWN, TAIL)])


def _acc_writeout(acc, out_hbm, c, s):
    base = pl.multiple_of(s * OWN, 8)
    out_base = pl.multiple_of(c * N + base, 8)
    off = 0
    for sz in CHUNKS:
        pltpu.sync_copy(acc.at[pl.ds(base + off, sz)],
                        out_hbm.at[pl.ds(out_base + off, sz)])
        off += sz

    @pl.when(s == 0)
    def _():
        pltpu.sync_copy(acc.at[pl.ds(NS * OWN, TAIL)],
                        out_hbm.at[pl.ds(pl.multiple_of(c * N + NS * OWN, 8),
                                         TAIL)])


def _make_agg_kernel(chan_split):
    mesh = plsc.VectorSubcoreMesh(core_axis_name="c", subcore_axis_name="s")
    nb_sc = NB if chan_split else NB // NC

    @functools.partial(
        pl.kernel,
        mesh=mesh,
        out_type=jax.ShapeDtypeStruct((NC * N, 128), jnp.float32),
        scratch_types=[
            pltpu.VMEM((2 * B,), jnp.int32),
            pltpu.VMEM((B,), jnp.int32),
            pltpu.VMEM((B,), jnp.int32),
            pltpu.VMEM((B, 128), jnp.float32),
            pltpu.SemaphoreType.DMA,
            pltpu.VMEM_SHARED((N, 128), jnp.float32),
        ],
    )
    def agg_kernel(table_hbm, comb_hbm, out_hbm,
                   sdv, sv, dv, rows_v, sem_g, acc):
        c = lax.axis_index("c")
        s = lax.axis_index("s")
        _fill(rows_v, B, 128, 0.0)
        _acc_zero(rows_v, acc, s)
        plsc.subcore_barrier()

        def body(t, carry):
            bw = t * NS + s

            @pl.when(bw < nb_sc)
            def _():
                b = bw if chan_split else c * nb_sc + bw
                pltpu.sync_copy(comb_hbm.at[pl.ds(b * 2 * B, 2 * B)], sdv)
                off = c * N if chan_split else 0
                for j in range(B // 16):
                    sv[pl.ds(j * 16, 16)] = sdv[pl.ds(j * 16, 16)] + off
                    dv[pl.ds(j * 16, 16)] = sdv[pl.ds(B + j * 16, 16)]
                pltpu.async_copy(table_hbm.at[sv], rows_v, sem_g).wait()
                pltpu.sync_copy(rows_v, acc.at[dv], add=True)

            return carry

        lax.fori_loop(0, (nb_sc + NS - 1) // NS, body, 0)
        plsc.subcore_barrier()
        _acc_writeout(acc, out_hbm, c, s)

    return agg_kernel


_agg_l1 = _make_agg_kernel(chan_split=True)
_agg_l2 = _make_agg_kernel(chan_split=False)


def _d_from_degp(degp_ref):
    deg = degp_ref[0, :, 0:1] + degp_ref[1, :, 0:1] + 1.0
    return lax.rsqrt(deg)


def _tc1_body(x_ref, w1_ref, degp_ref, p1_ref):
    h = jnp.dot(x_ref[...], w1_ref[...],
                preferred_element_type=jnp.float32,
                precision=lax.Precision.HIGHEST)
    d = _d_from_degp(degp_ref)
    p1_ref[0] = h[:, :128] * d
    p1_ref[1] = h[:, 128:] * d


def _tc2_body(agg_ref, p1_ref, degp_ref, b1_ref, w2_ref, p2_ref):
    d = _d_from_degp(degp_ref)
    s0 = jnp.maximum(d * (agg_ref[0] + p1_ref[0]) + b1_ref[:, :128], 0.0)
    s1 = jnp.maximum(d * (agg_ref[1] + p1_ref[1]) + b1_ref[:, 128:], 0.0)
    h2 = (jnp.dot(s0, w2_ref[:128, :], preferred_element_type=jnp.float32,
                  precision=lax.Precision.HIGHEST)
          + jnp.dot(s1, w2_ref[128:, :], preferred_element_type=jnp.float32,
                    precision=lax.Precision.HIGHEST))
    p2_ref[...] = d * h2


def _tc3_body(agg_ref, p2_ref, degp_ref, b2_ref, out_ref):
    d = _d_from_degp(degp_ref)
    out_ref[...] = d * (agg_ref[0] + agg_ref[1] + p2_ref[...]) + b2_ref[...]


_RB = 1000
_GRID = N // _RB

_degp_spec = pl.BlockSpec((2, _RB, 128), lambda i: (0, i, 0))


def _tc1(x, w1, degp):
    return pl.pallas_call(
        _tc1_body,
        grid=(_GRID,),
        in_specs=[
            pl.BlockSpec((_RB, 128), lambda i: (i, 0)),
            pl.BlockSpec((128, 256), lambda i: (0, 0)),
            _degp_spec,
        ],
        out_specs=pl.BlockSpec((2, _RB, 128), lambda i: (0, i, 0)),
        out_shape=jax.ShapeDtypeStruct((2, N, 128), jnp.float32),
    )(x, w1, degp)


def _tc2(agg1, p1, degp, b1, w2):
    return pl.pallas_call(
        _tc2_body,
        grid=(_GRID,),
        in_specs=[
            pl.BlockSpec((2, _RB, 128), lambda i: (0, i, 0)),
            pl.BlockSpec((2, _RB, 128), lambda i: (0, i, 0)),
            _degp_spec,
            pl.BlockSpec((1, 256), lambda i: (0, 0)),
            pl.BlockSpec((256, 128), lambda i: (0, 0)),
        ],
        out_specs=pl.BlockSpec((_RB, 128), lambda i: (i, 0)),
        out_shape=jax.ShapeDtypeStruct((N, 128), jnp.float32),
    )(agg1, p1, degp, b1, w2)


def _tc3(agg2, p2, degp, b2):
    return pl.pallas_call(
        _tc3_body,
        grid=(_GRID,),
        in_specs=[
            pl.BlockSpec((2, _RB, 128), lambda i: (0, i, 0)),
            pl.BlockSpec((_RB, 128), lambda i: (i, 0)),
            _degp_spec,
            pl.BlockSpec((1, 128), lambda i: (0, 0)),
        ],
        out_specs=pl.BlockSpec((_RB, 128), lambda i: (i, 0)),
        out_shape=jax.ShapeDtypeStruct((N, 128), jnp.float32),
    )(agg2, p2, degp, b2)


def kernel(x, edge_index, W1, b1, W2, b2):
    ei = edge_index.astype(jnp.int32)
    src, dst = ei[0], ei[1]

    comb = jnp.concatenate([src.reshape(NB, 1, B), dst.reshape(NB, 1, B)],
                           axis=1).reshape(2 * E)
    ones_tab = jnp.ones((N, 128), jnp.float32)
    degp = _agg_l2(ones_tab, comb).reshape(2, N, 128)
    p1 = _tc1(x, W1, degp)
    agg1 = _agg_l1(p1.reshape(2 * N, 128), comb).reshape(2, N, 128)
    p2 = _tc2(agg1, p1, degp, b1.reshape(1, 256), W2)
    agg2 = _agg_l2(p2, comb).reshape(2, N, 128)
    return _tc3(agg2, p2, degp, b2.reshape(1, 128))

# --- scband reference (transcript-rebuilt; emitter-appended) ---
"""Pipeline reference for scband-gcnencoder-86981677679215 (READ-ONLY COPY).

The authoritative reference and input builder live on the scoring server;
editing this copy changes nothing except your own understanding.
"""

import jax, jax.numpy as jnp
import numpy as np

N_NODES = 10000
N_EDGES = 320000
IN_CH = 128
OUT_CH = 128
HID = 2 * OUT_CH


def gcn_conv(x, edge_index, W, b):
    # Faithful PyG GCNConv: add self-loops, symmetric normalization,
    # linear transform, scatter-add aggregation, bias.
    N = x.shape[0]
    loop = jnp.arange(N, dtype=edge_index.dtype)
    src = jnp.concatenate([edge_index[0], loop])
    dst = jnp.concatenate([edge_index[1], loop])
    ones = jnp.ones(src.shape[0], dtype=x.dtype)
    deg = jnp.zeros((N,), dtype=x.dtype).at[dst].add(ones)
    deg_inv_sqrt = jnp.where(deg > 0, 1.0 / jnp.sqrt(deg), 0.0)
    norm = deg_inv_sqrt[src] * deg_inv_sqrt[dst]
    h = x @ W
    msg = h[src] * norm[:, None]
    out = jnp.zeros((N, W.shape[1]), dtype=x.dtype).at[dst].add(msg)
    return out + b


def setup_inputs(seed: int = 0) -> dict:
    key = jax.random.key(seed)
    k1, k2, k3, k4, k5, k6 = jax.random.split(key, 6)
    x = jax.random.normal(k1, (N_NODES, IN_CH), dtype=jnp.float32)
    edge_index = jax.random.randint(k2, (2, N_EDGES), 0, N_NODES, dtype=jnp.int64)
    s1 = 1.0 / np.sqrt(IN_CH)
    s2 = 1.0 / np.sqrt(HID)
    W1 = jax.random.uniform(k3, (IN_CH, HID), dtype=jnp.float32, minval=-s1, maxval=s1)
    b1 = jax.random.uniform(k4, (HID,), dtype=jnp.float32, minval=-s1, maxval=s1)
    W2 = jax.random.uniform(k5, (HID, OUT_CH), dtype=jnp.float32, minval=-s2, maxval=s2)
    b2 = jax.random.uniform(k6, (OUT_CH,), dtype=jnp.float32, minval=-s2, maxval=s2)
    return {"x": x, "edge_index": edge_index, "W1": W1, "b1": b1, "W2": W2, "b2": b2}


def reference(x, edge_index, W1, b1, W2, b2):
    h = gcn_conv(x, edge_index, W1, b1)
    h = jax.nn.relu(h)
    out = gcn_conv(h, edge_index, W2, b2)
    return out

if __name__ == "__main__":
    import jax
    _d = setup_inputs()
    print(jax.jit(kernel)(*tuple(_d.values())))

</pallas_src>

<mosaic_0001>
#map = affine_map<(d0, d1) -> (0, 0)>
#map1 = affine_map<(d0, d1) -> (0)>
module attributes {stable_mosaic.version = 14 : i64} {
  func.func @agg_kernel(%arg0: i32, %arg1: i32, %arg2: memref<10000x128xf32, #tpu.memory_space<hbm>>, %arg3: memref<640000xi32, #tpu.memory_space<hbm>>, %arg4: memref<20000x128xf32, #tpu.memory_space<hbm>>, %arg5: memref<256xi32, #tpu.memory_space<vmem>>, %arg6: memref<128xi32, #tpu.memory_space<vmem>>, %arg7: memref<128xi32, #tpu.memory_space<vmem>>, %arg8: memref<128x128xf32, #tpu.memory_space<vmem>>, %arg9: memref<!tpu.dma_semaphore, #tpu.memory_space<semaphore_mem>>, %arg10: memref<10000x128xf32, #tpu.memory_space<vmem_shared>>) attributes {dimension_semantics = [#tpu.dimension_semantics<core_parallel>, #tpu.dimension_semantics<subcore_parallel>], iteration_bounds = array<i64: 2, 16>, scalar_prefetch = 0 : i64, scratch_operands = 6 : i64, tpu.core_type = #tpu.core_type<sc_vector_subcore>, window_params = [{transform_indices = #map}, {transform_indices = #map1}, {transform_indices = #map}]} {
    %scan3A = arith.constant 0 : i32
    %scan3A_0 = arith.constant 0 : i32
    %scan3A_1 = arith.constant 1024 : i32
    %scan3A_2 = arith.addi %scan3A_0, %scan3A_1 : i32
    %scan3A_3 = arith.constant 1 : i32
    scf.for %scan3A_56 = %scan3A_0 to %scan3A_2 step %scan3A_3  : i32 {
      %jit3A = arith.constant 8 : i32
      %div3A = arith.divsi %scan3A_56, %jit3A : i32
      %sign3A = arith.constant 0 : i32
      %sign3A_57 = arith.cmpi sgt, %scan3A_56, %sign3A : i32
      %sign3A_58 = arith.extui %sign3A_57 : i1 to i32
      %sign3A_59 = arith.constant 0 : i32
      %sign3A_60 = arith.cmpi slt, %scan3A_56, %sign3A_59 : i32
      %sign3A_61 = arith.extui %sign3A_60 : i1 to i32
      %sign3A_62 = arith.subi %sign3A_58, %sign3A_61 : i32
      %sign3A_63 = arith.constant 0 : i32
      %sign3A_64 = arith.cmpi sgt, %jit3A, %sign3A_63 : i32
      %sign3A_65 = arith.extui %sign3A_64 : i1 to i32
      %sign3A_66 = arith.constant 0 : i32
      %sign3A_67 = arith.cmpi slt, %jit3A, %sign3A_66 : i32
      %sign3A_68 = arith.extui %sign3A_67 : i1 to i32
      %sign3A_69 = arith.subi %sign3A_65, %sign3A_68 : i32
      %ne3A = arith.cmpi ne, %sign3A_62, %sign3A_69 : i32
      %rem3A = arith.remsi %scan3A_56, %jit3A : i32
      %ne3A_70 = arith.constant 0 : i32
      %ne3A_71 = arith.cmpi ne, %rem3A, %ne3A_70 : i32
      %and3A = arith.andi %ne3A, %ne3A_71 : i1
      %sub3A = arith.constant 1 : i32
      %sub3A_72 = arith.subi %div3A, %sub3A : i32
      %select_n3A = arith.select %and3A, %sub3A_72, %div3A : i32
      %jit3A_73 = arith.constant 8 : i32
      %eq3A_74 = arith.constant 0 : i32
      %eq3A_75 = arith.cmpi eq, %jit3A_73, %eq3A_74 : i32
      %jit3A_76 = arith.constant 1 : i32
      %select_n3A_77 = arith.select %eq3A_75, %jit3A_76, %jit3A_73 : i32
      %rem3A_78 = arith.remsi %scan3A_56, %select_n3A_77 : i32
      %ne3A_79 = arith.constant 0 : i32
      %ne3A_80 = arith.cmpi ne, %rem3A_78, %ne3A_79 : i32
      %lt3A = arith.constant 0 : i32
      %lt3A_81 = arith.cmpi slt, %rem3A_78, %lt3A : i32
      %lt3A_82 = arith.constant 0 : i32
      %lt3A_83 = arith.cmpi slt, %select_n3A_77, %lt3A_82 : i32
      %ne3A_84 = arith.xori %lt3A_81, %lt3A_83 : i1
      %and3A_85 = arith.andi %ne3A_84, %ne3A_80 : i1
      %add3A_86 = arith.addi %rem3A_78, %select_n3A_77 : i32
      %select_n3A_87 = arith.select %and3A_85, %add3A_86, %rem3A_78 : i32
      %broadcast_in_dim3A = arith.constant 0.000000e+00 : f32
      %broadcast_in_dim3A_88 = vector.broadcast %broadcast_in_dim3A : f32 to vector<16xf32>
      %mul3A_89 = arith.constant 16 : i32
      %mul3A_90 = arith.muli %select_n3A_87, %mul3A_89 : i32
      %swap3A = arith.index_cast %select_n3A : i32 to index
      %swap3A_91 = arith.index_cast %mul3A_90 : i32 to index
      %swap3A_92 = tpu.vector_load %arg8[%swap3A, %swap3A_91] {strides = array<i32>} : memref<128x128xf32, #tpu.memory_space<vmem>>, vector<1x16xf32>,
      %swap3A_93 = vector.shape_cast %swap3A_92 : vector<1x16xf32> to vector<16xf32>
      %swap3A_94 = vector.shape_cast %broadcast_in_dim3A_88 : vector<16xf32> to vector<1x16xf32>
      tpu.vector_store %arg8[%swap3A, %swap3A_91], %swap3A_94 {strides = array<i32>} : memref<128x128xf32, #tpu.memory_space<vmem>>, vector<1x16xf32>,
    }
    %scan3A_4 = arith.constant 1024 : i32
    %mul3A = arith.constant 624 : i32
    %mul3A_5 = arith.muli %arg1, %mul3A : i32
    %multiple_of3A = tpu.assume_multiple %mul3A_5, 8 : i32
    %add3A = arith.constant 0 : i32
    %add3A_6 = arith.addi %multiple_of3A, %add3A : i32
    "tpu.region"() ({
      %run_scoped3A = tpu.sem_alloc : memref<!tpu.dma_semaphore, #tpu.memory_space<semaphore_mem>>
      %dma_start3A = arith.constant 0 : i32
      %dma_start3A_56 = arith.constant 0 : i32
      %dma_start3A_57 = tpu.memref_slice %arg8[%dma_start3A, %dma_start3A_56] : memref<128x128xf32, #tpu.memory_space<vmem>> -> memref<128x128xf32, #tpu.memory_space<vmem>>
      %dma_start3A_58 = arith.constant 0 : i32
      %dma_start3A_59 = tpu.memref_slice %arg10[%add3A_6, %dma_start3A_58] : memref<10000x128xf32, #tpu.memory_space<vmem_shared>> -> memref<128x128xf32, #tpu.memory_space<vmem_shared>>
      %dma_start3A_60 = arith.constant 0 : i32
      %dma_start3A_61 = tpu.memref_slice %arg10[%add3A_6, %dma_start3A_60] : memref<10000x128xf32, #tpu.memory_space<vmem_shared>> -> memref<128x128xf32, #tpu.memory_space<vmem_shared>>
      %dma_start3A_62 = arith.constant 0 : i32
      %dma_start3A_63 = arith.constant 0 : i32
      %dma_start3A_64 = tpu.memref_slice %arg8[%dma_start3A_62, %dma_start3A_63] : memref<128x128xf32, #tpu.memory_space<vmem>> -> memref<128x128xf32, #tpu.memory_space<vmem>>
      tpu.enqueue_dma source(%dma_start3A_64 : memref<128x128xf32, #tpu.memory_space<vmem>>) target(%dma_start3A_61 : memref<128x128xf32, #tpu.memory_space<vmem_shared>>) target_semaphore(%run_scoped3A : memref<!tpu.dma_semaphore, #tpu.memory_space<semaphore_mem>>)
      %dma_wait3A = arith.constant 0 : i32
      %dma_wait3A_65 = arith.constant 0 : i32
      %dma_wait3A_66 = tpu.memref_slice %arg8[%dma_wait3A, %dma_wait3A_65] : memref<128x128xf32, #tpu.memory_space<vmem>> -> memref<128x128xf32, #tpu.memory_space<vmem>>
      %dma_wait3A_67 = arith.constant 0 : i32
      %dma_wait3A_68 = tpu.memref_slice %arg10[%add3A_6, %dma_wait3A_67] : memref<10000x128xf32, #tpu.memory_space<vmem_shared>> -> memref<128x128xf32, #tpu.memory_space<vmem_shared>>
      %dma_wait3A_69 = arith.constant 0 : i32
      %dma_wait3A_70 = tpu.memref_slice %arg10[%add3A_6, %dma_wait3A_69] : memref<10000x128xf32, #tpu.memory_space<vmem_shared>> -> memref<128x128xf32, #tpu.memory_space<vmem_shared>>
      %dma_wait3A_71 = arith.constant 0 : i32
      %dma_wait3A_72 = arith.constant 0 : i32
      %dma_wait3A_73 = tpu.memref_slice %arg8[%dma_wait3A_71, %dma_wait3A_72] : memref<128x128xf32, #tpu.memory_space<vmem>> -> memref<128x128xf32, #tpu.memory_space<vmem>>
      tpu.wait_dma2 semaphore(%run_scoped3A : memref<!tpu.dma_semaphore, #tpu.memory_space<semaphore_mem>>) src(%dma_wait3A_73 : memref<128x128xf32, #tpu.memory_space<vmem>>) dst(%dma_wait3A_70 : memref<128x128xf32, #tpu.memory_space<vmem_shared>>)
      tpu.yield
    }) : () -> ()
    %add3A_7 = arith.constant 128 : i32
    %add3A_8 = arith.addi %multiple_of3A, %add3A_7 : i32
    "tpu.region"() ({
      %run_scoped3A = tpu.sem_alloc : memref<!tpu.dma_semaphore, #tpu.memory_space<semaphore_mem>>
      %dma_start3A = arith.constant 0 : i32
      %dma_start3A_56 = arith.constant 0 : i32
      %dma_start3A_57 = tpu.memref_slice %arg8[%dma_start3A, %dma_start3A_56] : memref<128x128xf32, #tpu.memory_space<vmem>> -> memref<128x128xf32, #tpu.memory_space<vmem>>
      %dma_start3A_58 = arith.constant 0 : i32
      %dma_start3A_59 = tpu.memref_slice %arg10[%add3A_8, %dma_start3A_58] : memref<10000x128xf32, #tpu.memory_space<vmem_shared>> -> memref<128x128xf32, #tpu.memory_space<vmem_shared>>
      %dma_start3A_60 = arith.constant 0 : i32
      %dma_start3A_61 = tpu.memref_slice %arg10[%add3A_8, %dma_start3A_60] : memref<10000x128xf32, #tpu.memory_space<vmem_shared>> -> memref<128x128xf32, #tpu.memory_space<vmem_shared>>
      %dma_start3A_62 = arith.constant 0 : i32
      %dma_start3A_63 = arith.constant 0 : i32
      %dma_start3A_64 = tpu.memref_slice %arg8[%dma_start3A_62, %dma_start3A_63] : memref<128x128xf32, #tpu.memory_space<vmem>> -> memref<128x128xf32, #tpu.memory_space<vmem>>
      tpu.enqueue_dma source(%dma_start3A_64 : memref<128x128xf32, #tpu.memory_space<vmem>>) target(%dma_start3A_61 : memref<128x128xf32, #tpu.memory_space<vmem_shared>>) target_semaphore(%run_scoped3A : memref<!tpu.dma_semaphore, #tpu.memory_space<semaphore_mem>>)
      %dma_wait3A = arith.constant 0 : i32
      %dma_wait3A_65 = arith.constant 0 : i32
      %dma_wait3A_66 = tpu.memref_slice %arg8[%dma_wait3A, %dma_wait3A_65] : memref<128x128xf32, #tpu.memory_space<vmem>> -> memref<128x128xf32, #tpu.memory_space<vmem>>
      %dma_wait3A_67 = arith.constant 0 : i32
      %dma_wait3A_68 = tpu.memref_slice %arg10[%add3A_8, %dma_wait3A_67] : memref<10000x128xf32, #tpu.memory_space<vmem_shared>> -> memref<128x128xf32, #tpu.memory_space<vmem_shared>>
      %dma_wait3A_69 = arith.constant 0 : i32
      %dma_wait3A_70 = tpu.memref_slice %arg10[%add3A_8, %dma_wait3A_69] : memref<10000x128xf32, #tpu.memory_space<vmem_shared>> -> memref<128x128xf32, #tpu.memory_space<vmem_shared>>
      %dma_wait3A_71 = arith.constant 0 : i32
      %dma_wait3A_72 = arith.constant 0 : i32
      %dma_wait3A_73 = tpu.memref_slice %arg8[%dma_wait3A_71, %dma_wait3A_72] : memref<128x128xf32, #tpu.memory_space<vmem>> -> memref<128x128xf32, #tpu.memory_space<vmem>>
      tpu.wait_dma2 semaphore(%run_scoped3A : memref<!tpu.dma_semaphore, #tpu.memory_space<semaphore_mem>>) src(%dma_wait3A_73 : memref<128x128xf32, #tpu.memory_space<vmem>>) dst(%dma_wait3A_70 : memref<128x128xf32, #tpu.memory_space<vmem_shared>>)
      tpu.yield
    }) : () -> ()
    %add3A_9 = arith.constant 256 : i32
    %add3A_10 = arith.addi %multiple_of3A, %add3A_9 : i32
    "tpu.region"() ({
      %run_scoped3A = tpu.sem_alloc : memref<!tpu.dma_semaphore, #tpu.memory_space<semaphore_mem>>
      %dma_start3A = arith.constant 0 : i32
      %dma_start3A_56 = arith.constant 0 : i32
      %dma_start3A_57 = tpu.memref_slice %arg8[%dma_start3A, %dma_start3A_56] : memref<128x128xf32, #tpu.memory_space<vmem>> -> memref<128x128xf32, #tpu.memory_space<vmem>>
      %dma_start3A_58 = arith.constant 0 : i32
      %dma_start3A_59 = tpu.memref_slice %arg10[%add3A_10, %dma_start3A_58] : memref<10000x128xf32, #tpu.memory_space<vmem_shared>> -> memref<128x128xf32, #tpu.memory_space<vmem_shared>>
      %dma_start3A_60 = arith.constant 0 : i32
      %dma_start3A_61 = tpu.memref_slice %arg10[%add3A_10, %dma_start3A_60] : memref<10000x128xf32, #tpu.memory_space<vmem_shared>> -> memref<128x128xf32, #tpu.memory_space<vmem_shared>>
      %dma_start3A_62 = arith.constant 0 : i32
      %dma_start3A_63 = arith.constant 0 : i32
      %dma_start3A_64 = tpu.memref_slice %arg8[%dma_start3A_62, %dma_start3A_63] : memref<128x128xf32, #tpu.memory_space<vmem>> -> memref<128x128xf32, #tpu.memory_space<vmem>>
      tpu.enqueue_dma source(%dma_start3A_64 : memref<128x128xf32, #tpu.memory_space<vmem>>) target(%dma_start3A_61 : memref<128x128xf32, #tpu.memory_space<vmem_shared>>) target_semaphore(%run_scoped3A : memref<!tpu.dma_semaphore, #tpu.memory_space<semaphore_mem>>)
      %dma_wait3A = arith.constant 0 : i32
      %dma_wait3A_65 = arith.constant 0 : i32
      %dma_wait3A_66 = tpu.memref_slice %arg8[%dma_wait3A, %dma_wait3A_65] : memref<128x128xf32, #tpu.memory_space<vmem>> -> memref<128x128xf32, #tpu.memory_space<vmem>>
      %dma_wait3A_67 = arith.constant 0 : i32
      %dma_wait3A_68 = tpu.memref_slice %arg10[%add3A_10, %dma_wait3A_67] : memref<10000x128xf32, #tpu.memory_space<vmem_shared>> -> memref<128x128xf32, #tpu.memory_space<vmem_shared>>
      %dma_wait3A_69 = arith.constant 0 : i32
      %dma_wait3A_70 = tpu.memref_slice %arg10[%add3A_10, %dma_wait3A_69] : memref<10000x128xf32, #tpu.memory_space<vmem_shared>> -> memref<128x128xf32, #tpu.memory_space<vmem_shared>>
      %dma_wait3A_71 = arith.constant 0 : i32
      %dma_wait3A_72 = arith.constant 0 : i32
      %dma_wait3A_73 = tpu.memref_slice %arg8[%dma_wait3A_71, %dma_wait3A_72] : memref<128x128xf32, #tpu.memory_space<vmem>> -> memref<128x128xf32, #tpu.memory_space<vmem>>
      tpu.wait_dma2 semaphore(%run_scoped3A : memref<!tpu.dma_semaphore, #tpu.memory_space<semaphore_mem>>) src(%dma_wait3A_73 : memref<128x128xf32, #tpu.memory_space<vmem>>) dst(%dma_wait3A_70 : memref<128x128xf32, #tpu.memory_space<vmem_shared>>)
      tpu.yield
    }) : () -> ()
    %add3A_11 = arith.constant 384 : i32
    %add3A_12 = arith.addi %multiple_of3A, %add3A_11 : i32
    "tpu.region"() ({
      %run_scoped3A = tpu.sem_alloc : memref<!tpu.dma_semaphore, #tpu.memory_space<semaphore_mem>>
      %dma_start3A = arith.constant 0 : i32
      %dma_start3A_56 = arith.constant 0 : i32
      %dma_start3A_57 = tpu.memref_slice %arg8[%dma_start3A, %dma_start3A_56] : memref<128x128xf32, #tpu.memory_space<vmem>> -> memref<128x128xf32, #tpu.memory_space<vmem>>
      %dma_start3A_58 = arith.constant 0 : i32
      %dma_start3A_59 = tpu.memref_slice %arg10[%add3A_12, %dma_start3A_58] : memref<10000x128xf32, #tpu.memory_space<vmem_shared>> -> memref<128x128xf32, #tpu.memory_space<vmem_shared>>
      %dma_start3A_60 = arith.constant 0 : i32
      %dma_start3A_61 = tpu.memref_slice %arg10[%add3A_12, %dma_start3A_60] : memref<10000x128xf32, #tpu.memory_space<vmem_shared>> -> memref<128x128xf32, #tpu.memory_space<vmem_shared>>
      %dma_start3A_62 = arith.constant 0 : i32
      %dma_start3A_63 = arith.constant 0 : i32
      %dma_start3A_64 = tpu.memref_slice %arg8[%dma_start3A_62, %dma_start3A_63] : memref<128x128xf32, #tpu.memory_space<vmem>> -> memref<128x128xf32, #tpu.memory_space<vmem>>
      tpu.enqueue_dma source(%dma_start3A_64 : memref<128x128xf32, #tpu.memory_space<vmem>>) target(%dma_start3A_61 : memref<128x128xf32, #tpu.memory_space<vmem_shared>>) target_semaphore(%run_scoped3A : memref<!tpu.dma_semaphore, #tpu.memory_space<semaphore_mem>>)
      %dma_wait3A = arith.constant 0 : i32
      %dma_wait3A_65 = arith.constant 0 : i32
      %dma_wait3A_66 = tpu.memref_slice %arg8[%dma_wait3A, %dma_wait3A_65] : memref<128x128xf32, #tpu.memory_space<vmem>> -> memref<128x128xf32, #tpu.memory_space<vmem>>
      %dma_wait3A_67 = arith.constant 0 : i32
      %dma_wait3A_68 = tpu.memref_slice %arg10[%add3A_12, %dma_wait3A_67] : memref<10000x128xf32, #tpu.memory_space<vmem_shared>> -> memref<128x128xf32, #tpu.memory_space<vmem_shared>>
      %dma_wait3A_69 = arith.constant 0 : i32
      %dma_wait3A_70 = tpu.memref_slice %arg10[%add3A_12, %dma_wait3A_69] : memref<10000x128xf32, #tpu.memory_space<vmem_shared>> -> memref<128x128xf32, #tpu.memory_space<vmem_shared>>
      %dma_wait3A_71 = arith.constant 0 : i32
      %dma_wait3A_72 = arith.constant 0 : i32
      %dma_wait3A_73 = tpu.memref_slice %arg8[%dma_wait3A_71, %dma_wait3A_72] : memref<128x128xf32, #tpu.memory_space<vmem>> -> memref<128x128xf32, #tpu.memory_space<vmem>>
      tpu.wait_dma2 semaphore(%run_scoped3A : memref<!tpu.dma_semaphore, #tpu.memory_space<semaphore_mem>>) src(%dma_wait3A_73 : memref<128x128xf32, #tpu.memory_space<vmem>>) dst(%dma_wait3A_70 : memref<128x128xf32, #tpu.memory_space<vmem_shared>>)
      tpu.yield
    }) : () -> ()
    %add3A_13 = arith.constant 512 : i32
    %add3A_14 = arith.addi %multiple_of3A, %add3A_13 : i32
    "tpu.region"() ({
      %run_scoped3A = tpu.sem_alloc : memref<!tpu.dma_semaphore, #tpu.memory_space<semaphore_mem>>
      %dma_start3A = arith.constant 0 : i32
      %dma_start3A_56 = arith.constant 0 : i32
      %dma_start3A_57 = tpu.memref_slice %arg8[%dma_start3A, %dma_start3A_56] : memref<128x128xf32, #tpu.memory_space<vmem>> -> memref<112x128xf32, #tpu.memory_space<vmem>>
      %dma_start3A_58 = arith.constant 0 : i32
      %dma_start3A_59 = tpu.memref_slice %arg10[%add3A_14, %dma_start3A_58] : memref<10000x128xf32, #tpu.memory_space<vmem_shared>> -> memref<112x128xf32, #tpu.memory_space<vmem_shared>>
      %dma_start3A_60 = arith.constant 0 : i32
      %dma_start3A_61 = tpu.memref_slice %arg10[%add3A_14, %dma_start3A_60] : memref<10000x128xf32, #tpu.memory_space<vmem_shared>> -> memref<112x128xf32, #tpu.memory_space<vmem_shared>>
      %dma_start3A_62 = arith.constant 0 : i32
      %dma_start3A_63 = arith.constant 0 : i32
      %dma_start3A_64 = tpu.memref_slice %arg8[%dma_start3A_62, %dma_start3A_63] : memref<128x128xf32, #tpu.memory_space<vmem>> -> memref<112x128xf32, #tpu.memory_space<vmem>>
      tpu.enqueue_dma source(%dma_start3A_64 : memref<112x128xf32, #tpu.memory_space<vmem>>) target(%dma_start3A_61 : memref<112x128xf32, #tpu.memory_space<vmem_shared>>) target_semaphore(%run_scoped3A : memref<!tpu.dma_semaphore, #tpu.memory_space<semaphore_mem>>)
      %dma_wait3A = arith.constant 0 : i32
      %dma_wait3A_65 = arith.constant 0 : i32
      %dma_wait3A_66 = tpu.memref_slice %arg8[%dma_wait3A, %dma_wait3A_65] : memref<128x128xf32, #tpu.memory_space<vmem>> -> memref<112x128xf32, #tpu.memory_space<vmem>>
      %dma_wait3A_67 = arith.constant 0 : i32
      %dma_wait3A_68 = tpu.memref_slice %arg10[%add3A_14, %dma_wait3A_67] : memref<10000x128xf32, #tpu.memory_space<vmem_shared>> -> memref<112x128xf32, #tpu.memory_space<vmem_shared>>
      %dma_wait3A_69 = arith.constant 0 : i32
      %dma_wait3A_70 = tpu.memref_slice %arg10[%add3A_14, %dma_wait3A_69] : memref<10000x128xf32, #tpu.memory_space<vmem_shared>> -> memref<112x128xf32, #tpu.memory_space<vmem_shared>>
      %dma_wait3A_71 = arith.constant 0 : i32
      %dma_wait3A_72 = arith.constant 0 : i32
      %dma_wait3A_73 = tpu.memref_slice %arg8[%dma_wait3A_71, %dma_wait3A_72] : memref<128x128xf32, #tpu.memory_space<vmem>> -> memref<112x128xf32, #tpu.memory_space<vmem>>
      tpu.wait_dma2 semaphore(%run_scoped3A : memref<!tpu.dma_semaphore, #tpu.memory_space<semaphore_mem>>) src(%dma_wait3A_73 : memref<112x128xf32, #tpu.memory_space<vmem>>) dst(%dma_wait3A_70 : memref<112x128xf32, #tpu.memory_space<vmem_shared>>)
      tpu.yield
    }) : () -> ()
    %eq3A = arith.constant 0 : i32
    %eq3A_15 = arith.cmpi eq, %arg1, %eq3A : i32
    %convert_element_type3A = arith.extui %eq3A_15 : i1 to i32
    %cond3A = arith.constant 0 : i32
    %cond3A_16 = arith.cmpi ne, %convert_element_type3A, %cond3A : i32
    scf.if %cond3A_16 {
      "tpu.region"() ({
        %run_scoped3A = tpu.sem_alloc : memref<!tpu.dma_semaphore, #tpu.memory_space<semaphore_mem>>
        %dma_start3A = arith.constant 0 : i32
        %dma_start3A_56 = arith.constant 0 : i32
        %dma_start3A_57 = tpu.memref_slice %arg8[%dma_start3A, %dma_start3A_56] : memref<128x128xf32, #tpu.memory_space<vmem>> -> memref<16x128xf32, #tpu.memory_space<vmem>>
        %dma_start3A_58 = arith.constant 9984 : i32
        %dma_start3A_59 = arith.constant 0 : i32
        %dma_start3A_60 = tpu.memref_slice %arg10[%dma_start3A_58, %dma_start3A_59] : memref<10000x128xf32, #tpu.memory_space<vmem_shared>> -> memref<16x128xf32, #tpu.memory_space<vmem_shared>>
        %dma_start3A_61 = arith.constant 9984 : i32
        %dma_start3A_62 = arith.constant 0 : i32
        %dma_start3A_63 = tpu.memref_slice %arg10[%dma_start3A_61, %dma_start3A_62] : memref<10000x128xf32, #tpu.memory_space<vmem_shared>> -> memref<16x128xf32, #tpu.memory_space<vmem_shared>>
        %dma_start3A_64 = arith.constant 0 : i32
        %dma_start3A_65 = arith.constant 0 : i32
        %dma_start3A_66 = tpu.memref_slice %arg8[%dma_start3A_64, %dma_start3A_65] : memref<128x128xf32, #tpu.memory_space<vmem>> -> memref<16x128xf32, #tpu.memory_space<vmem>>
        tpu.enqueue_dma source(%dma_start3A_66 : memref<16x128xf32, #tpu.memory_space<vmem>>) target(%dma_start3A_63 : memref<16x128xf32, #tpu.memory_space<vmem_shared>>) target_semaphore(%run_scoped3A : memref<!tpu.dma_semaphore, #tpu.memory_space<semaphore_mem>>)
        %dma_wait3A = arith.constant 0 : i32
        %dma_wait3A_67 = arith.constant 0 : i32
        %dma_wait3A_68 = tpu.memref_slice %arg8[%dma_wait3A, %dma_wait3A_67] : memref<128x128xf32, #tpu.memory_space<vmem>> -> memref<16x128xf32, #tpu.memory_space<vmem>>
        %dma_wait3A_69 = arith.constant 9984 : i32
        %dma_wait3A_70 = arith.constant 0 : i32
        %dma_wait3A_71 = tpu.memref_slice %arg10[%dma_wait3A_69, %dma_wait3A_70] : memref<10000x128xf32, #tpu.memory_space<vmem_shared>> -> memref<16x128xf32, #tpu.memory_space<vmem_shared>>
        %dma_wait3A_72 = arith.constant 9984 : i32
        %dma_wait3A_73 = arith.constant 0 : i32
        %dma_wait3A_74 = tpu.memref_slice %arg10[%dma_wait3A_72, %dma_wait3A_73] : memref<10000x128xf32, #tpu.memory_space<vmem_shared>> -> memref<16x128xf32, #tpu.memory_space<vmem_shared>>
        %dma_wait3A_75 = arith.constant 0 : i32
        %dma_wait3A_76 = arith.constant 0 : i32
        %dma_wait3A_77 = tpu.memref_slice %arg8[%dma_wait3A_75, %dma_wait3A_76] : memref<128x128xf32, #tpu.memory_space<vmem>> -> memref<16x128xf32, #tpu.memory_space<vmem>>
        tpu.wait_dma2 semaphore(%run_scoped3A : memref<!tpu.dma_semaphore, #tpu.memory_space<semaphore_mem>>) src(%dma_wait3A_77 : memref<16x128xf32, #tpu.memory_space<vmem>>) dst(%dma_wait3A_74 : memref<16x128xf32, #tpu.memory_space<vmem_shared>>)
        tpu.yield
      }) : () -> ()
    } else {
    }
    %barrier3A = arith.constant 0 : index
    tpu.barrier barrier_id(%barrier3A)
    %scan3A_17 = arith.constant 0 : i32
    %scan3A_18 = arith.constant 0 : i32
    %scan3A_19 = arith.constant 79 : i32
    %scan3A_20 = arith.addi %scan3A_18, %scan3A_19 : i32
    %scan3A_21 = arith.constant 1 : i32
    scf.for %scan3A_56 = %scan3A_18 to %scan3A_20 step %scan3A_21  : i32 {
      %mul3A_57 = arith.constant 16 : i32
      %mul3A_58 = arith.muli %scan3A_56, %mul3A_57 : i32
      %add3A_59 = arith.addi %mul3A_58, %arg1 : i32
      %lt3A = arith.constant 1250 : i32
      %lt3A_60 = arith.cmpi slt, %add3A_59, %lt3A : i32
      %convert_element_type3A_61 = arith.extui %lt3A_60 : i1 to i32
      %cond3A_62 = arith.constant 0 : i32
      %cond3A_63 = arith.cmpi ne, %convert_element_type3A_61, %cond3A_62 : i32
      scf.if %cond3A_63 {
        %mul3A_64 = arith.constant 1250 : i32
        %mul3A_65 = arith.muli %arg0, %mul3A_64 : i32
        %add3A_66 = arith.addi %mul3A_65, %add3A_59 : i32
        %mul3A_67 = arith.constant 2 : i32
        %mul3A_68 = arith.muli %add3A_66, %mul3A_67 : i32
        %mul3A_69 = arith.constant 128 : i32
        %mul3A_70 = arith.muli %mul3A_68, %mul3A_69 : i32
        "tpu.region"() ({
          %run_scoped3A = tpu.sem_alloc : memref<!tpu.dma_semaphore, #tpu.memory_space<semaphore_mem>>
          %dma_start3A_209 = tpu.memref_slice %arg3[%mul3A_70] : memref<640000xi32, #tpu.memory_space<hbm>> -> memref<256xi32, #tpu.memory_space<hbm>>
          %dma_start3A_210 = tpu.memref_slice %arg3[%mul3A_70] : memref<640000xi32, #tpu.memory_space<hbm>> -> memref<256xi32, #tpu.memory_space<hbm>>
          tpu.enqueue_dma source(%dma_start3A_210 : memref<256xi32, #tpu.memory_space<hbm>>) target(%arg5 : memref<256xi32, #tpu.memory_space<vmem>>) target_semaphore(%run_scoped3A : memref<!tpu.dma_semaphore, #tpu.memory_space<semaphore_mem>>)
          %dma_wait3A_211 = tpu.memref_slice %arg3[%mul3A_70] : memref<640000xi32, #tpu.memory_space<hbm>> -> memref<256xi32, #tpu.memory_space<hbm>>
          %dma_wait3A_212 = tpu.memref_slice %arg3[%mul3A_70] : memref<640000xi32, #tpu.memory_space<hbm>> -> memref<256xi32, #tpu.memory_space<hbm>>
          tpu.wait_dma2 semaphore(%run_scoped3A : memref<!tpu.dma_semaphore, #tpu.memory_space<semaphore_mem>>) src(%dma_wait3A_212 : memref<256xi32, #tpu.memory_space<hbm>>) dst(%arg5 : memref<256xi32, #tpu.memory_space<vmem>>)
          tpu.yield
        }) : () -> ()
        %get3A = arith.constant 0 : index
        %get3A_71 = tpu.vector_load %arg5[%get3A] {strides = array<i32>} : memref<256xi32, #tpu.memory_space<vmem>>, vector<16xi32>,
        %get3A_72 = vector.shape_cast %get3A_71 : vector<16xi32> to vector<16xi32>
        %add3A_73 = arith.constant 0 : i32
        %add3A_74 = vector.broadcast %add3A_73 : i32 to vector<16xi32>
        %add3A_75 = arith.addi %get3A_72, %add3A_74 : vector<16xi32>
        %swap3A = arith.constant 0 : index
        %swap3A_76 = tpu.vector_load %arg6[%swap3A] {strides = array<i32>} : memref<128xi32, #tpu.memory_space<vmem>>, vector<16xi32>,
        %swap3A_77 = vector.shape_cast %swap3A_76 : vector<16xi32> to vector<16xi32>
        %swap3A_78 = vector.shape_cast %add3A_75 : vector<16xi32> to vector<16xi32>
        tpu.vector_store %arg6[%swap3A], %swap3A_78 {strides = array<i32>} : memref<128xi32, #tpu.memory_space<vmem>>, vector<16xi32>,
        %get3A_79 = arith.constant 128 : index
        %get3A_80 = tpu.vector_load %arg5[%get3A_79] {strides = array<i32>} : memref<256xi32, #tpu.memory_space<vmem>>, vector<16xi32>,
        %get3A_81 = vector.shape_cast %get3A_80 : vector<16xi32> to vector<16xi32>
        %swap3A_82 = arith.constant 0 : index
        %swap3A_83 = tpu.vector_load %arg7[%swap3A_82] {strides = array<i32>} : memref<128xi32, #tpu.memory_space<vmem>>, vector<16xi32>,
        %swap3A_84 = vector.shape_cast %swap3A_83 : vector<16xi32> to vector<16xi32>
        %swap3A_85 = vector.shape_cast %get3A_81 : vector<16xi32> to vector<16xi32>
        tpu.vector_store %arg7[%swap3A_82], %swap3A_85 {strides = array<i32>} : memref<128xi32, #tpu.memory_space<vmem>>, vector<16xi32>,
        %get3A_86 = arith.constant 16 : index
        %get3A_87 = tpu.vector_load %arg5[%get3A_86] {strides = array<i32>} : memref<256xi32, #tpu.memory_space<vmem>>, vector<16xi32>,
        %get3A_88 = vector.shape_cast %get3A_87 : vector<16xi32> to vector<16xi32>
        %add3A_89 = arith.constant 0 : i32
        %add3A_90 = vector.broadcast %add3A_89 : i32 to vector<16xi32>
        %add3A_91 = arith.addi %get3A_88, %add3A_90 : vector<16xi32>
        %swap3A_92 = arith.constant 16 : index
        %swap3A_93 = tpu.vector_load %arg6[%swap3A_92] {strides = array<i32>} : memref<128xi32, #tpu.memory_space<vmem>>, vector<16xi32>,
        %swap3A_94 = vector.shape_cast %swap3A_93 : vector<16xi32> to vector<16xi32>
        %swap3A_95 = vector.shape_cast %add3A_91 : vector<16xi32> to vector<16xi32>
        tpu.vector_store %arg6[%swap3A_92], %swap3A_95 {strides = array<i32>} : memref<128xi32, #tpu.memory_space<vmem>>, vector<16xi32>,
        %get3A_96 = arith.constant 144 : index
        %get3A_97 = tpu.vector_load %arg5[%get3A_96] {strides = array<i32>} : memref<256xi32, #tpu.memory_space<vmem>>, vector<16xi32>,
        %get3A_98 = vector.shape_cast %get3A_97 : vector<16xi32> to vector<16xi32>
        %swap3A_99 = arith.constant 16 : index
        %swap3A_100 = tpu.vector_load %arg7[%swap3A_99] {strides = array<i32>} : memref<128xi32, #tpu.memory_space<vmem>>, vector<16xi32>,
        %swap3A_101 = vector.shape_cast %swap3A_100 : vector<16xi32> to vector<16xi32>
        %swap3A_102 = vector.shape_cast %get3A_98 : vector<16xi32> to vector<16xi32>
        tpu.vector_store %arg7[%swap3A_99], %swap3A_102 {strides = array<i32>} : memref<128xi32, #tpu.memory_space<vmem>>, vector<16xi32>,
        %get3A_103 = arith.constant 32 : index
        %get3A_104 = tpu.vector_load %arg5[%get3A_103] {strides = array<i32>} : memref<256xi32, #tpu.memory_space<vmem>>, vector<16xi32>,
        %get3A_105 = vector.shape_cast %get3A_104 : vector<16xi32> to vector<16xi32>
        %add3A_106 = arith.constant 0 : i32
        %add3A_107 = vector.broadcast %add3A_106 : i32 to vector<16xi32>
        %add3A_108 = arith.addi %get3A_105, %add3A_107 : vector<16xi32>
        %swap3A_109 = arith.constant 32 : index
        %swap3A_110 = tpu.vector_load %arg6[%swap3A_109] {strides = array<i32>} : memref<128xi32, #tpu.memory_space<vmem>>, vector<16xi32>,
        %swap3A_111 = vector.shape_cast %swap3A_110 : vector<16xi32> to vector<16xi32>
        %swap3A_112 = vector.shape_cast %add3A_108 : vector<16xi32> to vector<16xi32>
        tpu.vector_store %arg6[%swap3A_109], %swap3A_112 {strides = array<i32>} : memref<128xi32, #tpu.memory_space<vmem>>, vector<16xi32>,
        %get3A_113 = arith.constant 160 : index
        %get3A_114 = tpu.vector_load %arg5[%get3A_113] {strides = array<i32>} : memref<256xi32, #tpu.memory_space<vmem>>, vector<16xi32>,
        %get3A_115 = vector.shape_cast %get3A_114 : vector<16xi32> to vector<16xi32>
        %swap3A_116 = arith.constant 32 : index
        %swap3A_117 = tpu.vector_load %arg7[%swap3A_116] {strides = array<i32>} : memref<128xi32, #tpu.memory_space<vmem>>, vector<16xi32>,
        %swap3A_118 = vector.shape_cast %swap3A_117 : vector<16xi32> to vector<16xi32>
        %swap3A_119 = vector.shape_cast %get3A_115 : vector<16xi32> to vector<16xi32>
        tpu.vector_store %arg7[%swap3A_116], %swap3A_119 {strides = array<i32>} : memref<128xi32, #tpu.memory_space<vmem>>, vector<16xi32>,
        %get3A_120 = arith.constant 48 : index
        %get3A_121 = tpu.vector_load %arg5[%get3A_120] {strides = array<i32>} : memref<256xi32, #tpu.memory_space<vmem>>, vector<16xi32>,
        %get3A_122 = vector.shape_cast %get3A_121 : vector<16xi32> to vector<16xi32>
        %add3A_123 = arith.constant 0 : i32
        %add3A_124 = vector.broadcast %add3A_123 : i32 to vector<16xi32>
        %add3A_125 = arith.addi %get3A_122, %add3A_124 : vector<16xi32>
        %swap3A_126 = arith.constant 48 : index
        %swap3A_127 = tpu.vector_load %arg6[%swap3A_126] {strides = array<i32>} : memref<128xi32, #tpu.memory_space<vmem>>, vector<16xi32>,
        %swap3A_128 = vector.shape_cast %swap3A_127 : vector<16xi32> to vector<16xi32>
        %swap3A_129 = vector.shape_cast %add3A_125 : vector<16xi32> to vector<16xi32>
        tpu.vector_store %arg6[%swap3A_126], %swap3A_129 {strides = array<i32>} : memref<128xi32, #tpu.memory_space<vmem>>, vector<16xi32>,
        %get3A_130 = arith.constant 176 : index
        %get3A_131 = tpu.vector_load %arg5[%get3A_130] {strides = array<i32>} : memref<256xi32, #tpu.memory_space<vmem>>, vector<16xi32>,
        %get3A_132 = vector.shape_cast %get3A_131 : vector<16xi32> to vector<16xi32>
        %swap3A_133 = arith.constant 48 : index
        %swap3A_134 = tpu.vector_load %arg7[%swap3A_133] {strides = array<i32>} : memref<128xi32, #tpu.memory_space<vmem>>, vector<16xi32>,
        %swap3A_135 = vector.shape_cast %swap3A_134 : vector<16xi32> to vector<16xi32>
        %swap3A_136 = vector.shape_cast %get3A_132 : vector<16xi32> to vector<16xi32>
        tpu.vector_store %arg7[%swap3A_133], %swap3A_136 {strides = array<i32>} : memref<128xi32, #tpu.memory_space<vmem>>, vector<16xi32>,
        %get3A_137 = arith.constant 64 : index
        %get3A_138 = tpu.vector_load %arg5[%get3A_137] {strides = array<i32>} : memref<256xi32, #tpu.memory_space<vmem>>, vector<16xi32>,
        %get3A_139 = vector.shape_cast %get3A_138 : vector<16xi32> to vector<16xi32>
        %add3A_140 = arith.constant 0 : i32
        %add3A_141 = vector.broadcast %add3A_140 : i32 to vector<16xi32>
        %add3A_142 = arith.addi %get3A_139, %add3A_141 : vector<16xi32>
        %swap3A_143 = arith.constant 64 : index
        %swap3A_144 = tpu.vector_load %arg6[%swap3A_143] {strides = array<i32>} : memref<128xi32, #tpu.memory_space<vmem>>, vector<16xi32>,
        %swap3A_145 = vector.shape_cast %swap3A_144 : vector<16xi32> to vector<16xi32>
        %swap3A_146 = vector.shape_cast %add3A_142 : vector<16xi32> to vector<16xi32>
        tpu.vector_store %arg6[%swap3A_143], %swap3A_146 {strides = array<i32>} : memref<128xi32, #tpu.memory_space<vmem>>, vector<16xi32>,
        %get3A_147 = arith.constant 192 : index
        %get3A_148 = tpu.vector_load %arg5[%get3A_147] {strides = array<i32>} : memref<256xi32, #tpu.memory_space<vmem>>, vector<16xi32>,
        %get3A_149 = vector.shape_cast %get3A_148 : vector<16xi32> to vector<16xi32>
        %swap3A_150 = arith.constant 64 : index
        %swap3A_151 = tpu.vector_load %arg7[%swap3A_150] {strides = array<i32>} : memref<128xi32, #tpu.memory_space<vmem>>, vector<16xi32>,
        %swap3A_152 = vector.shape_cast %swap3A_151 : vector<16xi32> to vector<16xi32>
        %swap3A_153 = vector.shape_cast %get3A_149 : vector<16xi32> to vector<16xi32>
        tpu.vector_store %arg7[%swap3A_150], %swap3A_153 {strides = array<i32>} : memref<128xi32, #tpu.memory_space<vmem>>, vector<16xi32>,
        %get3A_154 = arith.constant 80 : index
        %get3A_155 = tpu.vector_load %arg5[%get3A_154] {strides = array<i32>} : memref<256xi32, #tpu.memory_space<vmem>>, vector<16xi32>,
        %get3A_156 = vector.shape_cast %get3A_155 : vector<16xi32> to vector<16xi32>
        %add3A_157 = arith.constant 0 : i32
        %add3A_158 = vector.broadcast %add3A_157 : i32 to vector<16xi32>
        %add3A_159 = arith.addi %get3A_156, %add3A_158 : vector<16xi32>
        %swap3A_160 = arith.constant 80 : index
        %swap3A_161 = tpu.vector_load %arg6[%swap3A_160] {strides = array<i32>} : memref<128xi32, #tpu.memory_space<vmem>>, vector<16xi32>,
        %swap3A_162 = vector.shape_cast %swap3A_161 : vector<16xi32> to vector<16xi32>
        %swap3A_163 = vector.shape_cast %add3A_159 : vector<16xi32> to vector<16xi32>
        tpu.vector_store %arg6[%swap3A_160], %swap3A_163 {strides = array<i32>} : memref<128xi32, #tpu.memory_space<vmem>>, vector<16xi32>,
        %get3A_164 = arith.constant 208 : index
        %get3A_165 = tpu.vector_load %arg5[%get3A_164] {strides = array<i32>} : memref<256xi32, #tpu.memory_space<vmem>>, vector<16xi32>,
        %get3A_166 = vector.shape_cast %get3A_165 : vector<16xi32> to vector<16xi32>
        %swap3A_167 = arith.constant 80 : index
        %swap3A_168 = tpu.vector_load %arg7[%swap3A_167] {strides = array<i32>} : memref<128xi32, #tpu.memory_space<vmem>>, vector<16xi32>,
        %swap3A_169 = vector.shape_cast %swap3A_168 : vector<16xi32> to vector<16xi32>
        %swap3A_170 = vector.shape_cast %get3A_166 : vector<16xi32> to vector<16xi32>
        tpu.vector_store %arg7[%swap3A_167], %swap3A_170 {strides = array<i32>} : memref<128xi32, #tpu.memory_space<vmem>>, vector<16xi32>,
        %get3A_171 = arith.constant 96 : index
        %get3A_172 = tpu.vector_load %arg5[%get3A_171] {strides = array<i32>} : memref<256xi32, #tpu.memory_space<vmem>>, vector<16xi32>,
        %get3A_173 = vector.shape_cast %get3A_172 : vector<16xi32> to vector<16xi32>
        %add3A_174 = arith.constant 0 : i32
        %add3A_175 = vector.broadcast %add3A_174 : i32 to vector<16xi32>
        %add3A_176 = arith.addi %get3A_173, %add3A_175 : vector<16xi32>
        %swap3A_177 = arith.constant 96 : index
        %swap3A_178 = tpu.vector_load %arg6[%swap3A_177] {strides = array<i32>} : memref<128xi32, #tpu.memory_space<vmem>>, vector<16xi32>,
        %swap3A_179 = vector.shape_cast %swap3A_178 : vector<16xi32> to vector<16xi32>
        %swap3A_180 = vector.shape_cast %add3A_176 : vector<16xi32> to vector<16xi32>
        tpu.vector_store %arg6[%swap3A_177], %swap3A_180 {strides = array<i32>} : memref<128xi32, #tpu.memory_space<vmem>>, vector<16xi32>,
        %get3A_181 = arith.constant 224 : index
        %get3A_182 = tpu.vector_load %arg5[%get3A_181] {strides = array<i32>} : memref<256xi32, #tpu.memory_space<vmem>>, vector<16xi32>,
        %get3A_183 = vector.shape_cast %get3A_182 : vector<16xi32> to vector<16xi32>
        %swap3A_184 = arith.constant 96 : index
        %swap3A_185 = tpu.vector_load %arg7[%swap3A_184] {strides = array<i32>} : memref<128xi32, #tpu.memory_space<vmem>>, vector<16xi32>,
        %swap3A_186 = vector.shape_cast %swap3A_185 : vector<16xi32> to vector<16xi32>
        %swap3A_187 = vector.shape_cast %get3A_183 : vector<16xi32> to vector<16xi32>
        tpu.vector_store %arg7[%swap3A_184], %swap3A_187 {strides = array<i32>} : memref<128xi32, #tpu.memory_space<vmem>>, vector<16xi32>,
        %get3A_188 = arith.constant 112 : index
        %get3A_189 = tpu.vector_load %arg5[%get3A_188] {strides = array<i32>} : memref<256xi32, #tpu.memory_space<vmem>>, vector<16xi32>,
        %get3A_190 = vector.shape_cast %get3A_189 : vector<16xi32> to vector<16xi32>
        %add3A_191 = arith.constant 0 : i32
        %add3A_192 = vector.broadcast %add3A_191 : i32 to vector<16xi32>
        %add3A_193 = arith.addi %get3A_190, %add3A_192 : vector<16xi32>
        %swap3A_194 = arith.constant 112 : index
        %swap3A_195 = tpu.vector_load %arg6[%swap3A_194] {strides = array<i32>} : memref<128xi32, #tpu.memory_space<vmem>>, vector<16xi32>,
        %swap3A_196 = vector.shape_cast %swap3A_195 : vector<16xi32> to vector<16xi32>
        %swap3A_197 = vector.shape_cast %add3A_193 : vector<16xi32> to vector<16xi32>
        tpu.vector_store %arg6[%swap3A_194], %swap3A_197 {strides = array<i32>} : memref<128xi32, #tpu.memory_space<vmem>>, vector<16xi32>,
        %get3A_198 = arith.constant 240 : index
        %get3A_199 = tpu.vector_load %arg5[%get3A_198] {strides = array<i32>} : memref<256xi32, #tpu.memory_space<vmem>>, vector<16xi32>,
        %get3A_200 = vector.shape_cast %get3A_199 : vector<16xi32> to vector<16xi32>
        %swap3A_201 = arith.constant 112 : index
        %swap3A_202 = tpu.vector_load %arg7[%swap3A_201] {strides = array<i32>} : memref<128xi32, #tpu.memory_space<vmem>>, vector<16xi32>,
        %swap3A_203 = vector.shape_cast %swap3A_202 : vector<16xi32> to vector<16xi32>
        %swap3A_204 = vector.shape_cast %get3A_200 : vector<16xi32> to vector<16xi32>
        tpu.vector_store %arg7[%swap3A_201], %swap3A_204 {strides = array<i32>} : memref<128xi32, #tpu.memory_space<vmem>>, vector<16xi32>,
        %dma_start3A = arith.constant 0 : i32
        %dma_start3A_205 = arith.constant 0 : i32
        %dma_start3A_206 = tpu.memref_slice %arg2[%dma_start3A, %dma_start3A_205] : memref<10000x128xf32, #tpu.memory_space<hbm>> -> memref<10000x128xf32, #tpu.memory_space<hbm>>
        tpu.enqueue_indirect_dma source(%dma_start3A_206 : memref<10000x128xf32, #tpu.memory_space<hbm>>) target(%arg8 : memref<128x128xf32, #tpu.memory_space<vmem>>) offsets(%arg6 : memref<128xi32, #tpu.memory_space<vmem>>) semaphore(%arg9 : memref<!tpu.dma_semaphore, #tpu.memory_space<semaphore_mem>>)
        %dma_wait3A = arith.constant 0 : i32
        %dma_wait3A_207 = arith.constant 0 : i32
        %dma_wait3A_208 = tpu.memref_slice %arg2[%dma_wait3A, %dma_wait3A_207] : memref<10000x128xf32, #tpu.memory_space<hbm>> -> memref<10000x128xf32, #tpu.memory_space<hbm>>
        tpu.wait_indirect_dma semaphore(%arg9 : memref<!tpu.dma_semaphore, #tpu.memory_space<semaphore_mem>>) src(%dma_wait3A_208 : memref<10000x128xf32, #tpu.memory_space<hbm>>) dst(%arg8 : memref<128x128xf32, #tpu.memory_space<vmem>>)
        "tpu.region"() ({
          %run_scoped3A = tpu.sem_alloc : memref<!tpu.dma_semaphore, #tpu.memory_space<semaphore_mem>>
          %dma_start3A_209 = arith.constant 0 : i32
          %dma_start3A_210 = arith.constant 0 : i32
          %dma_start3A_211 = tpu.memref_slice %arg10[%dma_start3A_209, %dma_start3A_210] : memref<10000x128xf32, #tpu.memory_space<vmem_shared>> -> memref<10000x128xf32, #tpu.memory_space<vmem_shared>>
          tpu.enqueue_indirect_dma source(%arg8 : memref<128x128xf32, #tpu.memory_space<vmem>>) target(%dma_start3A_211 : memref<10000x128xf32, #tpu.memory_space<vmem_shared>>) offsets(%arg7 : memref<128xi32, #tpu.memory_space<vmem>>) semaphore(%run_scoped3A : memref<!tpu.dma_semaphore, #tpu.memory_space<semaphore_mem>>) {add = true}
          %dma_wait3A_212 = arith.constant 0 : i32
          %dma_wait3A_213 = arith.constant 0 : i32
          %dma_wait3A_214 = tpu.memref_slice %arg10[%dma_wait3A_212, %dma_wait3A_213] : memref<10000x128xf32, #tpu.memory_space<vmem_shared>> -> memref<10000x128xf32, #tpu.memory_space<vmem_shared>>
          tpu.wait_indirect_dma semaphore(%run_scoped3A : memref<!tpu.dma_semaphore, #tpu.memory_space<semaphore_mem>>) src(%arg8 : memref<128x128xf32, #tpu.memory_space<vmem>>) dst(%dma_wait3A_214 : memref<10000x128xf32, #tpu.memory_space<vmem_shared>>)
          tpu.yield
        }) : () -> ()
      } else {
      }
    }
    %scan3A_22 = arith.constant 79 : i32
    %barrier3A_23 = arith.constant 0 : index
    tpu.barrier barrier_id(%barrier3A_23)
    %mul3A_24 = arith.constant 624 : i32
    %mul3A_25 = arith.muli %arg1, %mul3A_24 : i32
    %multiple_of3A_26 = tpu.assume_multiple %mul3A_25, 8 : i32
    %mul3A_27 = arith.constant 10000 : i32
    %mul3A_28 = arith.muli %arg0, %mul3A_27 : i32
    %add3A_29 = arith.addi %mul3A_28, %multiple_of3A_26 : i32
    %multiple_of3A_30 = tpu.assume_multiple %add3A_29, 8 : i32
    %add3A_31 = arith.constant 0 : i32
    %add3A_32 = arith.addi %multiple_of3A_26, %add3A_31 : i32
    %add3A_33 = arith.constant 0 : i32
    %add3A_34 = arith.addi %multiple_of3A_30, %add3A_33 : i32
    "tpu.region"() ({
      %run_scoped3A = tpu.sem_alloc : memref<!tpu.dma_semaphore, #tpu.memory_space<semaphore_mem>>
      %dma_start3A = arith.constant 0 : i32
      %dma_start3A_56 = tpu.memref_slice %arg4[%add3A_34, %dma_start3A] : memref<20000x128xf32, #tpu.memory_space<hbm>> -> memref<128x128xf32, #tpu.memory_space<hbm>>
      %dma_start3A_57 = arith.constant 0 : i32
      %dma_start3A_58 = tpu.memref_slice %arg10[%add3A_32, %dma_start3A_57] : memref<10000x128xf32, #tpu.memory_space<vmem_shared>> -> memref<128x128xf32, #tpu.memory_space<vmem_shared>>
      tpu.enqueue_dma source(%dma_start3A_58 : memref<128x128xf32, #tpu.memory_space<vmem_shared>>) target(%dma_start3A_56 : memref<128x128xf32, #tpu.memory_space<hbm>>) target_semaphore(%run_scoped3A : memref<!tpu.dma_semaphore, #tpu.memory_space<semaphore_mem>>)
      %dma_wait3A = arith.constant 0 : i32
      %dma_wait3A_59 = tpu.memref_slice %arg4[%add3A_34, %dma_wait3A] : memref<20000x128xf32, #tpu.memory_space<hbm>> -> memref<128x128xf32, #tpu.memory_space<hbm>>
      %dma_wait3A_60 = arith.constant 0 : i32
      %dma_wait3A_61 = tpu.memref_slice %arg10[%add3A_32, %dma_wait3A_60] : memref<10000x128xf32, #tpu.memory_space<vmem_shared>> -> memref<128x128xf32, #tpu.memory_space<vmem_shared>>
      tpu.wait_dma2 semaphore(%run_scoped3A : memref<!tpu.dma_semaphore, #tpu.memory_space<semaphore_mem>>) src(%dma_wait3A_61 : memref<128x128xf32, #tpu.memory_space<vmem_shared>>) dst(%dma_wait3A_59 : memref<128x128xf32, #tpu.memory_space<hbm>>)
      tpu.yield
    }) : () -> ()
    %add3A_35 = arith.constant 128 : i32
    %add3A_36 = arith.addi %multiple_of3A_26, %add3A_35 : i32
    %add3A_37 = arith.constant 128 : i32
    %add3A_38 = arith.addi %multiple_of3A_30, %add3A_37 : i32
    "tpu.region"() ({
      %run_scoped3A = tpu.sem_alloc : memref<!tpu.dma_semaphore, #tpu.memory_space<semaphore_mem>>
      %dma_start3A = arith.constant 0 : i32
      %dma_start3A_56 = tpu.memref_slice %arg4[%add3A_38, %dma_start3A] : memref<20000x128xf32, #tpu.memory_space<hbm>> -> memref<128x128xf32, #tpu.memory_space<hbm>>
      %dma_start3A_57 = arith.constant 0 : i32
      %dma_start3A_58 = tpu.memref_slice %arg10[%add3A_36, %dma_start3A_57] : memref<10000x128xf32, #tpu.memory_space<vmem_shared>> -> memref<128x128xf32, #tpu.memory_space<vmem_shared>>
      tpu.enqueue_dma source(%dma_start3A_58 : memref<128x128xf32, #tpu.memory_space<vmem_shared>>) target(%dma_start3A_56 : memref<128x128xf32, #tpu.memory_space<hbm>>) target_semaphore(%run_scoped3A : memref<!tpu.dma_semaphore, #tpu.memory_space<semaphore_mem>>)
      %dma_wait3A = arith.constant 0 : i32
      %dma_wait3A_59 = tpu.memref_slice %arg4[%add3A_38, %dma_wait3A] : memref<20000x128xf32, #tpu.memory_space<hbm>> -> memref<128x128xf32, #tpu.memory_space<hbm>>
      %dma_wait3A_60 = arith.constant 0 : i32
      %dma_wait3A_61 = tpu.memref_slice %arg10[%add3A_36, %dma_wait3A_60] : memref<10000x128xf32, #tpu.memory_space<vmem_shared>> -> memref<128x128xf32, #tpu.memory_space<vmem_shared>>
      tpu.wait_dma2 semaphore(%run_scoped3A : memref<!tpu.dma_semaphore, #tpu.memory_space<semaphore_mem>>) src(%dma_wait3A_61 : memref<128x128xf32, #tpu.memory_space<vmem_shared>>) dst(%dma_wait3A_59 : memref<128x128xf32, #tpu.memory_space<hbm>>)
      tpu.yield
    }) : () -> ()
    %add3A_39 = arith.constant 256 : i32
    %add3A_40 = arith.addi %multiple_of3A_26, %add3A_39 : i32
    %add3A_41 = arith.constant 256 : i32
    %add3A_42 = arith.addi %multiple_of3A_30, %add3A_41 : i32
    "tpu.region"() ({
      %run_scoped3A = tpu.sem_alloc : memref<!tpu.dma_semaphore, #tpu.memory_space<semaphore_mem>>
      %dma_start3A = arith.constant 0 : i32
      %dma_start3A_56 = tpu.memref_slice %arg4[%add3A_42, %dma_start3A] : memref<20000x128xf32, #tpu.memory_space<hbm>> -> memref<128x128xf32, #tpu.memory_space<hbm>>
      %dma_start3A_57 = arith.constant 0 : i32
      %dma_start3A_58 = tpu.memref_slice %arg10[%add3A_40, %dma_start3A_57] : memref<10000x128xf32, #tpu.memory_space<vmem_shared>> -> memref<128x128xf32, #tpu.memory_space<vmem_shared>>
      tpu.enqueue_dma source(%dma_start3A_58 : memref<128x128xf32, #tpu.memory_space<vmem_shared>>) target(%dma_start3A_56 : memref<128x128xf32, #tpu.memory_space<hbm>>) target_semaphore(%run_scoped3A : memref<!tpu.dma_semaphore, #tpu.memory_space<semaphore_mem>>)
      %dma_wait3A = arith.constant 0 : i32
      %dma_wait3A_59 = tpu.memref_slice %arg4[%add3A_42, %dma_wait3A] : memref<20000x128xf32, #tpu.memory_space<hbm>> -> memref<128x128xf32, #tpu.memory_space<hbm>>
      %dma_wait3A_60 = arith.constant 0 : i32
      %dma_wait3A_61 = tpu.memref_slice %arg10[%add3A_40, %dma_wait3A_60] : memref<10000x128xf32, #tpu.memory_space<vmem_shared>> -> memref<128x128xf32, #tpu.memory_space<vmem_shared>>
      tpu.wait_dma2 semaphore(%run_scoped3A : memref<!tpu.dma_semaphore, #tpu.memory_space<semaphore_mem>>) src(%dma_wait3A_61 : memref<128x128xf32, #tpu.memory_space<vmem_shared>>) dst(%dma_wait3A_59 : memref<128x128xf32, #tpu.memory_space<hbm>>)
      tpu.yield
    }) : () -> ()
    %add3A_43 = arith.constant 384 : i32
    %add3A_44 = arith.addi %multiple_of3A_26, %add3A_43 : i32
    %add3A_45 = arith.constant 384 : i32
    %add3A_46 = arith.addi %multiple_of3A_30, %add3A_45 : i32
    "tpu.region"() ({
      %run_scoped3A = tpu.sem_alloc : memref<!tpu.dma_semaphore, #tpu.memory_space<semaphore_mem>>
      %dma_start3A = arith.constant 0 : i32
      %dma_start3A_56 = tpu.memref_slice %arg4[%add3A_46, %dma_start3A] : memref<20000x128xf32, #tpu.memory_space<hbm>> -> memref<128x128xf32, #tpu.memory_space<hbm>>
      %dma_start3A_57 = arith.constant 0 : i32
      %dma_start3A_58 = tpu.memref_slice %arg10[%add3A_44, %dma_start3A_57] : memref<10000x128xf32, #tpu.memory_space<vmem_shared>> -> memref<128x128xf32, #tpu.memory_space<vmem_shared>>
      tpu.enqueue_dma source(%dma_start3A_58 : memref<128x128xf32, #tpu.memory_space<vmem_shared>>) target(%dma_start3A_56 : memref<128x128xf32, #tpu.memory_space<hbm>>) target_semaphore(%run_scoped3A : memref<!tpu.dma_semaphore, #tpu.memory_space<semaphore_mem>>)
      %dma_wait3A = arith.constant 0 : i32
      %dma_wait3A_59 = tpu.memref_slice %arg4[%add3A_46, %dma_wait3A] : memref<20000x128xf32, #tpu.memory_space<hbm>> -> memref<128x128xf32, #tpu.memory_space<hbm>>
      %dma_wait3A_60 = arith.constant 0 : i32
      %dma_wait3A_61 = tpu.memref_slice %arg10[%add3A_44, %dma_wait3A_60] : memref<10000x128xf32, #tpu.memory_space<vmem_shared>> -> memref<128x128xf32, #tpu.memory_space<vmem_shared>>
      tpu.wait_dma2 semaphore(%run_scoped3A : memref<!tpu.dma_semaphore, #tpu.memory_space<semaphore_mem>>) src(%dma_wait3A_61 : memref<128x128xf32, #tpu.memory_space<vmem_shared>>) dst(%dma_wait3A_59 : memref<128x128xf32, #tpu.memory_space<hbm>>)
      tpu.yield
    }) : () -> ()
    %add3A_47 = arith.constant 512 : i32
    %add3A_48 = arith.addi %multiple_of3A_26, %add3A_47 : i32
    %add3A_49 = arith.constant 512 : i32
    %add3A_50 = arith.addi %multiple_of3A_30, %add3A_49 : i32
    "tpu.region"() ({
      %run_scoped3A = tpu.sem_alloc : memref<!tpu.dma_semaphore, #tpu.memory_space<semaphore_mem>>
      %dma_start3A = arith.constant 0 : i32
      %dma_start3A_56 = tpu.memref_slice %arg4[%add3A_50, %dma_start3A] : memref<20000x128xf32, #tpu.memory_space<hbm>> -> memref<112x128xf32, #tpu.memory_space<hbm>>
      %dma_start3A_57 = arith.constant 0 : i32
      %dma_start3A_58 = tpu.memref_slice %arg10[%add3A_48, %dma_start3A_57] : memref<10000x128xf32, #tpu.memory_space<vmem_shared>> -> memref<112x128xf32, #tpu.memory_space<vmem_shared>>
      tpu.enqueue_dma source(%dma_start3A_58 : memref<112x128xf32, #tpu.memory_space<vmem_shared>>) target(%dma_start3A_56 : memref<112x128xf32, #tpu.memory_space<hbm>>) target_semaphore(%run_scoped3A : memref<!tpu.dma_semaphore, #tpu.memory_space<semaphore_mem>>)
      %dma_wait3A = arith.constant 0 : i32
      %dma_wait3A_59 = tpu.memref_slice %arg4[%add3A_50, %dma_wait3A] : memref<20000x128xf32, #tpu.memory_space<hbm>> -> memref<112x128xf32, #tpu.memory_space<hbm>>
      %dma_wait3A_60 = arith.constant 0 : i32
      %dma_wait3A_61 = tpu.memref_slice %arg10[%add3A_48, %dma_wait3A_60] : memref<10000x128xf32, #tpu.memory_space<vmem_shared>> -> memref<112x128xf32, #tpu.memory_space<vmem_shared>>
      tpu.wait_dma2 semaphore(%run_scoped3A : memref<!tpu.dma_semaphore, #tpu.memory_space<semaphore_mem>>) src(%dma_wait3A_61 : memref<112x128xf32, #tpu.memory_space<vmem_shared>>) dst(%dma_wait3A_59 : memref<112x128xf32, #tpu.memory_space<hbm>>)
      tpu.yield
    }) : () -> ()
    %eq3A_51 = arith.constant 0 : i32
    %eq3A_52 = arith.cmpi eq, %arg1, %eq3A_51 : i32
    %convert_element_type3A_53 = arith.extui %eq3A_52 : i1 to i32
    %cond3A_54 = arith.constant 0 : i32
    %cond3A_55 = arith.cmpi ne, %convert_element_type3A_53, %cond3A_54 : i32
    scf.if %cond3A_55 {
      %mul3A_56 = arith.constant 10000 : i32
      %mul3A_57 = arith.muli %arg0, %mul3A_56 : i32
      %add3A_58 = arith.constant 9984 : i32
      %add3A_59 = arith.addi %mul3A_57, %add3A_58 : i32
      %multiple_of3A_60 = tpu.assume_multiple %add3A_59, 8 : i32
      "tpu.region"() ({
        %run_scoped3A = tpu.sem_alloc : memref<!tpu.dma_semaphore, #tpu.memory_space<semaphore_mem>>
        %dma_start3A = arith.constant 0 : i32
        %dma_start3A_61 = tpu.memref_slice %arg4[%multiple_of3A_60, %dma_start3A] : memref<20000x128xf32, #tpu.memory_space<hbm>> -> memref<16x128xf32, #tpu.memory_space<hbm>>
        %dma_start3A_62 = arith.constant 9984 : i32
        %dma_start3A_63 = arith.constant 0 : i32
        %dma_start3A_64 = tpu.memref_slice %arg10[%dma_start3A_62, %dma_start3A_63] : memref<10000x128xf32, #tpu.memory_space<vmem_shared>> -> memref<16x128xf32, #tpu.memory_space<vmem_shared>>
        tpu.enqueue_dma source(%dma_start3A_64 : memref<16x128xf32, #tpu.memory_space<vmem_shared>>) target(%dma_start3A_61 : memref<16x128xf32, #tpu.memory_space<hbm>>) target_semaphore(%run_scoped3A : memref<!tpu.dma_semaphore, #tpu.memory_space<semaphore_mem>>)
        %dma_wait3A = arith.constant 0 : i32
        %dma_wait3A_65 = tpu.memref_slice %arg4[%multiple_of3A_60, %dma_wait3A] : memref<20000x128xf32, #tpu.memory_space<hbm>> -> memref<16x128xf32, #tpu.memory_space<hbm>>
        %dma_wait3A_66 = arith.constant 9984 : i32
        %dma_wait3A_67 = arith.constant 0 : i32
        %dma_wait3A_68 = tpu.memref_slice %arg10[%dma_wait3A_66, %dma_wait3A_67] : memref<10000x128xf32, #tpu.memory_space<vmem_shared>> -> memref<16x128xf32, #tpu.memory_space<vmem_shared>>
        tpu.wait_dma2 semaphore(%run_scoped3A : memref<!tpu.dma_semaphore, #tpu.memory_space<semaphore_mem>>) src(%dma_wait3A_68 : memref<16x128xf32, #tpu.memory_space<vmem_shared>>) dst(%dma_wait3A_65 : memref<16x128xf32, #tpu.memory_space<hbm>>)
        tpu.yield
      }) : () -> ()
    } else {
    }
    return
  }
}

#map = affine_map<(d0, d1) -> (0, 0)>
#map1 = affine_map<(d0, d1) -> (0)>
module attributes {stable_mosaic.version = 14 : i64} {
  func.func @agg_kernel(%arg0: i32, %arg1: i32, %arg2: memref<10000x128xf32, #tpu.memory_space<hbm>>, %arg3: memref<640000xi32, #tpu.memory_space<hbm>>, %arg4: memref<20000x128xf32, #tpu.memory_space<hbm>>, %arg5: memref<256xi32, #tpu.memory_space<vmem>>, %arg6: memref<128xi32, #tpu.memory_space<vmem>>, %arg7: memref<128xi32, #tpu.memory_space<vmem>>, %arg8: memref<128x128xf32, #tpu.memory_space<vmem>>, %arg9: memref<!tpu.dma_semaphore, #tpu.memory_space<semaphore_mem>>, %arg10: memref<10000x128xf32, #tpu.memory_space<vmem_shared>>) attributes {dimension_semantics = [#tpu.dimension_semantics<core_parallel>, #tpu.dimension_semantics<subcore_parallel>], iteration_bounds = array<i64: 2, 16>, scalar_prefetch = 0 : i64, scratch_operands = 6 : i64, tpu.core_type = #tpu.core_type<sc_vector_subcore>, window_params = [{transform_indices = #map}, {transform_indices = #map1}, {transform_indices = #map}]} {
    %scan3A = arith.constant 0 : i32
    %scan3A_0 = arith.constant 0 : i32
    %scan3A_1 = arith.constant 1024 : i32
    %scan3A_2 = arith.addi %scan3A_0, %scan3A_1 : i32
    %scan3A_3 = arith.constant 1 : i32
    scf.for %scan3A_56 = %scan3A_0 to %scan3A_2 step %scan3A_3  : i32 {
      %jit3A = arith.constant 8 : i32
      %div3A = arith.divsi %scan3A_56, %jit3A : i32
      %sign3A = arith.constant 0 : i32
      %sign3A_57 = arith.cmpi sgt, %scan3A_56, %sign3A : i32
      %sign3A_58 = arith.extui %sign3A_57 : i1 to i32
      %sign3A_59 = arith.constant 0 : i32
      %sign3A_60 = arith.cmpi slt, %scan3A_56, %sign3A_59 : i32
      %sign3A_61 = arith.extui %sign3A_60 : i1 to i32
      %sign3A_62 = arith.subi %sign3A_58, %sign3A_61 : i32
      %sign3A_63 = arith.constant 0 : i32
      %sign3A_64 = arith.cmpi sgt, %jit3A, %sign3A_63 : i32
      %sign3A_65 = arith.extui %sign3A_64 : i1 to i32
      %sign3A_66 = arith.constant 0 : i32
      %sign3A_67 = arith.cmpi slt, %jit3A, %sign3A_66 : i32
      %sign3A_68 = arith.extui %sign3A_67 : i1 to i32
      %sign3A_69 = arith.subi %sign3A_65, %sign3A_68 : i32
      %ne3A = arith.cmpi ne, %sign3A_62, %sign3A_69 : i32
      %rem3A = arith.remsi %scan3A_56, %jit3A : i32
      %ne3A_70 = arith.constant 0 : i32
      %ne3A_71 = arith.cmpi ne, %rem3A, %ne3A_70 : i32
      %and3A = arith.andi %ne3A, %ne3A_71 : i1
      %sub3A = arith.constant 1 : i32
      %sub3A_72 = arith.subi %div3A, %sub3A : i32
      %select_n3A = arith.select %and3A, %sub3A_72, %div3A : i32
      %jit3A_73 = arith.constant 8 : i32
      %eq3A_74 = arith.constant 0 : i32
      %eq3A_75 = arith.cmpi eq, %jit3A_73, %eq3A_74 : i32
      %jit3A_76 = arith.constant 1 : i32
      %select_n3A_77 = arith.select %eq3A_75, %jit3A_76, %jit3A_73 : i32
      %rem3A_78 = arith.remsi %scan3A_56, %select_n3A_77 : i32
      %ne3A_79 = arith.constant 0 : i32
      %ne3A_80 = arith.cmpi ne, %rem3A_78, %ne3A_79 : i32
      %lt3A = arith.constant 0 : i32
      %lt3A_81 = arith.cmpi slt, %rem3A_78, %lt3A : i32
      %lt3A_82 = arith.constant 0 : i32
      %lt3A_83 = arith.cmpi slt, %select_n3A_77, %lt3A_82 : i32
      %ne3A_84 = arith.xori %lt3A_81, %lt3A_83 : i1
      %and3A_85 = arith.andi %ne3A_84, %ne3A_80 : i1
      %add3A_86 = arith.addi %rem3A_78, %select_n3A_77 : i32
      %select_n3A_87 = arith.select %and3A_85, %add3A_86, %rem3A_78 : i32
      %broadcast_in_dim3A = arith.constant 0.000000e+00 : f32
      %broadcast_in_dim3A_88 = vector.broadcast %broadcast_in_dim3A : f32 to vector<16xf32>
      %mul3A_89 = arith.constant 16 : i32
      %mul3A_90 = arith.muli %select_n3A_87, %mul3A_89 : i32
      %swap3A = arith.index_cast %select_n3A : i32 to index
      %swap3A_91 = arith.index_cast %mul3A_90 : i32 to index
      %swap3A_92 = tpu.vector_load %arg8[%swap3A, %swap3A_91] {strides = array<i32>} : memref<128x128xf32, #tpu.memory_space<vmem>>, vector<1x16xf32>,
      %swap3A_93 = vector.shape_cast %swap3A_92 : vector<1x16xf32> to vector<16xf32>
      %swap3A_94 = vector.shape_cast %broadcast_in_dim3A_88 : vector<16xf32> to vector<1x16xf32>
      tpu.vector_store %arg8[%swap3A, %swap3A_91], %swap3A_94 {strides = array<i32>} : memref<128x128xf32, #tpu.memory_space<vmem>>, vector<1x16xf32>,
    }
    %scan3A_4 = arith.constant 1024 : i32
    %mul3A = arith.constant 624 : i32
    %mul3A_5 = arith.muli %arg1, %mul3A : i32
    %multiple_of3A = tpu.assume_multiple %mul3A_5, 8 : i32
    %add3A = arith.constant 0 : i32
    %add3A_6 = arith.addi %multiple_of3A, %add3A : i32
    "tpu.region"() ({
      %run_scoped3A = tpu.sem_alloc : memref<!tpu.dma_semaphore, #tpu.memory_space<semaphore_mem>>
      %dma_start3A = arith.constant 0 : i32
      %dma_start3A_56 = arith.constant 0 : i32
      %dma_start3A_57 = tpu.memref_slice %arg8[%dma_start3A, %dma_start3A_56] : memref<128x128xf32, #tpu.memory_space<vmem>> -> memref<128x128xf32, #tpu.memory_space<vmem>>
      %dma_start3A_58 = arith.constant 0 : i32
      %dma_start3A_59 = tpu.memref_slice %arg10[%add3A_6, %dma_start3A_58] : memref<10000x128xf32, #tpu.memory_space<vmem_shared>> -> memref<128x128xf32, #tpu.memory_space<vmem_shared>>
      %dma_start3A_60 = arith.constant 0 : i32
      %dma_start3A_61 = tpu.memref_slice %arg10[%add3A_6, %dma_start3A_60] : memref<10000x128xf32, #tpu.memory_space<vmem_shared>> -> memref<128x128xf32, #tpu.memory_space<vmem_shared>>
      %dma_start3A_62 = arith.constant 0 : i32
      %dma_start3A_63 = arith.constant 0 : i32
      %dma_start3A_64 = tpu.memref_slice %arg8[%dma_start3A_62, %dma_start3A_63] : memref<128x128xf32, #tpu.memory_space<vmem>> -> memref<128x128xf32, #tpu.memory_space<vmem>>
      tpu.enqueue_dma source(%dma_start3A_64 : memref<128x128xf32, #tpu.memory_space<vmem>>) target(%dma_start3A_61 : memref<128x128xf32, #tpu.memory_space<vmem_shared>>) target_semaphore(%run_scoped3A : memref<!tpu.dma_semaphore, #tpu.memory_space<semaphore_mem>>)
      %dma_wait3A = arith.constant 0 : i32
      %dma_wait3A_65 = arith.constant 0 : i32
      %dma_wait3A_66 = tpu.memref_slice %arg8[%dma_wait3A, %dma_wait3A_65] : memref<128x128xf32, #tpu.memory_space<vmem>> -> memref<128x128xf32, #tpu.memory_space<vmem>>
      %dma_wait3A_67 = arith.constant 0 : i32
      %dma_wait3A_68 = tpu.memref_slice %arg10[%add3A_6, %dma_wait3A_67] : memref<10000x128xf32, #tpu.memory_space<vmem_shared>> -> memref<128x128xf32, #tpu.memory_space<vmem_shared>>
      %dma_wait3A_69 = arith.constant 0 : i32
      %dma_wait3A_70 = tpu.memref_slice %arg10[%add3A_6, %dma_wait3A_69] : memref<10000x128xf32, #tpu.memory_space<vmem_shared>> -> memref<128x128xf32, #tpu.memory_space<vmem_shared>>
      %dma_wait3A_71 = arith.constant 0 : i32
      %dma_wait3A_72 = arith.constant 0 : i32
      %dma_wait3A_73 = tpu.memref_slice %arg8[%dma_wait3A_71, %dma_wait3A_72] : memref<128x128xf32, #tpu.memory_space<vmem>> -> memref<128x128xf32, #tpu.memory_space<vmem>>
      tpu.wait_dma2 semaphore(%run_scoped3A : memref<!tpu.dma_semaphore, #tpu.memory_space<semaphore_mem>>) src(%dma_wait3A_73 : memref<128x128xf32, #tpu.memory_space<vmem>>) dst(%dma_wait3A_70 : memref<128x128xf32, #tpu.memory_space<vmem_shared>>)
      tpu.yield
    }) : () -> ()
    %add3A_7 = arith.constant 128 : i32
    %add3A_8 = arith.addi %multiple_of3A, %add3A_7 : i32
    "tpu.region"() ({
      %run_scoped3A = tpu.sem_alloc : memref<!tpu.dma_semaphore, #tpu.memory_space<semaphore_mem>>
      %dma_start3A = arith.constant 0 : i32
      %dma_start3A_56 = arith.constant 0 : i32
      %dma_start3A_57 = tpu.memref_slice %arg8[%dma_start3A, %dma_start3A_56] : memref<128x128xf32, #tpu.memory_space<vmem>> -> memref<128x128xf32, #tpu.memory_space<vmem>>
      %dma_start3A_58 = arith.constant 0 : i32
      %dma_start3A_59 = tpu.memref_slice %arg10[%add3A_8, %dma_start3A_58] : memref<10000x128xf32, #tpu.memory_space<vmem_shared>> -> memref<128x128xf32, #tpu.memory_space<vmem_shared>>
      %dma_start3A_60 = arith.constant 0 : i32
      %dma_start3A_61 = tpu.memref_slice %arg10[%add3A_8, %dma_start3A_60] : memref<10000x128xf32, #tpu.memory_space<vmem_shared>> -> memref<128x128xf32, #tpu.memory_space<vmem_shared>>
      %dma_start3A_62 = arith.constant 0 : i32
      %dma_start3A_63 = arith.constant 0 : i32
      %dma_start3A_64 = tpu.memref_slice %arg8[%dma_start3A_62, %dma_start3A_63] : memref<128x128xf32, #tpu.memory_space<vmem>> -> memref<128x128xf32, #tpu.memory_space<vmem>>
      tpu.enqueue_dma source(%dma_start3A_64 : memref<128x128xf32, #tpu.memory_space<vmem>>) target(%dma_start3A_61 : memref<128x128xf32, #tpu.memory_space<vmem_shared>>) target_semaphore(%run_scoped3A : memref<!tpu.dma_semaphore, #tpu.memory_space<semaphore_mem>>)
      %dma_wait3A = arith.constant 0 : i32
      %dma_wait3A_65 = arith.constant 0 : i32
      %dma_wait3A_66 = tpu.memref_slice %arg8[%dma_wait3A, %dma_wait3A_65] : memref<128x128xf32, #tpu.memory_space<vmem>> -> memref<128x128xf32, #tpu.memory_space<vmem>>
      %dma_wait3A_67 = arith.constant 0 : i32
      %dma_wait3A_68 = tpu.memref_slice %arg10[%add3A_8, %dma_wait3A_67] : memref<10000x128xf32, #tpu.memory_space<vmem_shared>> -> memref<128x128xf32, #tpu.memory_space<vmem_shared>>
      %dma_wait3A_69 = arith.constant 0 : i32
      %dma_wait3A_70 = tpu.memref_slice %arg10[%add3A_8, %dma_wait3A_69] : memref<10000x128xf32, #tpu.memory_space<vmem_shared>> -> memref<128x128xf32, #tpu.memory_space<vmem_shared>>
      %dma_wait3A_71 = arith.constant 0 : i32
      %dma_wait3A_72 = arith.constant 0 : i32
      %dma_wait3A_73 = tpu.memref_slice %arg8[%dma_wait3A_71, %dma_wait3A_72] : memref<128x128xf32, #tpu.memory_space<vmem>> -> memref<128x128xf32, #tpu.memory_space<vmem>>
      tpu.wait_dma2 semaphore(%run_scoped3A : memref<!tpu.dma_semaphore, #tpu.memory_space<semaphore_mem>>) src(%dma_wait3A_73 : memref<128x128xf32, #tpu.memory_space<vmem>>) dst(%dma_wait3A_70 : memref<128x128xf32, #tpu.memory_space<vmem_shared>>)
      tpu.yield
    }) : () -> ()
    %add3A_9 = arith.constant 256 : i32
    %add3A_10 = arith.addi %multiple_of3A, %add3A_9 : i32
    "tpu.region"() ({
      %run_scoped3A = tpu.sem_alloc : memref<!tpu.dma_semaphore, #tpu.memory_space<semaphore_mem>>
      %dma_start3A = arith.constant 0 : i32
      %dma_start3A_56 = arith.constant 0 : i32
      %dma_start3A_57 = tpu.memref_slice %arg8[%dma_start3A, %dma_start3A_56] : memref<128x128xf32, #tpu.memory_space<vmem>> -> memref<128x128xf32, #tpu.memory_space<vmem>>
      %dma_start3A_58 = arith.constant 0 : i32
      %dma_start3A_59 = tpu.memref_slice %arg10[%add3A_10, %dma_start3A_58] : memref<10000x128xf32, #tpu.memory_space<vmem_shared>> -> memref<128x128xf32, #tpu.memory_space<vmem_shared>>
      %dma_start3A_60 = arith.constant 0 : i32
      %dma_start3A_61 = tpu.memref_slice %arg10[%add3A_10, %dma_start3A_60] : memref<10000x128xf32, #tpu.memory_space<vmem_shared>> -> memref<128x128xf32, #tpu.memory_space<vmem_shared>>
      %dma_start3A_62 = arith.constant 0 : i32
      %dma_start3A_63 = arith.constant 0 : i32
      %dma_start3A_64 = tpu.memref_slice %arg8[%dma_start3A_62, %dma_start3A_63] : memref<128x128xf32, #tpu.memory_space<vmem>> -> memref<128x128xf32, #tpu.memory_space<vmem>>
      tpu.enqueue_dma source(%dma_start3A_64 : memref<128x128xf32, #tpu.memory_space<vmem>>) target(%dma_start3A_61 : memref<128x128xf32, #tpu.memory_space<vmem_shared>>) target_semaphore(%run_scoped3A : memref<!tpu.dma_semaphore, #tpu.memory_space<semaphore_mem>>)
      %dma_wait3A = arith.constant 0 : i32
      %dma_wait3A_65 = arith.constant 0 : i32
      %dma_wait3A_66 = tpu.memref_slice %arg8[%dma_wait3A, %dma_wait3A_65] : memref<128x128xf32, #tpu.memory_space<vmem>> -> memref<128x128xf32, #tpu.memory_space<vmem>>
      %dma_wait3A_67 = arith.constant 0 : i32
      %dma_wait3A_68 = tpu.memref_slice %arg10[%add3A_10, %dma_wait3A_67] : memref<10000x128xf32, #tpu.memory_space<vmem_shared>> -> memref<128x128xf32, #tpu.memory_space<vmem_shared>>
      %dma_wait3A_69 = arith.constant 0 : i32
      %dma_wait3A_70 = tpu.memref_slice %arg10[%add3A_10, %dma_wait3A_69] : memref<10000x128xf32, #tpu.memory_space<vmem_shared>> -> memref<128x128xf32, #tpu.memory_space<vmem_shared>>
      %dma_wait3A_71 = arith.constant 0 : i32
      %dma_wait3A_72 = arith.constant 0 : i32
      %dma_wait3A_73 = tpu.memref_slice %arg8[%dma_wait3A_71, %dma_wait3A_72] : memref<128x128xf32, #tpu.memory_space<vmem>> -> memref<128x128xf32, #tpu.memory_space<vmem>>
      tpu.wait_dma2 semaphore(%run_scoped3A : memref<!tpu.dma_semaphore, #tpu.memory_space<semaphore_mem>>) src(%dma_wait3A_73 : memref<128x128xf32, #tpu.memory_space<vmem>>) dst(%dma_wait3A_70 : memref<128x128xf32, #tpu.memory_space<vmem_shared>>)
      tpu.yield
    }) : () -> ()
    %add3A_11 = arith.constant 384 : i32
    %add3A_12 = arith.addi %multiple_of3A, %add3A_11 : i32
    "tpu.region"() ({
      %run_scoped3A = tpu.sem_alloc : memref<!tpu.dma_semaphore, #tpu.memory_space<semaphore_mem>>
      %dma_start3A = arith.constant 0 : i32
      %dma_start3A_56 = arith.constant 0 : i32
      %dma_start3A_57 = tpu.memref_slice %arg8[%dma_start3A, %dma_start3A_56] : memref<128x128xf32, #tpu.memory_space<vmem>> -> memref<128x128xf32, #tpu.memory_space<vmem>>
      %dma_start3A_58 = arith.constant 0 : i32
      %dma_start3A_59 = tpu.memref_slice %arg10[%add3A_12, %dma_start3A_58] : memref<10000x128xf32, #tpu.memory_space<vmem_shared>> -> memref<128x128xf32, #tpu.memory_space<vmem_shared>>
      %dma_start3A_60 = arith.constant 0 : i32
      %dma_start3A_61 = tpu.memref_slice %arg10[%add3A_12, %dma_start3A_60] : memref<10000x128xf32, #tpu.memory_space<vmem_shared>> -> memref<128x128xf32, #tpu.memory_space<vmem_shared>>
      %dma_start3A_62 = arith.constant 0 : i32
      %dma_start3A_63 = arith.constant 0 : i32
      %dma_start3A_64 = tpu.memref_slice %arg8[%dma_start3A_62, %dma_start3A_63] : memref<128x128xf32, #tpu.memory_space<vmem>> -> memref<128x128xf32, #tpu.memory_space<vmem>>
      tpu.enqueue_dma source(%dma_start3A_64 : memref<128x128xf32, #tpu.memory_space<vmem>>) target(%dma_start3A_61 : memref<128x128xf32, #tpu.memory_space<vmem_shared>>) target_semaphore(%run_scoped3A : memref<!tpu.dma_semaphore, #tpu.memory_space<semaphore_mem>>)
      %dma_wait3A = arith.constant 0 : i32
      %dma_wait3A_65 = arith.constant 0 : i32
      %dma_wait3A_66 = tpu.memref_slice %arg8[%dma_wait3A, %dma_wait3A_65] : memref<128x128xf32, #tpu.memory_space<vmem>> -> memref<128x128xf32, #tpu.memory_space<vmem>>
      %dma_wait3A_67 = arith.constant 0 : i32
      %dma_wait3A_68 = tpu.memref_slice %arg10[%add3A_12, %dma_wait3A_67] : memref<10000x128xf32, #tpu.memory_space<vmem_shared>> -> memref<128x128xf32, #tpu.memory_space<vmem_shared>>
      %dma_wait3A_69 = arith.constant 0 : i32
      %dma_wait3A_70 = tpu.memref_slice %arg10[%add3A_12, %dma_wait3A_69] : memref<10000x128xf32, #tpu.memory_space<vmem_shared>> -> memref<128x128xf32, #tpu.memory_space<vmem_shared>>
      %dma_wait3A_71 = arith.constant 0 : i32
      %dma_wait3A_72 = arith.constant 0 : i32
      %dma_wait3A_73 = tpu.memref_slice %arg8[%dma_wait3A_71, %dma_wait3A_72] : memref<128x128xf32, #tpu.memory_space<vmem>> -> memref<128x128xf32, #tpu.memory_space<vmem>>
      tpu.wait_dma2 semaphore(%run_scoped3A : memref<!tpu.dma_semaphore, #tpu.memory_space<semaphore_mem>>) src(%dma_wait3A_73 : memref<128x128xf32, #tpu.memory_space<vmem>>) dst(%dma_wait3A_70 : memref<128x128xf32, #tpu.memory_space<vmem_shared>>)
      tpu.yield
    }) : () -> ()
    %add3A_13 = arith.constant 512 : i32
    %add3A_14 = arith.addi %multiple_of3A, %add3A_13 : i32
    "tpu.region"() ({
      %run_scoped3A = tpu.sem_alloc : memref<!tpu.dma_semaphore, #tpu.memory_space<semaphore_mem>>
      %dma_start3A = arith.constant 0 : i32
      %dma_start3A_56 = arith.constant 0 : i32
      %dma_start3A_57 = tpu.memref_slice %arg8[%dma_start3A, %dma_start3A_56] : memref<128x128xf32, #tpu.memory_space<vmem>> -> memref<112x128xf32, #tpu.memory_space<vmem>>
      %dma_start3A_58 = arith.constant 0 : i32
      %dma_start3A_59 = tpu.memref_slice %arg10[%add3A_14, %dma_start3A_58] : memref<10000x128xf32, #tpu.memory_space<vmem_shared>> -> memref<112x128xf32, #tpu.memory_space<vmem_shared>>
      %dma_start3A_60 = arith.constant 0 : i32
      %dma_start3A_61 = tpu.memref_slice %arg10[%add3A_14, %dma_start3A_60] : memref<10000x128xf32, #tpu.memory_space<vmem_shared>> -> memref<112x128xf32, #tpu.memory_space<vmem_shared>>
      %dma_start3A_62 = arith.constant 0 : i32
      %dma_start3A_63 = arith.constant 0 : i32
      %dma_start3A_64 = tpu.memref_slice %arg8[%dma_start3A_62, %dma_start3A_63] : memref<128x128xf32, #tpu.memory_space<vmem>> -> memref<112x128xf32, #tpu.memory_space<vmem>>
      tpu.enqueue_dma source(%dma_start3A_64 : memref<112x128xf32, #tpu.memory_space<vmem>>) target(%dma_start3A_61 : memref<112x128xf32, #tpu.memory_space<vmem_shared>>) target_semaphore(%run_scoped3A : memref<!tpu.dma_semaphore, #tpu.memory_space<semaphore_mem>>)
      %dma_wait3A = arith.constant 0 : i32
      %dma_wait3A_65 = arith.constant 0 : i32
      %dma_wait3A_66 = tpu.memref_slice %arg8[%dma_wait3A, %dma_wait3A_65] : memref<128x128xf32, #tpu.memory_space<vmem>> -> memref<112x128xf32, #tpu.memory_space<vmem>>
      %dma_wait3A_67 = arith.constant 0 : i32
      %dma_wait3A_68 = tpu.memref_slice %arg10[%add3A_14, %dma_wait3A_67] : memref<10000x128xf32, #tpu.memory_space<vmem_shared>> -> memref<112x128xf32, #tpu.memory_space<vmem_shared>>
      %dma_wait3A_69 = arith.constant 0 : i32
      %dma_wait3A_70 = tpu.memref_slice %arg10[%add3A_14, %dma_wait3A_69] : memref<10000x128xf32, #tpu.memory_space<vmem_shared>> -> memref<112x128xf32, #tpu.memory_space<vmem_shared>>
      %dma_wait3A_71 = arith.constant 0 : i32
      %dma_wait3A_72 = arith.constant 0 : i32
      %dma_wait3A_73 = tpu.memref_slice %arg8[%dma_wait3A_71, %dma_wait3A_72] : memref<128x128xf32, #tpu.memory_space<vmem>> -> memref<112x128xf32, #tpu.memory_space<vmem>>
      tpu.wait_dma2 semaphore(%run_scoped3A : memref<!tpu.dma_semaphore, #tpu.memory_space<semaphore_mem>>) src(%dma_wait3A_73 : memref<112x128xf32, #tpu.memory_space<vmem>>) dst(%dma_wait3A_70 : memref<112x128xf32, #tpu.memory_space<vmem_shared>>)
      tpu.yield
    }) : () -> ()
    %eq3A = arith.constant 0 : i32
    %eq3A_15 = arith.cmpi eq, %arg1, %eq3A : i32
    %convert_element_type3A = arith.extui %eq3A_15 : i1 to i32
    %cond3A = arith.constant 0 : i32
    %cond3A_16 = arith.cmpi ne, %convert_element_type3A, %cond3A : i32
    scf.if %cond3A_16 {
      "tpu.region"() ({
        %run_scoped3A = tpu.sem_alloc : memref<!tpu.dma_semaphore, #tpu.memory_space<semaphore_mem>>
        %dma_start3A = arith.constant 0 : i32
        %dma_start3A_56 = arith.constant 0 : i32
        %dma_start3A_57 = tpu.memref_slice %arg8[%dma_start3A, %dma_start3A_56] : memref<128x128xf32, #tpu.memory_space<vmem>> -> memref<16x128xf32, #tpu.memory_space<vmem>>
        %dma_start3A_58 = arith.constant 9984 : i32
        %dma_start3A_59 = arith.constant 0 : i32
        %dma_start3A_60 = tpu.memref_slice %arg10[%dma_start3A_58, %dma_start3A_59] : memref<10000x128xf32, #tpu.memory_space<vmem_shared>> -> memref<16x128xf32, #tpu.memory_space<vmem_shared>>
        %dma_start3A_61 = arith.constant 9984 : i32
        %dma_start3A_62 = arith.constant 0 : i32
        %dma_start3A_63 = tpu.memref_slice %arg10[%dma_start3A_61, %dma_start3A_62] : memref<10000x128xf32, #tpu.memory_space<vmem_shared>> -> memref<16x128xf32, #tpu.memory_space<vmem_shared>>
        %dma_start3A_64 = arith.constant 0 : i32
        %dma_start3A_65 = arith.constant 0 : i32
        %dma_start3A_66 = tpu.memref_slice %arg8[%dma_start3A_64, %dma_start3A_65] : memref<128x128xf32, #tpu.memory_space<vmem>> -> memref<16x128xf32, #tpu.memory_space<vmem>>
        tpu.enqueue_dma source(%dma_start3A_66 : memref<16x128xf32, #tpu.memory_space<vmem>>) target(%dma_start3A_63 : memref<16x128xf32, #tpu.memory_space<vmem_shared>>) target_semaphore(%run_scoped3A : memref<!tpu.dma_semaphore, #tpu.memory_space<semaphore_mem>>)
        %dma_wait3A = arith.constant 0 : i32
        %dma_wait3A_67 = arith.constant 0 : i32
        %dma_wait3A_68 = tpu.memref_slice %arg8[%dma_wait3A, %dma_wait3A_67] : memref<128x128xf32, #tpu.memory_space<vmem>> -> memref<16x128xf32, #tpu.memory_space<vmem>>
        %dma_wait3A_69 = arith.constant 9984 : i32
        %dma_wait3A_70 = arith.constant 0 : i32
        %dma_wait3A_71 = tpu.memref_slice %arg10[%dma_wait3A_69, %dma_wait3A_70] : memref<10000x128xf32, #tpu.memory_space<vmem_shared>> -> memref<16x128xf32, #tpu.memory_space<vmem_shared>>
        %dma_wait3A_72 = arith.constant 9984 : i32
        %dma_wait3A_73 = arith.constant 0 : i32
        %dma_wait3A_74 = tpu.memref_slice %arg10[%dma_wait3A_72, %dma_wait3A_73] : memref<10000x128xf32, #tpu.memory_space<vmem_shared>> -> memref<16x128xf32, #tpu.memory_space<vmem_shared>>
        %dma_wait3A_75 = arith.constant 0 : i32
        %dma_wait3A_76 = arith.constant 0 : i32
        %dma_wait3A_77 = tpu.memref_slice %arg8[%dma_wait3A_75, %dma_wait3A_76] : memref<128x128xf32, #tpu.memory_space<vmem>> -> memref<16x128xf32, #tpu.memory_space<vmem>>
        tpu.wait_dma2 semaphore(%run_scoped3A : memref<!tpu.dma_semaphore, #tpu.memory_space<semaphore_mem>>) src(%dma_wait3A_77 : memref<16x128xf32, #tpu.memory_space<vmem>>) dst(%dma_wait3A_74 : memref<16x128xf32, #tpu.memory_space<vmem_shared>>)
        tpu.yield
      }) : () -> ()
    } else {
    }
    %barrier3A = arith.constant 0 : index
    tpu.barrier barrier_id(%barrier3A)
    %scan3A_17 = arith.constant 0 : i32
    %scan3A_18 = arith.constant 0 : i32
    %scan3A_19 = arith.constant 79 : i32
    %scan3A_20 = arith.addi %scan3A_18, %scan3A_19 : i32
    %scan3A_21 = arith.constant 1 : i32
    scf.for %scan3A_56 = %scan3A_18 to %scan3A_20 step %scan3A_21  : i32 {
      %mul3A_57 = arith.constant 16 : i32
      %mul3A_58 = arith.muli %scan3A_56, %mul3A_57 : i32
      %add3A_59 = arith.addi %mul3A_58, %arg1 : i32
      %lt3A = arith.constant 1250 : i32
      %lt3A_60 = arith.cmpi slt, %add3A_59, %lt3A : i32
      %convert_element_type3A_61 = arith.extui %lt3A_60 : i1 to i32
      %cond3A_62 = arith.constant 0 : i32
      %cond3A_63 = arith.cmpi ne, %convert_element_type3A_61, %cond3A_62 : i32
      scf.if %cond3A_63 {
        %mul3A_64 = arith.constant 1250 : i32
        %mul3A_65 = arith.muli %arg0, %mul3A_64 : i32
        %add3A_66 = arith.addi %mul3A_65, %add3A_59 : i32
        %mul3A_67 = arith.constant 2 : i32
        %mul3A_68 = arith.muli %add3A_66, %mul3A_67 : i32
        %mul3A_69 = arith.constant 128 : i32
        %mul3A_70 = arith.muli %mul3A_68, %mul3A_69 : i32
        "tpu.region"() ({
          %run_scoped3A = tpu.sem_alloc : memref<!tpu.dma_semaphore, #tpu.memory_space<semaphore_mem>>
          %dma_start3A_209 = tpu.memref_slice %arg3[%mul3A_70] : memref<640000xi32, #tpu.memory_space<hbm>> -> memref<256xi32, #tpu.memory_space<hbm>>
          %dma_start3A_210 = tpu.memref_slice %arg3[%mul3A_70] : memref<640000xi32, #tpu.memory_space<hbm>> -> memref<256xi32, #tpu.memory_space<hbm>>
          tpu.enqueue_dma source(%dma_start3A_210 : memref<256xi32, #tpu.memory_space<hbm>>) target(%arg5 : memref<256xi32, #tpu.memory_space<vmem>>) target_semaphore(%run_scoped3A : memref<!tpu.dma_semaphore, #tpu.memory_space<semaphore_mem>>)
          %dma_wait3A_211 = tpu.memref_slice %arg3[%mul3A_70] : memref<640000xi32, #tpu.memory_space<hbm>> -> memref<256xi32, #tpu.memory_space<hbm>>
          %dma_wait3A_212 = tpu.memref_slice %arg3[%mul3A_70] : memref<640000xi32, #tpu.memory_space<hbm>> -> memref<256xi32, #tpu.memory_space<hbm>>
          tpu.wait_dma2 semaphore(%run_scoped3A : memref<!tpu.dma_semaphore, #tpu.memory_space<semaphore_mem>>) src(%dma_wait3A_212 : memref<256xi32, #tpu.memory_space<hbm>>) dst(%arg5 : memref<256xi32, #tpu.memory_space<vmem>>)
          tpu.yield
        }) : () -> ()
        %get3A = arith.constant 0 : index
        %get3A_71 = tpu.vector_load %arg5[%get3A] {strides = array<i32>} : memref<256xi32, #tpu.memory_space<vmem>>, vector<16xi32>,
        %get3A_72 = vector.shape_cast %get3A_71 : vector<16xi32> to vector<16xi32>
        %add3A_73 = arith.constant 0 : i32
        %add3A_74 = vector.broadcast %add3A_73 : i32 to vector<16xi32>
        %add3A_75 = arith.addi %get3A_72, %add3A_74 : vector<16xi32>
        %swap3A = arith.constant 0 : index
        %swap3A_76 = tpu.vector_load %arg6[%swap3A] {strides = array<i32>} : memref<128xi32, #tpu.memory_space<vmem>>, vector<16xi32>,
        %swap3A_77 = vector.shape_cast %swap3A_76 : vector<16xi32> to vector<16xi32>
        %swap3A_78 = vector.shape_cast %add3A_75 : vector<16xi32> to vector<16xi32>
        tpu.vector_store %arg6[%swap3A], %swap3A_78 {strides = array<i32>} : memref<128xi32, #tpu.memory_space<vmem>>, vector<16xi32>,
        %get3A_79 = arith.constant 128 : index
        %get3A_80 = tpu.vector_load %arg5[%get3A_79] {strides = array<i32>} : memref<256xi32, #tpu.memory_space<vmem>>, vector<16xi32>,
        %get3A_81 = vector.shape_cast %get3A_80 : vector<16xi32> to vector<16xi32>
        %swap3A_82 = arith.constant 0 : index
        %swap3A_83 = tpu.vector_load %arg7[%swap3A_82] {strides = array<i32>} : memref<128xi32, #tpu.memory_space<vmem>>, vector<16xi32>,
        %swap3A_84 = vector.shape_cast %swap3A_83 : vector<16xi32> to vector<16xi32>
        %swap3A_85 = vector.shape_cast %get3A_81 : vector<16xi32> to vector<16xi32>
        tpu.vector_store %arg7[%swap3A_82], %swap3A_85 {strides = array<i32>} : memref<128xi32, #tpu.memory_space<vmem>>, vector<16xi32>,
        %get3A_86 = arith.constant 16 : index
        %get3A_87 = tpu.vector_load %arg5[%get3A_86] {strides = array<i32>} : memref<256xi32, #tpu.memory_space<vmem>>, vector<16xi32>,
        %get3A_88 = vector.shape_cast %get3A_87 : vector<16xi32> to vector<16xi32>
        %add3A_89 = arith.constant 0 : i32
        %add3A_90 = vector.broadcast %add3A_89 : i32 to vector<16xi32>
        %add3A_91 = arith.addi %get3A_88, %add3A_90 : vector<16xi32>
        %swap3A_92 = arith.constant 16 : index
        %swap3A_93 = tpu.vector_load %arg6[%swap3A_92] {strides = array<i32>} : memref<128xi32, #tpu.memory_space<vmem>>, vector<16xi32>,
        %swap3A_94 = vector.shape_cast %swap3A_93 : vector<16xi32> to vector<16xi32>
        %swap3A_95 = vector.shape_cast %add3A_91 : vector<16xi32> to vector<16xi32>
        tpu.vector_store %arg6[%swap3A_92], %swap3A_95 {strides = array<i32>} : memref<128xi32, #tpu.memory_space<vmem>>, vector<16xi32>,
        %get3A_96 = arith.constant 144 : index
        %get3A_97 = tpu.vector_load %arg5[%get3A_96] {strides = array<i32>} : memref<256xi32, #tpu.memory_space<vmem>>, vector<16xi32>,
        %get3A_98 = vector.shape_cast %get3A_97 : vector<16xi32> to vector<16xi32>
        %swap3A_99 = arith.constant 16 : index
        %swap3A_100 = tpu.vector_load %arg7[%swap3A_99] {strides = array<i32>} : memref<128xi32, #tpu.memory_space<vmem>>, vector<16xi32>,
        %swap3A_101 = vector.shape_cast %swap3A_100 : vector<16xi32> to vector<16xi32>
        %swap3A_102 = vector.shape_cast %get3A_98 : vector<16xi32> to vector<16xi32>
        tpu.vector_store %arg7[%swap3A_99], %swap3A_102 {strides = array<i32>} : memref<128xi32, #tpu.memory_space<vmem>>, vector<16xi32>,
        %get3A_103 = arith.constant 32 : index
        %get3A_104 = tpu.vector_load %arg5[%get3A_103] {strides = array<i32>} : memref<256xi32, #tpu.memory_space<vmem>>, vector<16xi32>,
        %get3A_105 = vector.shape_cast %get3A_104 : vector<16xi32> to vector<16xi32>
        %add3A_106 = arith.constant 0 : i32
        %add3A_107 = vector.broadcast %add3A_106 : i32 to vector<16xi32>
        %add3A_108 = arith.addi %get3A_105, %add3A_107 : vector<16xi32>
        %swap3A_109 = arith.constant 32 : index
        %swap3A_110 = tpu.vector_load %arg6[%swap3A_109] {strides = array<i32>} : memref<128xi32, #tpu.memory_space<vmem>>, vector<16xi32>,
        %swap3A_111 = vector.shape_cast %swap3A_110 : vector<16xi32> to vector<16xi32>
        %swap3A_112 = vector.shape_cast %add3A_108 : vector<16xi32> to vector<16xi32>
        tpu.vector_store %arg6[%swap3A_109], %swap3A_112 {strides = array<i32>} : memref<128xi32, #tpu.memory_space<vmem>>, vector<16xi32>,
        %get3A_113 = arith.constant 160 : index
        %get3A_114 = tpu.vector_load %arg5[%get3A_113] {strides = array<i32>} : memref<256xi32, #tpu.memory_space<vmem>>, vector<16xi32>,
        %get3A_115 = vector.shape_cast %get3A_114 : vector<16xi32> to vector<16xi32>
        %swap3A_116 = arith.constant 32 : index
        %swap3A_117 = tpu.vector_load %arg7[%swap3A_116] {strides = array<i32>} : memref<128xi32, #tpu.memory_space<vmem>>, vector<16xi32>,
        %swap3A_118 = vector.shape_cast %swap3A_117 : vector<16xi32> to vector<16xi32>
        %swap3A_119 = vector.shape_cast %get3A_115 : vector<16xi32> to vector<16xi32>
        tpu.vector_store %arg7[%swap3A_116], %swap3A_119 {strides = array<i32>} : memref<128xi32, #tpu.memory_space<vmem>>, vector<16xi32>,
        %get3A_120 = arith.constant 48 : index
        %get3A_121 = tpu.vector_load %arg5[%get3A_120] {strides = array<i32>} : memref<256xi32, #tpu.memory_space<vmem>>, vector<16xi32>,
        %get3A_122 = vector.shape_cast %get3A_121 : vector<16xi32> to vector<16xi32>
        %add3A_123 = arith.constant 0 : i32
        %add3A_124 = vector.broadcast %add3A_123 : i32 to vector<16xi32>
        %add3A_125 = arith.addi %get3A_122, %add3A_124 : vector<16xi32>
        %swap3A_126 = arith.constant 48 : index
        %swap3A_127 = tpu.vector_load %arg6[%swap3A_126] {strides = array<i32>} : memref<128xi32, #tpu.memory_space<vmem>>, vector<16xi32>,
        %swap3A_128 = vector.shape_cast %swap3A_127 : vector<16xi32> to vector<16xi32>
        %swap3A_129 = vector.shape_cast %add3A_125 : vector<16xi32> to vector<16xi32>
        tpu.vector_store %arg6[%swap3A_126], %swap3A_129 {strides = array<i32>} : memref<128xi32, #tpu.memory_space<vmem>>, vector<16xi32>,
        %get3A_130 = arith.constant 176 : index
        %get3A_131 = tpu.vector_load %arg5[%get3A_130] {strides = array<i32>} : memref<256xi32, #tpu.memory_space<vmem>>, vector<16xi32>,
        %get3A_132 = vector.shape_cast %get3A_131 : vector<16xi32> to vector<16xi32>
        %swap3A_133 = arith.constant 48 : index
        %swap3A_134 = tpu.vector_load %arg7[%swap3A_133] {strides = array<i32>} : memref<128xi32, #tpu.memory_space<vmem>>, vector<16xi32>,
        %swap3A_135 = vector.shape_cast %swap3A_134 : vector<16xi32> to vector<16xi32>
        %swap3A_136 = vector.shape_cast %get3A_132 : vector<16xi32> to vector<16xi32>
        tpu.vector_store %arg7[%swap3A_133], %swap3A_136 {strides = array<i32>} : memref<128xi32, #tpu.memory_space<vmem>>, vector<16xi32>,
        %get3A_137 = arith.constant 64 : index
        %get3A_138 = tpu.vector_load %arg5[%get3A_137] {strides = array<i32>} : memref<256xi32, #tpu.memory_space<vmem>>, vector<16xi32>,
        %get3A_139 = vector.shape_cast %get3A_138 : vector<16xi32> to vector<16xi32>
        %add3A_140 = arith.constant 0 : i32
        %add3A_141 = vector.broadcast %add3A_140 : i32 to vector<16xi32>
        %add3A_142 = arith.addi %get3A_139, %add3A_141 : vector<16xi32>
        %swap3A_143 = arith.constant 64 : index
        %swap3A_144 = tpu.vector_load %arg6[%swap3A_143] {strides = array<i32>} : memref<128xi32, #tpu.memory_space<vmem>>, vector<16xi32>,
        %swap3A_145 = vector.shape_cast %swap3A_144 : vector<16xi32> to vector<16xi32>
        %swap3A_146 = vector.shape_cast %add3A_142 : vector<16xi32> to vector<16xi32>
        tpu.vector_store %arg6[%swap3A_143], %swap3A_146 {strides = array<i32>} : memref<128xi32, #tpu.memory_space<vmem>>, vector<16xi32>,
        %get3A_147 = arith.constant 192 : index
        %get3A_148 = tpu.vector_load %arg5[%get3A_147] {strides = array<i32>} : memref<256xi32, #tpu.memory_space<vmem>>, vector<16xi32>,
        %get3A_149 = vector.shape_cast %get3A_148 : vector<16xi32> to vector<16xi32>
        %swap3A_150 = arith.constant 64 : index
        %swap3A_151 = tpu.vector_load %arg7[%swap3A_150] {strides = array<i32>} : memref<128xi32, #tpu.memory_space<vmem>>, vector<16xi32>,
        %swap3A_152 = vector.shape_cast %swap3A_151 : vector<16xi32> to vector<16xi32>
        %swap3A_153 = vector.shape_cast %get3A_149 : vector<16xi32> to vector<16xi32>
        tpu.vector_store %arg7[%swap3A_150], %swap3A_153 {strides = array<i32>} : memref<128xi32, #tpu.memory_space<vmem>>, vector<16xi32>,
        %get3A_154 = arith.constant 80 : index
        %get3A_155 = tpu.vector_load %arg5[%get3A_154] {strides = array<i32>} : memref<256xi32, #tpu.memory_space<vmem>>, vector<16xi32>,
        %get3A_156 = vector.shape_cast %get3A_155 : vector<16xi32> to vector<16xi32>
        %add3A_157 = arith.constant 0 : i32
        %add3A_158 = vector.broadcast %add3A_157 : i32 to vector<16xi32>
        %add3A_159 = arith.addi %get3A_156, %add3A_158 : vector<16xi32>
        %swap3A_160 = arith.constant 80 : index
        %swap3A_161 = tpu.vector_load %arg6[%swap3A_160] {strides = array<i32>} : memref<128xi32, #tpu.memory_space<vmem>>, vector<16xi32>,
        %swap3A_162 = vector.shape_cast %swap3A_161 : vector<16xi32> to vector<16xi32>
        %swap3A_163 = vector.shape_cast %add3A_159 : vector<16xi32> to vector<16xi32>
        tpu.vector_store %arg6[%swap3A_160], %swap3A_163 {strides = array<i32>} : memref<128xi32, #tpu.memory_space<vmem>>, vector<16xi32>,
        %get3A_164 = arith.constant 208 : index
        %get3A_165 = tpu.vector_load %arg5[%get3A_164] {strides = array<i32>} : memref<256xi32, #tpu.memory_space<vmem>>, vector<16xi32>,
        %get3A_166 = vector.shape_cast %get3A_165 : vector<16xi32> to vector<16xi32>
        %swap3A_167 = arith.constant 80 : index
        %swap3A_168 = tpu.vector_load %arg7[%swap3A_167] {strides = array<i32>} : memref<128xi32, #tpu.memory_space<vmem>>, vector<16xi32>,
        %swap3A_169 = vector.shape_cast %swap3A_168 : vector<16xi32> to vector<16xi32>
        %swap3A_170 = vector.shape_cast %get3A_166 : vector<16xi32> to vector<16xi32>
        tpu.vector_store %arg7[%swap3A_167], %swap3A_170 {strides = array<i32>} : memref<128xi32, #tpu.memory_space<vmem>>, vector<16xi32>,
        %get3A_171 = arith.constant 96 : index
        %get3A_172 = tpu.vector_load %arg5[%get3A_171] {strides = array<i32>} : memref<256xi32, #tpu.memory_space<vmem>>, vector<16xi32>,
        %get3A_173 = vector.shape_cast %get3A_172 : vector<16xi32> to vector<16xi32>
        %add3A_174 = arith.constant 0 : i32
        %add3A_175 = vector.broadcast %add3A_174 : i32 to vector<16xi32>
        %add3A_176 = arith.addi %get3A_173, %add3A_175 : vector<16xi32>
        %swap3A_177 = arith.constant 96 : index
        %swap3A_178 = tpu.vector_load %arg6[%swap3A_177] {strides = array<i32>} : memref<128xi32, #tpu.memory_space<vmem>>, vector<16xi32>,
        %swap3A_179 = vector.shape_cast %swap3A_178 : vector<16xi32> to vector<16xi32>
        %swap3A_180 = vector.shape_cast %add3A_176 : vector<16xi32> to vector<16xi32>
        tpu.vector_store %arg6[%swap3A_177], %swap3A_180 {strides = array<i32>} : memref<128xi32, #tpu.memory_space<vmem>>, vector<16xi32>,
        %get3A_181 = arith.constant 224 : index
        %get3A_182 = tpu.vector_load %arg5[%get3A_181] {strides = array<i32>} : memref<256xi32, #tpu.memory_space<vmem>>, vector<16xi32>,
        %get3A_183 = vector.shape_cast %get3A_182 : vector<16xi32> to vector<16xi32>
        %swap3A_184 = arith.constant 96 : index
        %swap3A_185 = tpu.vector_load %arg7[%swap3A_184] {strides = array<i32>} : memref<128xi32, #tpu.memory_space<vmem>>, vector<16xi32>,
        %swap3A_186 = vector.shape_cast %swap3A_185 : vector<16xi32> to vector<16xi32>
        %swap3A_187 = vector.shape_cast %get3A_183 : vector<16xi32> to vector<16xi32>
        tpu.vector_store %arg7[%swap3A_184], %swap3A_187 {strides = array<i32>} : memref<128xi32, #tpu.memory_space<vmem>>, vector<16xi32>,
        %get3A_188 = arith.constant 112 : index
        %get3A_189 = tpu.vector_load %arg5[%get3A_188] {strides = array<i32>} : memref<256xi32, #tpu.memory_space<vmem>>, vector<16xi32>,
        %get3A_190 = vector.shape_cast %get3A_189 : vector<16xi32> to vector<16xi32>
        %add3A_191 = arith.constant 0 : i32
        %add3A_192 = vector.broadcast %add3A_191 : i32 to vector<16xi32>
        %add3A_193 = arith.addi %get3A_190, %add3A_192 : vector<16xi32>
        %swap3A_194 = arith.constant 112 : index
        %swap3A_195 = tpu.vector_load %arg6[%swap3A_194] {strides = array<i32>} : memref<128xi32, #tpu.memory_space<vmem>>, vector<16xi32>,
        %swap3A_196 = vector.shape_cast %swap3A_195 : vector<16xi32> to vector<16xi32>
        %swap3A_197 = vector.shape_cast %add3A_193 : vector<16xi32> to vector<16xi32>
        tpu.vector_store %arg6[%swap3A_194], %swap3A_197 {strides = array<i32>} : memref<128xi32, #tpu.memory_space<vmem>>, vector<16xi32>,
        %get3A_198 = arith.constant 240 : index
        %get3A_199 = tpu.vector_load %arg5[%get3A_198] {strides = array<i32>} : memref<256xi32, #tpu.memory_space<vmem>>, vector<16xi32>,
        %get3A_200 = vector.shape_cast %get3A_199 : vector<16xi32> to vector<16xi32>
        %swap3A_201 = arith.constant 112 : index
        %swap3A_202 = tpu.vector_load %arg7[%swap3A_201] {strides = array<i32>} : memref<128xi32, #tpu.memory_space<vmem>>, vector<16xi32>,
        %swap3A_203 = vector.shape_cast %swap3A_202 : vector<16xi32> to vector<16xi32>
        %swap3A_204 = vector.shape_cast %get3A_200 : vector<16xi32> to vector<16xi32>
        tpu.vector_store %arg7[%swap3A_201], %swap3A_204 {strides = array<i32>} : memref<128xi32, #tpu.memory_space<vmem>>, vector<16xi32>,
        %dma_start3A = arith.constant 0 : i32
        %dma_start3A_205 = arith.constant 0 : i32
        %dma_start3A_206 = tpu.memref_slice %arg2[%dma_start3A, %dma_start3A_205] : memref<10000x128xf32, #tpu.memory_space<hbm>> -> memref<10000x128xf32, #tpu.memory_space<hbm>>
        tpu.enqueue_indirect_dma source(%dma_start3A_206 : memref<10000x128xf32, #tpu.memory_space<hbm>>) target(%arg8 : memref<128x128xf32, #tpu.memory_space<vmem>>) offsets(%arg6 : memref<128xi32, #tpu.memory_space<vmem>>) semaphore(%arg9 : memref<!tpu.dma_semaphore, #tpu.memory_space<semaphore_mem>>)
        %dma_wait3A = arith.constant 0 : i32
        %dma_wait3A_207 = arith.constant 0 : i32
        %dma_wait3A_208 = tpu.memref_slice %arg2[%dma_wait3A, %dma_wait3A_207] : memref<10000x128xf32, #tpu.memory_space<hbm>> -> memref<10000x128xf32, #tpu.memory_space<hbm>>
        tpu.wait_indirect_dma semaphore(%arg9 : memref<!tpu.dma_semaphore, #tpu.memory_space<semaphore_mem>>) src(%dma_wait3A_208 : memref<10000x128xf32, #tpu.memory_space<hbm>>) dst(%arg8 : memref<128x128xf32, #tpu.memory_space<vmem>>)
        "tpu.region"() ({
          %run_scoped3A = tpu.sem_alloc : memref<!tpu.dma_semaphore, #tpu.memory_space<semaphore_mem>>
          %dma_start3A_209 = arith.constant 0 : i32
          %dma_start3A_210 = arith.constant 0 : i32
          %dma_start3A_211 = tpu.memref_slice %arg10[%dma_start3A_209, %dma_start3A_210] : memref<10000x128xf32, #tpu.memory_space<vmem_shared>> -> memref<10000x128xf32, #tpu.memory_space<vmem_shared>>
          tpu.enqueue_indirect_dma source(%arg8 : memref<128x128xf32, #tpu.memory_space<vmem>>) target(%dma_start3A_211 : memref<10000x128xf32, #tpu.memory_space<vmem_shared>>) offsets(%arg7 : memref<128xi32, #tpu.memory_space<vmem>>) semaphore(%run_scoped3A : memref<!tpu.dma_semaphore, #tpu.memory_space<semaphore_mem>>) {add = true}
          %dma_wait3A_212 = arith.constant 0 : i32
          %dma_wait3A_213 = arith.constant 0 : i32
          %dma_wait3A_214 = tpu.memref_slice %arg10[%dma_wait3A_212, %dma_wait3A_213] : memref<10000x128xf32, #tpu.memory_space<vmem_shared>> -> memref<10000x128xf32, #tpu.memory_space<vmem_shared>>
          tpu.wait_indirect_dma semaphore(%run_scoped3A : memref<!tpu.dma_semaphore, #tpu.memory_space<semaphore_mem>>) src(%arg8 : memref<128x128xf32, #tpu.memory_space<vmem>>) dst(%dma_wait3A_214 : memref<10000x128xf32, #tpu.memory_space<vmem_shared>>)
          tpu.yield
        }) : () -> ()
      } else {
      }
    }
    %scan3A_22 = arith.constant 79 : i32
    %barrier3A_23 = arith.constant 0 : index
    tpu.barrier barrier_id(%barrier3A_23)
    %mul3A_24 = arith.constant 624 : i32
    %mul3A_25 = arith.muli %arg1, %mul3A_24 : i32
    %multiple_of3A_26 = tpu.assume_multiple %mul3A_25, 8 : i32
    %mul3A_27 = arith.constant 10000 : i32
    %mul3A_28 = arith.muli %arg0, %mul3A_27 : i32
    %add3A_29 = arith.addi %mul3A_28, %multiple_of3A_26 : i32
    %multiple_of3A_30 = tpu.assume_multiple %add3A_29, 8 : i32
    %add3A_31 = arith.constant 0 : i32
    %add3A_32 = arith.addi %multiple_of3A_26, %add3A_31 : i32
    %add3A_33 = arith.constant 0 : i32
    %add3A_34 = arith.addi %multiple_of3A_30, %add3A_33 : i32
    "tpu.region"() ({
      %run_scoped3A = tpu.sem_alloc : memref<!tpu.dma_semaphore, #tpu.memory_space<semaphore_mem>>
      %dma_start3A = arith.constant 0 : i32
      %dma_start3A_56 = tpu.memref_slice %arg4[%add3A_34, %dma_start3A] : memref<20000x128xf32, #tpu.memory_space<hbm>> -> memref<128x128xf32, #tpu.memory_space<hbm>>
      %dma_start3A_57 = arith.constant 0 : i32
      %dma_start3A_58 = tpu.memref_slice %arg10[%add3A_32, %dma_start3A_57] : memref<10000x128xf32, #tpu.memory_space<vmem_shared>> -> memref<128x128xf32, #tpu.memory_space<vmem_shared>>
      tpu.enqueue_dma source(%dma_start3A_58 : memref<128x128xf32, #tpu.memory_space<vmem_shared>>) target(%dma_start3A_56 : memref<128x128xf32, #tpu.memory_space<hbm>>) target_semaphore(%run_scoped3A : memref<!tpu.dma_semaphore, #tpu.memory_space<semaphore_mem>>)
      %dma_wait3A = arith.constant 0 : i32
      %dma_wait3A_59 = tpu.memref_slice %arg4[%add3A_34, %dma_wait3A] : memref<20000x128xf32, #tpu.memory_space<hbm>> -> memref<128x128xf32, #tpu.memory_space<hbm>>
      %dma_wait3A_60 = arith.constant 0 : i32
      %dma_wait3A_61 = tpu.memref_slice %arg10[%add3A_32, %dma_wait3A_60] : memref<10000x128xf32, #tpu.memory_space<vmem_shared>> -> memref<128x128xf32, #tpu.memory_space<vmem_shared>>
      tpu.wait_dma2 semaphore(%run_scoped3A : memref<!tpu.dma_semaphore, #tpu.memory_space<semaphore_mem>>) src(%dma_wait3A_61 : memref<128x128xf32, #tpu.memory_space<vmem_shared>>) dst(%dma_wait3A_59 : memref<128x128xf32, #tpu.memory_space<hbm>>)
      tpu.yield
    }) : () -> ()
    %add3A_35 = arith.constant 128 : i32
    %add3A_36 = arith.addi %multiple_of3A_26, %add3A_35 : i32
    %add3A_37 = arith.constant 128 : i32
    %add3A_38 = arith.addi %multiple_of3A_30, %add3A_37 : i32
    "tpu.region"() ({
      %run_scoped3A = tpu.sem_alloc : memref<!tpu.dma_semaphore, #tpu.memory_space<semaphore_mem>>
      %dma_start3A = arith.constant 0 : i32
      %dma_start3A_56 = tpu.memref_slice %arg4[%add3A_38, %dma_start3A] : memref<20000x128xf32, #tpu.memory_space<hbm>> -> memref<128x128xf32, #tpu.memory_space<hbm>>
      %dma_start3A_57 = arith.constant 0 : i32
      %dma_start3A_58 = tpu.memref_slice %arg10[%add3A_36, %dma_start3A_57] : memref<10000x128xf32, #tpu.memory_space<vmem_shared>> -> memref<128x128xf32, #tpu.memory_space<vmem_shared>>
      tpu.enqueue_dma source(%dma_start3A_58 : memref<128x128xf32, #tpu.memory_space<vmem_shared>>) target(%dma_start3A_56 : memref<128x128xf32, #tpu.memory_space<hbm>>) target_semaphore(%run_scoped3A : memref<!tpu.dma_semaphore, #tpu.memory_space<semaphore_mem>>)
      %dma_wait3A = arith.constant 0 : i32
      %dma_wait3A_59 = tpu.memref_slice %arg4[%add3A_38, %dma_wait3A] : memref<20000x128xf32, #tpu.memory_space<hbm>> -> memref<128x128xf32, #tpu.memory_space<hbm>>
      %dma_wait3A_60 = arith.constant 0 : i32
      %dma_wait3A_61 = tpu.memref_slice %arg10[%add3A_36, %dma_wait3A_60] : memref<10000x128xf32, #tpu.memory_space<vmem_shared>> -> memref<128x128xf32, #tpu.memory_space<vmem_shared>>
      tpu.wait_dma2 semaphore(%run_scoped3A : memref<!tpu.dma_semaphore, #tpu.memory_space<semaphore_mem>>) src(%dma_wait3A_61 : memref<128x128xf32, #tpu.memory_space<vmem_shared>>) dst(%dma_wait3A_59 : memref<128x128xf32, #tpu.memory_space<hbm>>)
      tpu.yield
    }) : () -> ()
    %add3A_39 = arith.constant 256 : i32
    %add3A_40 = arith.addi %multiple_of3A_26, %add3A_39 : i32
    %add3A_41 = arith.constant 256 : i32
    %add3A_42 = arith.addi %multiple_of3A_30, %add3A_41 : i32
    "tpu.region"() ({
      %run_scoped3A = tpu.sem_alloc : memref<!tpu.dma_semaphore, #tpu.memory_space<semaphore_mem>>
      %dma_start3A = arith.constant 0 : i32
      %dma_start3A_56 = tpu.memref_slice %arg4[%add3A_42, %dma_start3A] : memref<20000x128xf32, #tpu.memory_space<hbm>> -> memref<128x128xf32, #tpu.memory_space<hbm>>
      %dma_start3A_57 = arith.constant 0 : i32
      %dma_start3A_58 = tpu.memref_slice %arg10[%add3A_40, %dma_start3A_57] : memref<10000x128xf32, #tpu.memory_space<vmem_shared>> -> memref<128x128xf32, #tpu.memory_space<vmem_shared>>
      tpu.enqueue_dma source(%dma_start3A_58 : memref<128x128xf32, #tpu.memory_space<vmem_shared>>) target(%dma_start3A_56 : memref<128x128xf32, #tpu.memory_space<hbm>>) target_semaphore(%run_scoped3A : memref<!tpu.dma_semaphore, #tpu.memory_space<semaphore_mem>>)
      %dma_wait3A = arith.constant 0 : i32
      %dma_wait3A_59 = tpu.memref_slice %arg4[%add3A_42, %dma_wait3A] : memref<20000x128xf32, #tpu.memory_space<hbm>> -> memref<128x128xf32, #tpu.memory_space<hbm>>
      %dma_wait3A_60 = arith.constant 0 : i32
      %dma_wait3A_61 = tpu.memref_slice %arg10[%add3A_40, %dma_wait3A_60] : memref<10000x128xf32, #tpu.memory_space<vmem_shared>> -> memref<128x128xf32, #tpu.memory_space<vmem_shared>>
      tpu.wait_dma2 semaphore(%run_scoped3A : memref<!tpu.dma_semaphore, #tpu.memory_space<semaphore_mem>>) src(%dma_wait3A_61 : memref<128x128xf32, #tpu.memory_space<vmem_shared>>) dst(%dma_wait3A_59 : memref<128x128xf32, #tpu.memory_space<hbm>>)
      tpu.yield
    }) : () -> ()
    %add3A_43 = arith.constant 384 : i32
    %add3A_44 = arith.addi %multiple_of3A_26, %add3A_43 : i32
    %add3A_45 = arith.constant 384 : i32
    %add3A_46 = arith.addi %multiple_of3A_30, %add3A_45 : i32
    "tpu.region"() ({
      %run_scoped3A = tpu.sem_alloc : memref<!tpu.dma_semaphore, #tpu.memory_space<semaphore_mem>>
      %dma_start3A = arith.constant 0 : i32
      %dma_start3A_56 = tpu.memref_slice %arg4[%add3A_46, %dma_start3A] : memref<20000x128xf32, #tpu.memory_space<hbm>> -> memref<128x128xf32, #tpu.memory_space<hbm>>
      %dma_start3A_57 = arith.constant 0 : i32
      %dma_start3A_58 = tpu.memref_slice %arg10[%add3A_44, %dma_start3A_57] : memref<10000x128xf32, #tpu.memory_space<vmem_shared>> -> memref<128x128xf32, #tpu.memory_space<vmem_shared>>
      tpu.enqueue_dma source(%dma_start3A_58 : memref<128x128xf32, #tpu.memory_space<vmem_shared>>) target(%dma_start3A_56 : memref<128x128xf32, #tpu.memory_space<hbm>>) target_semaphore(%run_scoped3A : memref<!tpu.dma_semaphore, #tpu.memory_space<semaphore_mem>>)
      %dma_wait3A = arith.constant 0 : i32
      %dma_wait3A_59 = tpu.memref_slice %arg4[%add3A_46, %dma_wait3A] : memref<20000x128xf32, #tpu.memory_space<hbm>> -> memref<128x128xf32, #tpu.memory_space<hbm>>
      %dma_wait3A_60 = arith.constant 0 : i32
      %dma_wait3A_61 = tpu.memref_slice %arg10[%add3A_44, %dma_wait3A_60] : memref<10000x128xf32, #tpu.memory_space<vmem_shared>> -> memref<128x128xf32, #tpu.memory_space<vmem_shared>>
      tpu.wait_dma2 semaphore(%run_scoped3A : memref<!tpu.dma_semaphore, #tpu.memory_space<semaphore_mem>>) src(%dma_wait3A_61 : memref<128x128xf32, #tpu.memory_space<vmem_shared>>) dst(%dma_wait3A_59 : memref<128x128xf32, #tpu.memory_space<hbm>>)
      tpu.yield
    }) : () -> ()
    %add3A_47 = arith.constant 512 : i32
    %add3A_48 = arith.addi %multiple_of3A_26, %add3A_47 : i32
    %add3A_49 = arith.constant 512 : i32
    %add3A_50 = arith.addi %multiple_of3A_30, %add3A_49 : i32
    "tpu.region"() ({
      %run_scoped3A = tpu.sem_alloc : memref<!tpu.dma_semaphore, #tpu.memory_space<semaphore_mem>>
      %dma_start3A = arith.constant 0 : i32
      %dma_start3A_56 = tpu.memref_slice %arg4[%add3A_50, %dma_start3A] : memref<20000x128xf32, #tpu.memory_space<hbm>> -> memref<112x128xf32, #tpu.memory_space<hbm>>
      %dma_start3A_57 = arith.constant 0 : i32
      %dma_start3A_58 = tpu.memref_slice %arg10[%add3A_48, %dma_start3A_57] : memref<10000x128xf32, #tpu.memory_space<vmem_shared>> -> memref<112x128xf32, #tpu.memory_space<vmem_shared>>
      tpu.enqueue_dma source(%dma_start3A_58 : memref<112x128xf32, #tpu.memory_space<vmem_shared>>) target(%dma_start3A_56 : memref<112x128xf32, #tpu.memory_space<hbm>>) target_semaphore(%run_scoped3A : memref<!tpu.dma_semaphore, #tpu.memory_space<semaphore_mem>>)
      %dma_wait3A = arith.constant 0 : i32
      %dma_wait3A_59 = tpu.memref_slice %arg4[%add3A_50, %dma_wait3A] : memref<20000x128xf32, #tpu.memory_space<hbm>> -> memref<112x128xf32, #tpu.memory_space<hbm>>
      %dma_wait3A_60 = arith.constant 0 : i32
      %dma_wait3A_61 = tpu.memref_slice %arg10[%add3A_48, %dma_wait3A_60] : memref<10000x128xf32, #tpu.memory_space<vmem_shared>> -> memref<112x128xf32, #tpu.memory_space<vmem_shared>>
      tpu.wait_dma2 semaphore(%run_scoped3A : memref<!tpu.dma_semaphore, #tpu.memory_space<semaphore_mem>>) src(%dma_wait3A_61 : memref<112x128xf32, #tpu.memory_space<vmem_shared>>) dst(%dma_wait3A_59 : memref<112x128xf32, #tpu.memory_space<hbm>>)
      tpu.yield
    }) : () -> ()
    %eq3A_51 = arith.constant 0 : i32
    %eq3A_52 = arith.cmpi eq, %arg1, %eq3A_51 : i32
    %convert_element_type3A_53 = arith.extui %eq3A_52 : i1 to i32
    %cond3A_54 = arith.constant 0 : i32
    %cond3A_55 = arith.cmpi ne, %convert_element_type3A_53, %cond3A_54 : i32
    scf.if %cond3A_55 {
      %mul3A_56 = arith.constant 10000 : i32
      %mul3A_57 = arith.muli %arg0, %mul3A_56 : i32
      %add3A_58 = arith.constant 9984 : i32
      %add3A_59 = arith.addi %mul3A_57, %add3A_58 : i32
      %multiple_of3A_60 = tpu.assume_multiple %add3A_59, 8 : i32
      "tpu.region"() ({
        %run_scoped3A = tpu.sem_alloc : memref<!tpu.dma_semaphore, #tpu.memory_space<semaphore_mem>>
        %dma_start3A = arith.constant 0 : i32
        %dma_start3A_61 = tpu.memref_slice %arg4[%multiple_of3A_60, %dma_start3A] : memref<20000x128xf32, #tpu.memory_space<hbm>> -> memref<16x128xf32, #tpu.memory_space<hbm>>
        %dma_start3A_62 = arith.constant 9984 : i32
        %dma_start3A_63 = arith.constant 0 : i32
        %dma_start3A_64 = tpu.memref_slice %arg10[%dma_start3A_62, %dma_start3A_63] : memref<10000x128xf32, #tpu.memory_space<vmem_shared>> -> memref<16x128xf32, #tpu.memory_space<vmem_shared>>
        tpu.enqueue_dma source(%dma_start3A_64 : memref<16x128xf32, #tpu.memory_space<vmem_shared>>) target(%dma_start3A_61 : memref<16x128xf32, #tpu.memory_space<hbm>>) target_semaphore(%run_scoped3A : memref<!tpu.dma_semaphore, #tpu.memory_space<semaphore_mem>>)
        %dma_wait3A = arith.constant 0 : i32
        %dma_wait3A_65 = tpu.memref_slice %arg4[%multiple_of3A_60, %dma_wait3A] : memref<20000x128xf32, #tpu.memory_space<hbm>> -> memref<16x128xf32, #tpu.memory_space<hbm>>
        %dma_wait3A_66 = arith.constant 9984 : i32
        %dma_wait3A_67 = arith.constant 0 : i32
        %dma_wait3A_68 = tpu.memref_slice %arg10[%dma_wait3A_66, %dma_wait3A_67] : memref<10000x128xf32, #tpu.memory_space<vmem_shared>> -> memref<16x128xf32, #tpu.memory_space<vmem_shared>>
        tpu.wait_dma2 semaphore(%run_scoped3A : memref<!tpu.dma_semaphore, #tpu.memory_space<semaphore_mem>>) src(%dma_wait3A_68 : memref<16x128xf32, #tpu.memory_space<vmem_shared>>) dst(%dma_wait3A_65 : memref<16x128xf32, #tpu.memory_space<hbm>>)
        tpu.yield
      }) : () -> ()
    } else {
    }
    return
  }
}

#map = affine_map<(d0, d1) -> (0, 0)>
#map1 = affine_map<(d0, d1) -> (0)>
module attributes {stable_mosaic.version = 14 : i64} {
  func.func @agg_kernel(%arg0: i32, %arg1: i32, %arg2: memref<20000x128xf32, #tpu.memory_space<hbm>>, %arg3: memref<640000xi32, #tpu.memory_space<hbm>>, %arg4: memref<20000x128xf32, #tpu.memory_space<hbm>>, %arg5: memref<256xi32, #tpu.memory_space<vmem>>, %arg6: memref<128xi32, #tpu.memory_space<vmem>>, %arg7: memref<128xi32, #tpu.memory_space<vmem>>, %arg8: memref<128x128xf32, #tpu.memory_space<vmem>>, %arg9: memref<!tpu.dma_semaphore, #tpu.memory_space<semaphore_mem>>, %arg10: memref<10000x128xf32, #tpu.memory_space<vmem_shared>>) attributes {dimension_semantics = [#tpu.dimension_semantics<core_parallel>, #tpu.dimension_semantics<subcore_parallel>], iteration_bounds = array<i64: 2, 16>, scalar_prefetch = 0 : i64, scratch_operands = 6 : i64, tpu.core_type = #tpu.core_type<sc_vector_subcore>, window_params = [{transform_indices = #map}, {transform_indices = #map1}, {transform_indices = #map}]} {
    %scan3A = arith.constant 0 : i32
    %scan3A_0 = arith.constant 0 : i32
    %scan3A_1 = arith.constant 1024 : i32
    %scan3A_2 = arith.addi %scan3A_0, %scan3A_1 : i32
    %scan3A_3 = arith.constant 1 : i32
    scf.for %scan3A_56 = %scan3A_0 to %scan3A_2 step %scan3A_3  : i32 {
      %jit3A = arith.constant 8 : i32
      %div3A = arith.divsi %scan3A_56, %jit3A : i32
      %sign3A = arith.constant 0 : i32
      %sign3A_57 = arith.cmpi sgt, %scan3A_56, %sign3A : i32
      %sign3A_58 = arith.extui %sign3A_57 : i1 to i32
      %sign3A_59 = arith.constant 0 : i32
      %sign3A_60 = arith.cmpi slt, %scan3A_56, %sign3A_59 : i32
      %sign3A_61 = arith.extui %sign3A_60 : i1 to i32
      %sign3A_62 = arith.subi %sign3A_58, %sign3A_61 : i32
      %sign3A_63 = arith.constant 0 : i32
      %sign3A_64 = arith.cmpi sgt, %jit3A, %sign3A_63 : i32
      %sign3A_65 = arith.extui %sign3A_64 : i1 to i32
      %sign3A_66 = arith.constant 0 : i32
      %sign3A_67 = arith.cmpi slt, %jit3A, %sign3A_66 : i32
      %sign3A_68 = arith.extui %sign3A_67 : i1 to i32
      %sign3A_69 = arith.subi %sign3A_65, %sign3A_68 : i32
      %ne3A = arith.cmpi ne, %sign3A_62, %sign3A_69 : i32
      %rem3A = arith.remsi %scan3A_56, %jit3A : i32
      %ne3A_70 = arith.constant 0 : i32
      %ne3A_71 = arith.cmpi ne, %rem3A, %ne3A_70 : i32
      %and3A = arith.andi %ne3A, %ne3A_71 : i1
      %sub3A = arith.constant 1 : i32
      %sub3A_72 = arith.subi %div3A, %sub3A : i32
      %select_n3A = arith.select %and3A, %sub3A_72, %div3A : i32
      %jit3A_73 = arith.constant 8 : i32
      %eq3A_74 = arith.constant 0 : i32
      %eq3A_75 = arith.cmpi eq, %jit3A_73, %eq3A_74 : i32
      %jit3A_76 = arith.constant 1 : i32
      %select_n3A_77 = arith.select %eq3A_75, %jit3A_76, %jit3A_73 : i32
      %rem3A_78 = arith.remsi %scan3A_56, %select_n3A_77 : i32
      %ne3A_79 = arith.constant 0 : i32
      %ne3A_80 = arith.cmpi ne, %rem3A_78, %ne3A_79 : i32
      %lt3A = arith.constant 0 : i32
      %lt3A_81 = arith.cmpi slt, %rem3A_78, %lt3A : i32
      %lt3A_82 = arith.constant 0 : i32
      %lt3A_83 = arith.cmpi slt, %select_n3A_77, %lt3A_82 : i32
      %ne3A_84 = arith.xori %lt3A_81, %lt3A_83 : i1
      %and3A_85 = arith.andi %ne3A_84, %ne3A_80 : i1
      %add3A_86 = arith.addi %rem3A_78, %select_n3A_77 : i32
      %select_n3A_87 = arith.select %and3A_85, %add3A_86, %rem3A_78 : i32
      %broadcast_in_dim3A = arith.constant 0.000000e+00 : f32
      %broadcast_in_dim3A_88 = vector.broadcast %broadcast_in_dim3A : f32 to vector<16xf32>
      %mul3A_89 = arith.constant 16 : i32
      %mul3A_90 = arith.muli %select_n3A_87, %mul3A_89 : i32
      %swap3A = arith.index_cast %select_n3A : i32 to index
      %swap3A_91 = arith.index_cast %mul3A_90 : i32 to index
      %swap3A_92 = tpu.vector_load %arg8[%swap3A, %swap3A_91] {strides = array<i32>} : memref<128x128xf32, #tpu.memory_space<vmem>>, vector<1x16xf32>,
      %swap3A_93 = vector.shape_cast %swap3A_92 : vector<1x16xf32> to vector<16xf32>
      %swap3A_94 = vector.shape_cast %broadcast_in_dim3A_88 : vector<16xf32> to vector<1x16xf32>
      tpu.vector_store %arg8[%swap3A, %swap3A_91], %swap3A_94 {strides = array<i32>} : memref<128x128xf32, #tpu.memory_space<vmem>>, vector<1x16xf32>,
    }
    %scan3A_4 = arith.constant 1024 : i32
    %mul3A = arith.constant 624 : i32
    %mul3A_5 = arith.muli %arg1, %mul3A : i32
    %multiple_of3A = tpu.assume_multiple %mul3A_5, 8 : i32
    %add3A = arith.constant 0 : i32
    %add3A_6 = arith.addi %multiple_of3A, %add3A : i32
    "tpu.region"() ({
      %run_scoped3A = tpu.sem_alloc : memref<!tpu.dma_semaphore, #tpu.memory_space<semaphore_mem>>
      %dma_start3A = arith.constant 0 : i32
      %dma_start3A_56 = arith.constant 0 : i32
      %dma_start3A_57 = tpu.memref_slice %arg8[%dma_start3A, %dma_start3A_56] : memref<128x128xf32, #tpu.memory_space<vmem>> -> memref<128x128xf32, #tpu.memory_space<vmem>>
      %dma_start3A_58 = arith.constant 0 : i32
      %dma_start3A_59 = tpu.memref_slice %arg10[%add3A_6, %dma_start3A_58] : memref<10000x128xf32, #tpu.memory_space<vmem_shared>> -> memref<128x128xf32, #tpu.memory_space<vmem_shared>>
      %dma_start3A_60 = arith.constant 0 : i32
      %dma_start3A_61 = tpu.memref_slice %arg10[%add3A_6, %dma_start3A_60] : memref<10000x128xf32, #tpu.memory_space<vmem_shared>> -> memref<128x128xf32, #tpu.memory_space<vmem_shared>>
      %dma_start3A_62 = arith.constant 0 : i32
      %dma_start3A_63 = arith.constant 0 : i32
      %dma_start3A_64 = tpu.memref_slice %arg8[%dma_start3A_62, %dma_start3A_63] : memref<128x128xf32, #tpu.memory_space<vmem>> -> memref<128x128xf32, #tpu.memory_space<vmem>>
      tpu.enqueue_dma source(%dma_start3A_64 : memref<128x128xf32, #tpu.memory_space<vmem>>) target(%dma_start3A_61 : memref<128x128xf32, #tpu.memory_space<vmem_shared>>) target_semaphore(%run_scoped3A : memref<!tpu.dma_semaphore, #tpu.memory_space<semaphore_mem>>)
      %dma_wait3A = arith.constant 0 : i32
      %dma_wait3A_65 = arith.constant 0 : i32
      %dma_wait3A_66 = tpu.memref_slice %arg8[%dma_wait3A, %dma_wait3A_65] : memref<128x128xf32, #tpu.memory_space<vmem>> -> memref<128x128xf32, #tpu.memory_space<vmem>>
      %dma_wait3A_67 = arith.constant 0 : i32
      %dma_wait3A_68 = tpu.memref_slice %arg10[%add3A_6, %dma_wait3A_67] : memref<10000x128xf32, #tpu.memory_space<vmem_shared>> -> memref<128x128xf32, #tpu.memory_space<vmem_shared>>
      %dma_wait3A_69 = arith.constant 0 : i32
      %dma_wait3A_70 = tpu.memref_slice %arg10[%add3A_6, %dma_wait3A_69] : memref<10000x128xf32, #tpu.memory_space<vmem_shared>> -> memref<128x128xf32, #tpu.memory_space<vmem_shared>>
      %dma_wait3A_71 = arith.constant 0 : i32
      %dma_wait3A_72 = arith.constant 0 : i32
      %dma_wait3A_73 = tpu.memref_slice %arg8[%dma_wait3A_71, %dma_wait3A_72] : memref<128x128xf32, #tpu.memory_space<vmem>> -> memref<128x128xf32, #tpu.memory_space<vmem>>
      tpu.wait_dma2 semaphore(%run_scoped3A : memref<!tpu.dma_semaphore, #tpu.memory_space<semaphore_mem>>) src(%dma_wait3A_73 : memref<128x128xf32, #tpu.memory_space<vmem>>) dst(%dma_wait3A_70 : memref<128x128xf32, #tpu.memory_space<vmem_shared>>)
      tpu.yield
    }) : () -> ()
    %add3A_7 = arith.constant 128 : i32
    %add3A_8 = arith.addi %multiple_of3A, %add3A_7 : i32
    "tpu.region"() ({
      %run_scoped3A = tpu.sem_alloc : memref<!tpu.dma_semaphore, #tpu.memory_space<semaphore_mem>>
      %dma_start3A = arith.constant 0 : i32
      %dma_start3A_56 = arith.constant 0 : i32
      %dma_start3A_57 = tpu.memref_slice %arg8[%dma_start3A, %dma_start3A_56] : memref<128x128xf32, #tpu.memory_space<vmem>> -> memref<128x128xf32, #tpu.memory_space<vmem>>
      %dma_start3A_58 = arith.constant 0 : i32
      %dma_start3A_59 = tpu.memref_slice %arg10[%add3A_8, %dma_start3A_58] : memref<10000x128xf32, #tpu.memory_space<vmem_shared>> -> memref<128x128xf32, #tpu.memory_space<vmem_shared>>
      %dma_start3A_60 = arith.constant 0 : i32
      %dma_start3A_61 = tpu.memref_slice %arg10[%add3A_8, %dma_start3A_60] : memref<10000x128xf32, #tpu.memory_space<vmem_shared>> -> memref<128x128xf32, #tpu.memory_space<vmem_shared>>
      %dma_start3A_62 = arith.constant 0 : i32
      %dma_start3A_63 = arith.constant 0 : i32
      %dma_start3A_64 = tpu.memref_slice %arg8[%dma_start3A_62, %dma_start3A_63] : memref<128x128xf32, #tpu.memory_space<vmem>> -> memref<128x128xf32, #tpu.memory_space<vmem>>
      tpu.enqueue_dma source(%dma_start3A_64 : memref<128x128xf32, #tpu.memory_space<vmem>>) target(%dma_start3A_61 : memref<128x128xf32, #tpu.memory_space<vmem_shared>>) target_semaphore(%run_scoped3A : memref<!tpu.dma_semaphore, #tpu.memory_space<semaphore_mem>>)
      %dma_wait3A = arith.constant 0 : i32
      %dma_wait3A_65 = arith.constant 0 : i32
      %dma_wait3A_66 = tpu.memref_slice %arg8[%dma_wait3A, %dma_wait3A_65] : memref<128x128xf32, #tpu.memory_space<vmem>> -> memref<128x128xf32, #tpu.memory_space<vmem>>
      %dma_wait3A_67 = arith.constant 0 : i32
      %dma_wait3A_68 = tpu.memref_slice %arg10[%add3A_8, %dma_wait3A_67] : memref<10000x128xf32, #tpu.memory_space<vmem_shared>> -> memref<128x128xf32, #tpu.memory_space<vmem_shared>>
      %dma_wait3A_69 = arith.constant 0 : i32
      %dma_wait3A_70 = tpu.memref_slice %arg10[%add3A_8, %dma_wait3A_69] : memref<10000x128xf32, #tpu.memory_space<vmem_shared>> -> memref<128x128xf32, #tpu.memory_space<vmem_shared>>
      %dma_wait3A_71 = arith.constant 0 : i32
      %dma_wait3A_72 = arith.constant 0 : i32
      %dma_wait3A_73 = tpu.memref_slice %arg8[%dma_wait3A_71, %dma_wait3A_72] : memref<128x128xf32, #tpu.memory_space<vmem>> -> memref<128x128xf32, #tpu.memory_space<vmem>>
      tpu.wait_dma2 semaphore(%run_scoped3A : memref<!tpu.dma_semaphore, #tpu.memory_space<semaphore_mem>>) src(%dma_wait3A_73 : memref<128x128xf32, #tpu.memory_space<vmem>>) dst(%dma_wait3A_70 : memref<128x128xf32, #tpu.memory_space<vmem_shared>>)
      tpu.yield
    }) : () -> ()
    %add3A_9 = arith.constant 256 : i32
    %add3A_10 = arith.addi %multiple_of3A, %add3A_9 : i32
    "tpu.region"() ({
      %run_scoped3A = tpu.sem_alloc : memref<!tpu.dma_semaphore, #tpu.memory_space<semaphore_mem>>
      %dma_start3A = arith.constant 0 : i32
      %dma_start3A_56 = arith.constant 0 : i32
      %dma_start3A_57 = tpu.memref_slice %arg8[%dma_start3A, %dma_start3A_56] : memref<128x128xf32, #tpu.memory_space<vmem>> -> memref<128x128xf32, #tpu.memory_space<vmem>>
      %dma_start3A_58 = arith.constant 0 : i32
      %dma_start3A_59 = tpu.memref_slice %arg10[%add3A_10, %dma_start3A_58] : memref<10000x128xf32, #tpu.memory_space<vmem_shared>> -> memref<128x128xf32, #tpu.memory_space<vmem_shared>>
      %dma_start3A_60 = arith.constant 0 : i32
      %dma_start3A_61 = tpu.memref_slice %arg10[%add3A_10, %dma_start3A_60] : memref<10000x128xf32, #tpu.memory_space<vmem_shared>> -> memref<128x128xf32, #tpu.memory_space<vmem_shared>>
      %dma_start3A_62 = arith.constant 0 : i32
      %dma_start3A_63 = arith.constant 0 : i32
      %dma_start3A_64 = tpu.memref_slice %arg8[%dma_start3A_62, %dma_start3A_63] : memref<128x128xf32, #tpu.memory_space<vmem>> -> memref<128x128xf32, #tpu.memory_space<vmem>>
      tpu.enqueue_dma source(%dma_start3A_64 : memref<128x128xf32, #tpu.memory_space<vmem>>) target(%dma_start3A_61 : memref<128x128xf32, #tpu.memory_space<vmem_shared>>) target_semaphore(%run_scoped3A : memref<!tpu.dma_semaphore, #tpu.memory_space<semaphore_mem>>)
      %dma_wait3A = arith.constant 0 : i32
      %dma_wait3A_65 = arith.constant 0 : i32
      %dma_wait3A_66 = tpu.memref_slice %arg8[%dma_wait3A, %dma_wait3A_65] : memref<128x128xf32, #tpu.memory_space<vmem>> -> memref<128x128xf32, #tpu.memory_space<vmem>>
      %dma_wait3A_67 = arith.constant 0 : i32
      %dma_wait3A_68 = tpu.memref_slice %arg10[%add3A_10, %dma_wait3A_67] : memref<10000x128xf32, #tpu.memory_space<vmem_shared>> -> memref<128x128xf32, #tpu.memory_space<vmem_shared>>
      %dma_wait3A_69 = arith.constant 0 : i32
      %dma_wait3A_70 = tpu.memref_slice %arg10[%add3A_10, %dma_wait3A_69] : memref<10000x128xf32, #tpu.memory_space<vmem_shared>> -> memref<128x128xf32, #tpu.memory_space<vmem_shared>>
      %dma_wait3A_71 = arith.constant 0 : i32
      %dma_wait3A_72 = arith.constant 0 : i32
      %dma_wait3A_73 = tpu.memref_slice %arg8[%dma_wait3A_71, %dma_wait3A_72] : memref<128x128xf32, #tpu.memory_space<vmem>> -> memref<128x128xf32, #tpu.memory_space<vmem>>
      tpu.wait_dma2 semaphore(%run_scoped3A : memref<!tpu.dma_semaphore, #tpu.memory_space<semaphore_mem>>) src(%dma_wait3A_73 : memref<128x128xf32, #tpu.memory_space<vmem>>) dst(%dma_wait3A_70 : memref<128x128xf32, #tpu.memory_space<vmem_shared>>)
      tpu.yield
    }) : () -> ()
    %add3A_11 = arith.constant 384 : i32
    %add3A_12 = arith.addi %multiple_of3A, %add3A_11 : i32
    "tpu.region"() ({
      %run_scoped3A = tpu.sem_alloc : memref<!tpu.dma_semaphore, #tpu.memory_space<semaphore_mem>>
      %dma_start3A = arith.constant 0 : i32
      %dma_start3A_56 = arith.constant 0 : i32
      %dma_start3A_57 = tpu.memref_slice %arg8[%dma_start3A, %dma_start3A_56] : memref<128x128xf32, #tpu.memory_space<vmem>> -> memref<128x128xf32, #tpu.memory_space<vmem>>
      %dma_start3A_58 = arith.constant 0 : i32
      %dma_start3A_59 = tpu.memref_slice %arg10[%add3A_12, %dma_start3A_58] : memref<10000x128xf32, #tpu.memory_space<vmem_shared>> -> memref<128x128xf32, #tpu.memory_space<vmem_shared>>
      %dma_start3A_60 = arith.constant 0 : i32
      %dma_start3A_61 = tpu.memref_slice %arg10[%add3A_12, %dma_start3A_60] : memref<10000x128xf32, #tpu.memory_space<vmem_shared>> -> memref<128x128xf32, #tpu.memory_space<vmem_shared>>
      %dma_start3A_62 = arith.constant 0 : i32
      %dma_start3A_63 = arith.constant 0 : i32
      %dma_start3A_64 = tpu.memref_slice %arg8[%dma_start3A_62, %dma_start3A_63] : memref<128x128xf32, #tpu.memory_space<vmem>> -> memref<128x128xf32, #tpu.memory_space<vmem>>
      tpu.enqueue_dma source(%dma_start3A_64 : memref<128x128xf32, #tpu.memory_space<vmem>>) target(%dma_start3A_61 : memref<128x128xf32, #tpu.memory_space<vmem_shared>>) target_semaphore(%run_scoped3A : memref<!tpu.dma_semaphore, #tpu.memory_space<semaphore_mem>>)
      %dma_wait3A = arith.constant 0 : i32
      %dma_wait3A_65 = arith.constant 0 : i32
      %dma_wait3A_66 = tpu.memref_slice %arg8[%dma_wait3A, %dma_wait3A_65] : memref<128x128xf32, #tpu.memory_space<vmem>> -> memref<128x128xf32, #tpu.memory_space<vmem>>
      %dma_wait3A_67 = arith.constant 0 : i32
      %dma_wait3A_68 = tpu.memref_slice %arg10[%add3A_12, %dma_wait3A_67] : memref<10000x128xf32, #tpu.memory_space<vmem_shared>> -> memref<128x128xf32, #tpu.memory_space<vmem_shared>>
      %dma_wait3A_69 = arith.constant 0 : i32
      %dma_wait3A_70 = tpu.memref_slice %arg10[%add3A_12, %dma_wait3A_69] : memref<10000x128xf32, #tpu.memory_space<vmem_shared>> -> memref<128x128xf32, #tpu.memory_space<vmem_shared>>
      %dma_wait3A_71 = arith.constant 0 : i32
      %dma_wait3A_72 = arith.constant 0 : i32
      %dma_wait3A_73 = tpu.memref_slice %arg8[%dma_wait3A_71, %dma_wait3A_72] : memref<128x128xf32, #tpu.memory_space<vmem>> -> memref<128x128xf32, #tpu.memory_space<vmem>>
      tpu.wait_dma2 semaphore(%run_scoped3A : memref<!tpu.dma_semaphore, #tpu.memory_space<semaphore_mem>>) src(%dma_wait3A_73 : memref<128x128xf32, #tpu.memory_space<vmem>>) dst(%dma_wait3A_70 : memref<128x128xf32, #tpu.memory_space<vmem_shared>>)
      tpu.yield
    }) : () -> ()
    %add3A_13 = arith.constant 512 : i32
    %add3A_14 = arith.addi %multiple_of3A, %add3A_13 : i32
    "tpu.region"() ({
      %run_scoped3A = tpu.sem_alloc : memref<!tpu.dma_semaphore, #tpu.memory_space<semaphore_mem>>
      %dma_start3A = arith.constant 0 : i32
      %dma_start3A_56 = arith.constant 0 : i32
      %dma_start3A_57 = tpu.memref_slice %arg8[%dma_start3A, %dma_start3A_56] : memref<128x128xf32, #tpu.memory_space<vmem>> -> memref<112x128xf32, #tpu.memory_space<vmem>>
      %dma_start3A_58 = arith.constant 0 : i32
      %dma_start3A_59 = tpu.memref_slice %arg10[%add3A_14, %dma_start3A_58] : memref<10000x128xf32, #tpu.memory_space<vmem_shared>> -> memref<112x128xf32, #tpu.memory_space<vmem_shared>>
      %dma_start3A_60 = arith.constant 0 : i32
      %dma_start3A_61 = tpu.memref_slice %arg10[%add3A_14, %dma_start3A_60] : memref<10000x128xf32, #tpu.memory_space<vmem_shared>> -> memref<112x128xf32, #tpu.memory_space<vmem_shared>>
      %dma_start3A_62 = arith.constant 0 : i32
      %dma_start3A_63 = arith.constant 0 : i32
      %dma_start3A_64 = tpu.memref_slice %arg8[%dma_start3A_62, %dma_start3A_63] : memref<128x128xf32, #tpu.memory_space<vmem>> -> memref<112x128xf32, #tpu.memory_space<vmem>>
      tpu.enqueue_dma source(%dma_start3A_64 : memref<112x128xf32, #tpu.memory_space<vmem>>) target(%dma_start3A_61 : memref<112x128xf32, #tpu.memory_space<vmem_shared>>) target_semaphore(%run_scoped3A : memref<!tpu.dma_semaphore, #tpu.memory_space<semaphore_mem>>)
      %dma_wait3A = arith.constant 0 : i32
      %dma_wait3A_65 = arith.constant 0 : i32
      %dma_wait3A_66 = tpu.memref_slice %arg8[%dma_wait3A, %dma_wait3A_65] : memref<128x128xf32, #tpu.memory_space<vmem>> -> memref<112x128xf32, #tpu.memory_space<vmem>>
      %dma_wait3A_67 = arith.constant 0 : i32
      %dma_wait3A_68 = tpu.memref_slice %arg10[%add3A_14, %dma_wait3A_67] : memref<10000x128xf32, #tpu.memory_space<vmem_shared>> -> memref<112x128xf32, #tpu.memory_space<vmem_shared>>
      %dma_wait3A_69 = arith.constant 0 : i32
      %dma_wait3A_70 = tpu.memref_slice %arg10[%add3A_14, %dma_wait3A_69] : memref<10000x128xf32, #tpu.memory_space<vmem_shared>> -> memref<112x128xf32, #tpu.memory_space<vmem_shared>>
      %dma_wait3A_71 = arith.constant 0 : i32
      %dma_wait3A_72 = arith.constant 0 : i32
      %dma_wait3A_73 = tpu.memref_slice %arg8[%dma_wait3A_71, %dma_wait3A_72] : memref<128x128xf32, #tpu.memory_space<vmem>> -> memref<112x128xf32, #tpu.memory_space<vmem>>
      tpu.wait_dma2 semaphore(%run_scoped3A : memref<!tpu.dma_semaphore, #tpu.memory_space<semaphore_mem>>) src(%dma_wait3A_73 : memref<112x128xf32, #tpu.memory_space<vmem>>) dst(%dma_wait3A_70 : memref<112x128xf32, #tpu.memory_space<vmem_shared>>)
      tpu.yield
    }) : () -> ()
    %eq3A = arith.constant 0 : i32
    %eq3A_15 = arith.cmpi eq, %arg1, %eq3A : i32
    %convert_element_type3A = arith.extui %eq3A_15 : i1 to i32
    %cond3A = arith.constant 0 : i32
    %cond3A_16 = arith.cmpi ne, %convert_element_type3A, %cond3A : i32
    scf.if %cond3A_16 {
      "tpu.region"() ({
        %run_scoped3A = tpu.sem_alloc : memref<!tpu.dma_semaphore, #tpu.memory_space<semaphore_mem>>
        %dma_start3A = arith.constant 0 : i32
        %dma_start3A_56 = arith.constant 0 : i32
        %dma_start3A_57 = tpu.memref_slice %arg8[%dma_start3A, %dma_start3A_56] : memref<128x128xf32, #tpu.memory_space<vmem>> -> memref<16x128xf32, #tpu.memory_space<vmem>>
        %dma_start3A_58 = arith.constant 9984 : i32
        %dma_start3A_59 = arith.constant 0 : i32
        %dma_start3A_60 = tpu.memref_slice %arg10[%dma_start3A_58, %dma_start3A_59] : memref<10000x128xf32, #tpu.memory_space<vmem_shared>> -> memref<16x128xf32, #tpu.memory_space<vmem_shared>>
        %dma_start3A_61 = arith.constant 9984 : i32
        %dma_start3A_62 = arith.constant 0 : i32
        %dma_start3A_63 = tpu.memref_slice %arg10[%dma_start3A_61, %dma_start3A_62] : memref<10000x128xf32, #tpu.memory_space<vmem_shared>> -> memref<16x128xf32, #tpu.memory_space<vmem_shared>>
        %dma_start3A_64 = arith.constant 0 : i32
        %dma_start3A_65 = arith.constant 0 : i32
        %dma_start3A_66 = tpu.memref_slice %arg8[%dma_start3A_64, %dma_start3A_65] : memref<128x128xf32, #tpu.memory_space<vmem>> -> memref<16x128xf32, #tpu.memory_space<vmem>>
        tpu.enqueue_dma source(%dma_start3A_66 : memref<16x128xf32, #tpu.memory_space<vmem>>) target(%dma_start3A_63 : memref<16x128xf32, #tpu.memory_space<vmem_shared>>) target_semaphore(%run_scoped3A : memref<!tpu.dma_semaphore, #tpu.memory_space<semaphore_mem>>)
        %dma_wait3A = arith.constant 0 : i32
        %dma_wait3A_67 = arith.constant 0 : i32
        %dma_wait3A_68 = tpu.memref_slice %arg8[%dma_wait3A, %dma_wait3A_67] : memref<128x128xf32, #tpu.memory_space<vmem>> -> memref<16x128xf32, #tpu.memory_space<vmem>>
        %dma_wait3A_69 = arith.constant 9984 : i32
        %dma_wait3A_70 = arith.constant 0 : i32
        %dma_wait3A_71 = tpu.memref_slice %arg10[%dma_wait3A_69, %dma_wait3A_70] : memref<10000x128xf32, #tpu.memory_space<vmem_shared>> -> memref<16x128xf32, #tpu.memory_space<vmem_shared>>
        %dma_wait3A_72 = arith.constant 9984 : i32
        %dma_wait3A_73 = arith.constant 0 : i32
        %dma_wait3A_74 = tpu.memref_slice %arg10[%dma_wait3A_72, %dma_wait3A_73] : memref<10000x128xf32, #tpu.memory_space<vmem_shared>> -> memref<16x128xf32, #tpu.memory_space<vmem_shared>>
        %dma_wait3A_75 = arith.constant 0 : i32
        %dma_wait3A_76 = arith.constant 0 : i32
        %dma_wait3A_77 = tpu.memref_slice %arg8[%dma_wait3A_75, %dma_wait3A_76] : memref<128x128xf32, #tpu.memory_space<vmem>> -> memref<16x128xf32, #tpu.memory_space<vmem>>
        tpu.wait_dma2 semaphore(%run_scoped3A : memref<!tpu.dma_semaphore, #tpu.memory_space<semaphore_mem>>) src(%dma_wait3A_77 : memref<16x128xf32, #tpu.memory_space<vmem>>) dst(%dma_wait3A_74 : memref<16x128xf32, #tpu.memory_space<vmem_shared>>)
        tpu.yield
      }) : () -> ()
    } else {
    }
    %barrier3A = arith.constant 0 : index
    tpu.barrier barrier_id(%barrier3A)
    %scan3A_17 = arith.constant 0 : i32
    %scan3A_18 = arith.constant 0 : i32
    %scan3A_19 = arith.constant 157 : i32
    %scan3A_20 = arith.addi %scan3A_18, %scan3A_19 : i32
    %scan3A_21 = arith.constant 1 : i32
    scf.for %scan3A_56 = %scan3A_18 to %scan3A_20 step %scan3A_21  : i32 {
      %mul3A_57 = arith.constant 16 : i32
      %mul3A_58 = arith.muli %scan3A_56, %mul3A_57 : i32
      %add3A_59 = arith.addi %mul3A_58, %arg1 : i32
      %lt3A = arith.constant 2500 : i32
      %lt3A_60 = arith.cmpi slt, %add3A_59, %lt3A : i32
      %convert_element_type3A_61 = arith.extui %lt3A_60 : i1 to i32
      %cond3A_62 = arith.constant 0 : i32
      %cond3A_63 = arith.cmpi ne, %convert_element_type3A_61, %cond3A_62 : i32
      scf.if %cond3A_63 {
        %mul3A_64 = arith.constant 2 : i32
        %mul3A_65 = arith.muli %add3A_59, %mul3A_64 : i32
        %mul3A_66 = arith.constant 128 : i32
        %mul3A_67 = arith.muli %mul3A_65, %mul3A_66 : i32
        "tpu.region"() ({
          %run_scoped3A = tpu.sem_alloc : memref<!tpu.dma_semaphore, #tpu.memory_space<semaphore_mem>>
          %dma_start3A_200 = tpu.memref_slice %arg3[%mul3A_67] : memref<640000xi32, #tpu.memory_space<hbm>> -> memref<256xi32, #tpu.memory_space<hbm>>
          %dma_start3A_201 = tpu.memref_slice %arg3[%mul3A_67] : memref<640000xi32, #tpu.memory_space<hbm>> -> memref<256xi32, #tpu.memory_space<hbm>>
          tpu.enqueue_dma source(%dma_start3A_201 : memref<256xi32, #tpu.memory_space<hbm>>) target(%arg5 : memref<256xi32, #tpu.memory_space<vmem>>) target_semaphore(%run_scoped3A : memref<!tpu.dma_semaphore, #tpu.memory_space<semaphore_mem>>)
          %dma_wait3A_202 = tpu.memref_slice %arg3[%mul3A_67] : memref<640000xi32, #tpu.memory_space<hbm>> -> memref<256xi32, #tpu.memory_space<hbm>>
          %dma_wait3A_203 = tpu.memref_slice %arg3[%mul3A_67] : memref<640000xi32, #tpu.memory_space<hbm>> -> memref<256xi32, #tpu.memory_space<hbm>>
          tpu.wait_dma2 semaphore(%run_scoped3A : memref<!tpu.dma_semaphore, #tpu.memory_space<semaphore_mem>>) src(%dma_wait3A_203 : memref<256xi32, #tpu.memory_space<hbm>>) dst(%arg5 : memref<256xi32, #tpu.memory_space<vmem>>)
          tpu.yield
        }) : () -> ()
        %mul3A_68 = arith.constant 10000 : i32
        %mul3A_69 = arith.muli %arg0, %mul3A_68 : i32
        %get3A = arith.constant 0 : index
        %get3A_70 = tpu.vector_load %arg5[%get3A] {strides = array<i32>} : memref<256xi32, #tpu.memory_space<vmem>>, vector<16xi32>,
        %get3A_71 = vector.shape_cast %get3A_70 : vector<16xi32> to vector<16xi32>
        %add3A_72 = vector.broadcast %mul3A_69 : i32 to vector<16xi32>
        %add3A_73 = arith.addi %get3A_71, %add3A_72 : vector<16xi32>
        %swap3A = arith.constant 0 : index
        %swap3A_74 = tpu.vector_load %arg6[%swap3A] {strides = array<i32>} : memref<128xi32, #tpu.memory_space<vmem>>, vector<16xi32>,
        %swap3A_75 = vector.shape_cast %swap3A_74 : vector<16xi32> to vector<16xi32>
        %swap3A_76 = vector.shape_cast %add3A_73 : vector<16xi32> to vector<16xi32>
        tpu.vector_store %arg6[%swap3A], %swap3A_76 {strides = array<i32>} : memref<128xi32, #tpu.memory_space<vmem>>, vector<16xi32>,
        %get3A_77 = arith.constant 128 : index
        %get3A_78 = tpu.vector_load %arg5[%get3A_77] {strides = array<i32>} : memref<256xi32, #tpu.memory_space<vmem>>, vector<16xi32>,
        %get3A_79 = vector.shape_cast %get3A_78 : vector<16xi32> to vector<16xi32>
        %swap3A_80 = arith.constant 0 : index
        %swap3A_81 = tpu.vector_load %arg7[%swap3A_80] {strides = array<i32>} : memref<128xi32, #tpu.memory_space<vmem>>, vector<16xi32>,
        %swap3A_82 = vector.shape_cast %swap3A_81 : vector<16xi32> to vector<16xi32>
        %swap3A_83 = vector.shape_cast %get3A_79 : vector<16xi32> to vector<16xi32>
        tpu.vector_store %arg7[%swap3A_80], %swap3A_83 {strides = array<i32>} : memref<128xi32, #tpu.memory_space<vmem>>, vector<16xi32>,
        %get3A_84 = arith.constant 16 : index
        %get3A_85 = tpu.vector_load %arg5[%get3A_84] {strides = array<i32>} : memref<256xi32, #tpu.memory_space<vmem>>, vector<16xi32>,
        %get3A_86 = vector.shape_cast %get3A_85 : vector<16xi32> to vector<16xi32>
        %add3A_87 = vector.broadcast %mul3A_69 : i32 to vector<16xi32>
        %add3A_88 = arith.addi %get3A_86, %add3A_87 : vector<16xi32>
        %swap3A_89 = arith.constant 16 : index
        %swap3A_90 = tpu.vector_load %arg6[%swap3A_89] {strides = array<i32>} : memref<128xi32, #tpu.memory_space<vmem>>, vector<16xi32>,
        %swap3A_91 = vector.shape_cast %swap3A_90 : vector<16xi32> to vector<16xi32>
        %swap3A_92 = vector.shape_cast %add3A_88 : vector<16xi32> to vector<16xi32>
        tpu.vector_store %arg6[%swap3A_89], %swap3A_92 {strides = array<i32>} : memref<128xi32, #tpu.memory_space<vmem>>, vector<16xi32>,
        %get3A_93 = arith.constant 144 : index
        %get3A_94 = tpu.vector_load %arg5[%get3A_93] {strides = array<i32>} : memref<256xi32, #tpu.memory_space<vmem>>, vector<16xi32>,
        %get3A_95 = vector.shape_cast %get3A_94 : vector<16xi32> to vector<16xi32>
        %swap3A_96 = arith.constant 16 : index
        %swap3A_97 = tpu.vector_load %arg7[%swap3A_96] {strides = array<i32>} : memref<128xi32, #tpu.memory_space<vmem>>, vector<16xi32>,
        %swap3A_98 = vector.shape_cast %swap3A_97 : vector<16xi32> to vector<16xi32>
        %swap3A_99 = vector.shape_cast %get3A_95 : vector<16xi32> to vector<16xi32>
        tpu.vector_store %arg7[%swap3A_96], %swap3A_99 {strides = array<i32>} : memref<128xi32, #tpu.memory_space<vmem>>, vector<16xi32>,
        %get3A_100 = arith.constant 32 : index
        %get3A_101 = tpu.vector_load %arg5[%get3A_100] {strides = array<i32>} : memref<256xi32, #tpu.memory_space<vmem>>, vector<16xi32>,
        %get3A_102 = vector.shape_cast %get3A_101 : vector<16xi32> to vector<16xi32>
        %add3A_103 = vector.broadcast %mul3A_69 : i32 to vector<16xi32>
        %add3A_104 = arith.addi %get3A_102, %add3A_103 : vector<16xi32>
        %swap3A_105 = arith.constant 32 : index
        %swap3A_106 = tpu.vector_load %arg6[%swap3A_105] {strides = array<i32>} : memref<128xi32, #tpu.memory_space<vmem>>, vector<16xi32>,
        %swap3A_107 = vector.shape_cast %swap3A_106 : vector<16xi32> to vector<16xi32>
        %swap3A_108 = vector.shape_cast %add3A_104 : vector<16xi32> to vector<16xi32>
        tpu.vector_store %arg6[%swap3A_105], %swap3A_108 {strides = array<i32>} : memref<128xi32, #tpu.memory_space<vmem>>, vector<16xi32>,
        %get3A_109 = arith.constant 160 : index
        %get3A_110 = tpu.vector_load %arg5[%get3A_109] {strides = array<i32>} : memref<256xi32, #tpu.memory_space<vmem>>, vector<16xi32>,
        %get3A_111 = vector.shape_cast %get3A_110 : vector<16xi32> to vector<16xi32>
        %swap3A_112 = arith.constant 32 : index
        %swap3A_113 = tpu.vector_load %arg7[%swap3A_112] {strides = array<i32>} : memref<128xi32, #tpu.memory_space<vmem>>, vector<16xi32>,
        %swap3A_114 = vector.shape_cast %swap3A_113 : vector<16xi32> to vector<16xi32>
        %swap3A_115 = vector.shape_cast %get3A_111 : vector<16xi32> to vector<16xi32>
        tpu.vector_store %arg7[%swap3A_112], %swap3A_115 {strides = array<i32>} : memref<128xi32, #tpu.memory_space<vmem>>, vector<16xi32>,
        %get3A_116 = arith.constant 48 : index
        %get3A_117 = tpu.vector_load %arg5[%get3A_116] {strides = array<i32>} : memref<256xi32, #tpu.memory_space<vmem>>, vector<16xi32>,
        %get3A_118 = vector.shape_cast %get3A_117 : vector<16xi32> to vector<16xi32>
        %add3A_119 = vector.broadcast %mul3A_69 : i32 to vector<16xi32>
        %add3A_120 = arith.addi %get3A_118, %add3A_119 : vector<16xi32>
        %swap3A_121 = arith.constant 48 : index
        %swap3A_122 = tpu.vector_load %arg6[%swap3A_121] {strides = array<i32>} : memref<128xi32, #tpu.memory_space<vmem>>, vector<16xi32>,
        %swap3A_123 = vector.shape_cast %swap3A_122 : vector<16xi32> to vector<16xi32>
        %swap3A_124 = vector.shape_cast %add3A_120 : vector<16xi32> to vector<16xi32>
        tpu.vector_store %arg6[%swap3A_121], %swap3A_124 {strides = array<i32>} : memref<128xi32, #tpu.memory_space<vmem>>, vector<16xi32>,
        %get3A_125 = arith.constant 176 : index
        %get3A_126 = tpu.vector_load %arg5[%get3A_125] {strides = array<i32>} : memref<256xi32, #tpu.memory_space<vmem>>, vector<16xi32>,
        %get3A_127 = vector.shape_cast %get3A_126 : vector<16xi32> to vector<16xi32>
        %swap3A_128 = arith.constant 48 : index
        %swap3A_129 = tpu.vector_load %arg7[%swap3A_128] {strides = array<i32>} : memref<128xi32, #tpu.memory_space<vmem>>, vector<16xi32>,
        %swap3A_130 = vector.shape_cast %swap3A_129 : vector<16xi32> to vector<16xi32>
        %swap3A_131 = vector.shape_cast %get3A_127 : vector<16xi32> to vector<16xi32>
        tpu.vector_store %arg7[%swap3A_128], %swap3A_131 {strides = array<i32>} : memref<128xi32, #tpu.memory_space<vmem>>, vector<16xi32>,
        %get3A_132 = arith.constant 64 : index
        %get3A_133 = tpu.vector_load %arg5[%get3A_132] {strides = array<i32>} : memref<256xi32, #tpu.memory_space<vmem>>, vector<16xi32>,
        %get3A_134 = vector.shape_cast %get3A_133 : vector<16xi32> to vector<16xi32>
        %add3A_135 = vector.broadcast %mul3A_69 : i32 to vector<16xi32>
        %add3A_136 = arith.addi %get3A_134, %add3A_135 : vector<16xi32>
        %swap3A_137 = arith.constant 64 : index
        %swap3A_138 = tpu.vector_load %arg6[%swap3A_137] {strides = array<i32>} : memref<128xi32, #tpu.memory_space<vmem>>, vector<16xi32>,
        %swap3A_139 = vector.shape_cast %swap3A_138 : vector<16xi32> to vector<16xi32>
        %swap3A_140 = vector.shape_cast %add3A_136 : vector<16xi32> to vector<16xi32>
        tpu.vector_store %arg6[%swap3A_137], %swap3A_140 {strides = array<i32>} : memref<128xi32, #tpu.memory_space<vmem>>, vector<16xi32>,
        %get3A_141 = arith.constant 192 : index
        %get3A_142 = tpu.vector_load %arg5[%get3A_141] {strides = array<i32>} : memref<256xi32, #tpu.memory_space<vmem>>, vector<16xi32>,
        %get3A_143 = vector.shape_cast %get3A_142 : vector<16xi32> to vector<16xi32>
        %swap3A_144 = arith.constant 64 : index
        %swap3A_145 = tpu.vector_load %arg7[%swap3A_144] {strides = array<i32>} : memref<128xi32, #tpu.memory_space<vmem>>, vector<16xi32>,
        %swap3A_146 = vector.shape_cast %swap3A_145 : vector<16xi32> to vector<16xi32>
        %swap3A_147 = vector.shape_cast %get3A_143 : vector<16xi32> to vector<16xi32>
        tpu.vector_store %arg7[%swap3A_144], %swap3A_147 {strides = array<i32>} : memref<128xi32, #tpu.memory_space<vmem>>, vector<16xi32>,
        %get3A_148 = arith.constant 80 : index
        %get3A_149 = tpu.vector_load %arg5[%get3A_148] {strides = array<i32>} : memref<256xi32, #tpu.memory_space<vmem>>, vector<16xi32>,
        %get3A_150 = vector.shape_cast %get3A_149 : vector<16xi32> to vector<16xi32>
        %add3A_151 = vector.broadcast %mul3A_69 : i32 to vector<16xi32>
        %add3A_152 = arith.addi %get3A_150, %add3A_151 : vector<16xi32>
        %swap3A_153 = arith.constant 80 : index
        %swap3A_154 = tpu.vector_load %arg6[%swap3A_153] {strides = array<i32>} : memref<128xi32, #tpu.memory_space<vmem>>, vector<16xi32>,
        %swap3A_155 = vector.shape_cast %swap3A_154 : vector<16xi32> to vector<16xi32>
        %swap3A_156 = vector.shape_cast %add3A_152 : vector<16xi32> to vector<16xi32>
        tpu.vector_store %arg6[%swap3A_153], %swap3A_156 {strides = array<i32>} : memref<128xi32, #tpu.memory_space<vmem>>, vector<16xi32>,
        %get3A_157 = arith.constant 208 : index
        %get3A_158 = tpu.vector_load %arg5[%get3A_157] {strides = array<i32>} : memref<256xi32, #tpu.memory_space<vmem>>, vector<16xi32>,
        %get3A_159 = vector.shape_cast %get3A_158 : vector<16xi32> to vector<16xi32>
        %swap3A_160 = arith.constant 80 : index
        %swap3A_161 = tpu.vector_load %arg7[%swap3A_160] {strides = array<i32>} : memref<128xi32, #tpu.memory_space<vmem>>, vector<16xi32>,
        %swap3A_162 = vector.shape_cast %swap3A_161 : vector<16xi32> to vector<16xi32>
        %swap3A_163 = vector.shape_cast %get3A_159 : vector<16xi32> to vector<16xi32>
        tpu.vector_store %arg7[%swap3A_160], %swap3A_163 {strides = array<i32>} : memref<128xi32, #tpu.memory_space<vmem>>, vector<16xi32>,
        %get3A_164 = arith.constant 96 : index
        %get3A_165 = tpu.vector_load %arg5[%get3A_164] {strides = array<i32>} : memref<256xi32, #tpu.memory_space<vmem>>, vector<16xi32>,
        %get3A_166 = vector.shape_cast %get3A_165 : vector<16xi32> to vector<16xi32>
        %add3A_167 = vector.broadcast %mul3A_69 : i32 to vector<16xi32>
        %add3A_168 = arith.addi %get3A_166, %add3A_167 : vector<16xi32>
        %swap3A_169 = arith.constant 96 : index
        %swap3A_170 = tpu.vector_load %arg6[%swap3A_169] {strides = array<i32>} : memref<128xi32, #tpu.memory_space<vmem>>, vector<16xi32>,
        %swap3A_171 = vector.shape_cast %swap3A_170 : vector<16xi32> to vector<16xi32>
        %swap3A_172 = vector.shape_cast %add3A_168 : vector<16xi32> to vector<16xi32>
        tpu.vector_store %arg6[%swap3A_169], %swap3A_172 {strides = array<i32>} : memref<128xi32, #tpu.memory_space<vmem>>, vector<16xi32>,
        %get3A_173 = arith.constant 224 : index
        %get3A_174 = tpu.vector_load %arg5[%get3A_173] {strides = array<i32>} : memref<256xi32, #tpu.memory_space<vmem>>, vector<16xi32>,
        %get3A_175 = vector.shape_cast %get3A_174 : vector<16xi32> to vector<16xi32>
        %swap3A_176 = arith.constant 96 : index
        %swap3A_177 = tpu.vector_load %arg7[%swap3A_176] {strides = array<i32>} : memref<128xi32, #tpu.memory_space<vmem>>, vector<16xi32>,
        %swap3A_178 = vector.shape_cast %swap3A_177 : vector<16xi32> to vector<16xi32>
        %swap3A_179 = vector.shape_cast %get3A_175 : vector<16xi32> to vector<16xi32>
        tpu.vector_store %arg7[%swap3A_176], %swap3A_179 {strides = array<i32>} : memref<128xi32, #tpu.memory_space<vmem>>, vector<16xi32>,
        %get3A_180 = arith.constant 112 : index
        %get3A_181 = tpu.vector_load %arg5[%get3A_180] {strides = array<i32>} : memref<256xi32, #tpu.memory_space<vmem>>, vector<16xi32>,
        %get3A_182 = vector.shape_cast %get3A_181 : vector<16xi32> to vector<16xi32>
        %add3A_183 = vector.broadcast %mul3A_69 : i32 to vector<16xi32>
        %add3A_184 = arith.addi %get3A_182, %add3A_183 : vector<16xi32>
        %swap3A_185 = arith.constant 112 : index
        %swap3A_186 = tpu.vector_load %arg6[%swap3A_185] {strides = array<i32>} : memref<128xi32, #tpu.memory_space<vmem>>, vector<16xi32>,
        %swap3A_187 = vector.shape_cast %swap3A_186 : vector<16xi32> to vector<16xi32>
        %swap3A_188 = vector.shape_cast %add3A_184 : vector<16xi32> to vector<16xi32>
        tpu.vector_store %arg6[%swap3A_185], %swap3A_188 {strides = array<i32>} : memref<128xi32, #tpu.memory_space<vmem>>, vector<16xi32>,
        %get3A_189 = arith.constant 240 : index
        %get3A_190 = tpu.vector_load %arg5[%get3A_189] {strides = array<i32>} : memref<256xi32, #tpu.memory_space<vmem>>, vector<16xi32>,
        %get3A_191 = vector.shape_cast %get3A_190 : vector<16xi32> to vector<16xi32>
        %swap3A_192 = arith.constant 112 : index
        %swap3A_193 = tpu.vector_load %arg7[%swap3A_192] {strides = array<i32>} : memref<128xi32, #tpu.memory_space<vmem>>, vector<16xi32>,
        %swap3A_194 = vector.shape_cast %swap3A_193 : vector<16xi32> to vector<16xi32>
        %swap3A_195 = vector.shape_cast %get3A_191 : vector<16xi32> to vector<16xi32>
        tpu.vector_store %arg7[%swap3A_192], %swap3A_195 {strides = array<i32>} : memref<128xi32, #tpu.memory_space<vmem>>, vector<16xi32>,
        %dma_start3A = arith.constant 0 : i32
        %dma_start3A_196 = arith.constant 0 : i32
        %dma_start3A_197 = tpu.memref_slice %arg2[%dma_start3A, %dma_start3A_196] : memref<20000x128xf32, #tpu.memory_space<hbm>> -> memref<20000x128xf32, #tpu.memory_space<hbm>>
        tpu.enqueue_indirect_dma source(%dma_start3A_197 : memref<20000x128xf32, #tpu.memory_space<hbm>>) target(%arg8 : memref<128x128xf32, #tpu.memory_space<vmem>>) offsets(%arg6 : memref<128xi32, #tpu.memory_space<vmem>>) semaphore(%arg9 : memref<!tpu.dma_semaphore, #tpu.memory_space<semaphore_mem>>)
        %dma_wait3A = arith.constant 0 : i32
        %dma_wait3A_198 = arith.constant 0 : i32
        %dma_wait3A_199 = tpu.memref_slice %arg2[%dma_wait3A, %dma_wait3A_198] : memref<20000x128xf32, #tpu.memory_space<hbm>> -> memref<20000x128xf32, #tpu.memory_space<hbm>>
        tpu.wait_indirect_dma semaphore(%arg9 : memref<!tpu.dma_semaphore, #tpu.memory_space<semaphore_mem>>) src(%dma_wait3A_199 : memref<20000x128xf32, #tpu.memory_space<hbm>>) dst(%arg8 : memref<128x128xf32, #tpu.memory_space<vmem>>)
        "tpu.region"() ({
          %run_scoped3A = tpu.sem_alloc : memref<!tpu.dma_semaphore, #tpu.memory_space<semaphore_mem>>
          %dma_start3A_200 = arith.constant 0 : i32
          %dma_start3A_201 = arith.constant 0 : i32
          %dma_start3A_202 = tpu.memref_slice %arg10[%dma_start3A_200, %dma_start3A_201] : memref<10000x128xf32, #tpu.memory_space<vmem_shared>> -> memref<10000x128xf32, #tpu.memory_space<vmem_shared>>
          tpu.enqueue_indirect_dma source(%arg8 : memref<128x128xf32, #tpu.memory_space<vmem>>) target(%dma_start3A_202 : memref<10000x128xf32, #tpu.memory_space<vmem_shared>>) offsets(%arg7 : memref<128xi32, #tpu.memory_space<vmem>>) semaphore(%run_scoped3A : memref<!tpu.dma_semaphore, #tpu.memory_space<semaphore_mem>>) {add = true}
          %dma_wait3A_203 = arith.constant 0 : i32
          %dma_wait3A_204 = arith.constant 0 : i32
          %dma_wait3A_205 = tpu.memref_slice %arg10[%dma_wait3A_203, %dma_wait3A_204] : memref<10000x128xf32, #tpu.memory_space<vmem_shared>> -> memref<10000x128xf32, #tpu.memory_space<vmem_shared>>
          tpu.wait_indirect_dma semaphore(%run_scoped3A : memref<!tpu.dma_semaphore, #tpu.memory_space<semaphore_mem>>) src(%arg8 : memref<128x128xf32, #tpu.memory_space<vmem>>) dst(%dma_wait3A_205 : memref<10000x128xf32, #tpu.memory_space<vmem_shared>>)
          tpu.yield
        }) : () -> ()
      } else {
      }
    }
    %scan3A_22 = arith.constant 157 : i32
    %barrier3A_23 = arith.constant 0 : index
    tpu.barrier barrier_id(%barrier3A_23)
    %mul3A_24 = arith.constant 624 : i32
    %mul3A_25 = arith.muli %arg1, %mul3A_24 : i32
    %multiple_of3A_26 = tpu.assume_multiple %mul3A_25, 8 : i32
    %mul3A_27 = arith.constant 10000 : i32
    %mul3A_28 = arith.muli %arg0, %mul3A_27 : i32
    %add3A_29 = arith.addi %mul3A_28, %multiple_of3A_26 : i32
    %multiple_of3A_30 = tpu.assume_multiple %add3A_29, 8 : i32
    %add3A_31 = arith.constant 0 : i32
    %add3A_32 = arith.addi %multiple_of3A_26, %add3A_31 : i32
    %add3A_33 = arith.constant 0 : i32
    %add3A_34 = arith.addi %multiple_of3A_30, %add3A_33 : i32
    "tpu.region"() ({
      %run_scoped3A = tpu.sem_alloc : memref<!tpu.dma_semaphore, #tpu.memory_space<semaphore_mem>>
      %dma_start3A = arith.constant 0 : i32
      %dma_start3A_56 = tpu.memref_slice %arg4[%add3A_34, %dma_start3A] : memref<20000x128xf32, #tpu.memory_space<hbm>> -> memref<128x128xf32, #tpu.memory_space<hbm>>
      %dma_start3A_57 = arith.constant 0 : i32
      %dma_start3A_58 = tpu.memref_slice %arg10[%add3A_32, %dma_start3A_57] : memref<10000x128xf32, #tpu.memory_space<vmem_shared>> -> memref<128x128xf32, #tpu.memory_space<vmem_shared>>
      tpu.enqueue_dma source(%dma_start3A_58 : memref<128x128xf32, #tpu.memory_space<vmem_shared>>) target(%dma_start3A_56 : memref<128x128xf32, #tpu.memory_space<hbm>>) target_semaphore(%run_scoped3A : memref<!tpu.dma_semaphore, #tpu.memory_space<semaphore_mem>>)
      %dma_wait3A = arith.constant 0 : i32
      %dma_wait3A_59 = tpu.memref_slice %arg4[%add3A_34, %dma_wait3A] : memref<20000x128xf32, #tpu.memory_space<hbm>> -> memref<128x128xf32, #tpu.memory_space<hbm>>
      %dma_wait3A_60 = arith.constant 0 : i32
      %dma_wait3A_61 = tpu.memref_slice %arg10[%add3A_32, %dma_wait3A_60] : memref<10000x128xf32, #tpu.memory_space<vmem_shared>> -> memref<128x128xf32, #tpu.memory_space<vmem_shared>>
      tpu.wait_dma2 semaphore(%run_scoped3A : memref<!tpu.dma_semaphore, #tpu.memory_space<semaphore_mem>>) src(%dma_wait3A_61 : memref<128x128xf32, #tpu.memory_space<vmem_shared>>) dst(%dma_wait3A_59 : memref<128x128xf32, #tpu.memory_space<hbm>>)
      tpu.yield
    }) : () -> ()
    %add3A_35 = arith.constant 128 : i32
    %add3A_36 = arith.addi %multiple_of3A_26, %add3A_35 : i32
    %add3A_37 = arith.constant 128 : i32
    %add3A_38 = arith.addi %multiple_of3A_30, %add3A_37 : i32
    "tpu.region"() ({
      %run_scoped3A = tpu.sem_alloc : memref<!tpu.dma_semaphore, #tpu.memory_space<semaphore_mem>>
      %dma_start3A = arith.constant 0 : i32
      %dma_start3A_56 = tpu.memref_slice %arg4[%add3A_38, %dma_start3A] : memref<20000x128xf32, #tpu.memory_space<hbm>> -> memref<128x128xf32, #tpu.memory_space<hbm>>
      %dma_start3A_57 = arith.constant 0 : i32
      %dma_start3A_58 = tpu.memref_slice %arg10[%add3A_36, %dma_start3A_57] : memref<10000x128xf32, #tpu.memory_space<vmem_shared>> -> memref<128x128xf32, #tpu.memory_space<vmem_shared>>
      tpu.enqueue_dma source(%dma_start3A_58 : memref<128x128xf32, #tpu.memory_space<vmem_shared>>) target(%dma_start3A_56 : memref<128x128xf32, #tpu.memory_space<hbm>>) target_semaphore(%run_scoped3A : memref<!tpu.dma_semaphore, #tpu.memory_space<semaphore_mem>>)
      %dma_wait3A = arith.constant 0 : i32
      %dma_wait3A_59 = tpu.memref_slice %arg4[%add3A_38, %dma_wait3A] : memref<20000x128xf32, #tpu.memory_space<hbm>> -> memref<128x128xf32, #tpu.memory_space<hbm>>
      %dma_wait3A_60 = arith.constant 0 : i32
      %dma_wait3A_61 = tpu.memref_slice %arg10[%add3A_36, %dma_wait3A_60] : memref<10000x128xf32, #tpu.memory_space<vmem_shared>> -> memref<128x128xf32, #tpu.memory_space<vmem_shared>>
      tpu.wait_dma2 semaphore(%run_scoped3A : memref<!tpu.dma_semaphore, #tpu.memory_space<semaphore_mem>>) src(%dma_wait3A_61 : memref<128x128xf32, #tpu.memory_space<vmem_shared>>) dst(%dma_wait3A_59 : memref<128x128xf32, #tpu.memory_space<hbm>>)
      tpu.yield
    }) : () -> ()
    %add3A_39 = arith.constant 256 : i32
    %add3A_40 = arith.addi %multiple_of3A_26, %add3A_39 : i32
    %add3A_41 = arith.constant 256 : i32
    %add3A_42 = arith.addi %multiple_of3A_30, %add3A_41 : i32
    "tpu.region"() ({
      %run_scoped3A = tpu.sem_alloc : memref<!tpu.dma_semaphore, #tpu.memory_space<semaphore_mem>>
      %dma_start3A = arith.constant 0 : i32
      %dma_start3A_56 = tpu.memref_slice %arg4[%add3A_42, %dma_start3A] : memref<20000x128xf32, #tpu.memory_space<hbm>> -> memref<128x128xf32, #tpu.memory_space<hbm>>
      %dma_start3A_57 = arith.constant 0 : i32
      %dma_start3A_58 = tpu.memref_slice %arg10[%add3A_40, %dma_start3A_57] : memref<10000x128xf32, #tpu.memory_space<vmem_shared>> -> memref<128x128xf32, #tpu.memory_space<vmem_shared>>
      tpu.enqueue_dma source(%dma_start3A_58 : memref<128x128xf32, #tpu.memory_space<vmem_shared>>) target(%dma_start3A_56 : memref<128x128xf32, #tpu.memory_space<hbm>>) target_semaphore(%run_scoped3A : memref<!tpu.dma_semaphore, #tpu.memory_space<semaphore_mem>>)
      %dma_wait3A = arith.constant 0 : i32
      %dma_wait3A_59 = tpu.memref_slice %arg4[%add3A_42, %dma_wait3A] : memref<20000x128xf32, #tpu.memory_space<hbm>> -> memref<128x128xf32, #tpu.memory_space<hbm>>
      %dma_wait3A_60 = arith.constant 0 : i32
      %dma_wait3A_61 = tpu.memref_slice %arg10[%add3A_40, %dma_wait3A_60] : memref<10000x128xf32, #tpu.memory_space<vmem_shared>> -> memref<128x128xf32, #tpu.memory_space<vmem_shared>>
      tpu.wait_dma2 semaphore(%run_scoped3A : memref<!tpu.dma_semaphore, #tpu.memory_space<semaphore_mem>>) src(%dma_wait3A_61 : memref<128x128xf32, #tpu.memory_space<vmem_shared>>) dst(%dma_wait3A_59 : memref<128x128xf32, #tpu.memory_space<hbm>>)
      tpu.yield
    }) : () -> ()
    %add3A_43 = arith.constant 384 : i32
    %add3A_44 = arith.addi %multiple_of3A_26, %add3A_43 : i32
    %add3A_45 = arith.constant 384 : i32
    %add3A_46 = arith.addi %multiple_of3A_30, %add3A_45 : i32
    "tpu.region"() ({
      %run_scoped3A = tpu.sem_alloc : memref<!tpu.dma_semaphore, #tpu.memory_space<semaphore_mem>>
      %dma_start3A = arith.constant 0 : i32
      %dma_start3A_56 = tpu.memref_slice %arg4[%add3A_46, %dma_start3A] : memref<20000x128xf32, #tpu.memory_space<hbm>> -> memref<128x128xf32, #tpu.memory_space<hbm>>
      %dma_start3A_57 = arith.constant 0 : i32
      %dma_start3A_58 = tpu.memref_slice %arg10[%add3A_44, %dma_start3A_57] : memref<10000x128xf32, #tpu.memory_space<vmem_shared>> -> memref<128x128xf32, #tpu.memory_space<vmem_shared>>
      tpu.enqueue_dma source(%dma_start3A_58 : memref<128x128xf32, #tpu.memory_space<vmem_shared>>) target(%dma_start3A_56 : memref<128x128xf32, #tpu.memory_space<hbm>>) target_semaphore(%run_scoped3A : memref<!tpu.dma_semaphore, #tpu.memory_space<semaphore_mem>>)
      %dma_wait3A = arith.constant 0 : i32
      %dma_wait3A_59 = tpu.memref_slice %arg4[%add3A_46, %dma_wait3A] : memref<20000x128xf32, #tpu.memory_space<hbm>> -> memref<128x128xf32, #tpu.memory_space<hbm>>
      %dma_wait3A_60 = arith.constant 0 : i32
      %dma_wait3A_61 = tpu.memref_slice %arg10[%add3A_44, %dma_wait3A_60] : memref<10000x128xf32, #tpu.memory_space<vmem_shared>> -> memref<128x128xf32, #tpu.memory_space<vmem_shared>>
      tpu.wait_dma2 semaphore(%run_scoped3A : memref<!tpu.dma_semaphore, #tpu.memory_space<semaphore_mem>>) src(%dma_wait3A_61 : memref<128x128xf32, #tpu.memory_space<vmem_shared>>) dst(%dma_wait3A_59 : memref<128x128xf32, #tpu.memory_space<hbm>>)
      tpu.yield
    }) : () -> ()
    %add3A_47 = arith.constant 512 : i32
    %add3A_48 = arith.addi %multiple_of3A_26, %add3A_47 : i32
    %add3A_49 = arith.constant 512 : i32
    %add3A_50 = arith.addi %multiple_of3A_30, %add3A_49 : i32
    "tpu.region"() ({
      %run_scoped3A = tpu.sem_alloc : memref<!tpu.dma_semaphore, #tpu.memory_space<semaphore_mem>>
      %dma_start3A = arith.constant 0 : i32
      %dma_start3A_56 = tpu.memref_slice %arg4[%add3A_50, %dma_start3A] : memref<20000x128xf32, #tpu.memory_space<hbm>> -> memref<112x128xf32, #tpu.memory_space<hbm>>
      %dma_start3A_57 = arith.constant 0 : i32
      %dma_start3A_58 = tpu.memref_slice %arg10[%add3A_48, %dma_start3A_57] : memref<10000x128xf32, #tpu.memory_space<vmem_shared>> -> memref<112x128xf32, #tpu.memory_space<vmem_shared>>
      tpu.enqueue_dma source(%dma_start3A_58 : memref<112x128xf32, #tpu.memory_space<vmem_shared>>) target(%dma_start3A_56 : memref<112x128xf32, #tpu.memory_space<hbm>>) target_semaphore(%run_scoped3A : memref<!tpu.dma_semaphore, #tpu.memory_space<semaphore_mem>>)
      %dma_wait3A = arith.constant 0 : i32
      %dma_wait3A_59 = tpu.memref_slice %arg4[%add3A_50, %dma_wait3A] : memref<20000x128xf32, #tpu.memory_space<hbm>> -> memref<112x128xf32, #tpu.memory_space<hbm>>
      %dma_wait3A_60 = arith.constant 0 : i32
      %dma_wait3A_61 = tpu.memref_slice %arg10[%add3A_48, %dma_wait3A_60] : memref<10000x128xf32, #tpu.memory_space<vmem_shared>> -> memref<112x128xf32, #tpu.memory_space<vmem_shared>>
      tpu.wait_dma2 semaphore(%run_scoped3A : memref<!tpu.dma_semaphore, #tpu.memory_space<semaphore_mem>>) src(%dma_wait3A_61 : memref<112x128xf32, #tpu.memory_space<vmem_shared>>) dst(%dma_wait3A_59 : memref<112x128xf32, #tpu.memory_space<hbm>>)
      tpu.yield
    }) : () -> ()
    %eq3A_51 = arith.constant 0 : i32
    %eq3A_52 = arith.cmpi eq, %arg1, %eq3A_51 : i32
    %convert_element_type3A_53 = arith.extui %eq3A_52 : i1 to i32
    %cond3A_54 = arith.constant 0 : i32
    %cond3A_55 = arith.cmpi ne, %convert_element_type3A_53, %cond3A_54 : i32
    scf.if %cond3A_55 {
      %mul3A_56 = arith.constant 10000 : i32
      %mul3A_57 = arith.muli %arg0, %mul3A_56 : i32
      %add3A_58 = arith.constant 9984 : i32
      %add3A_59 = arith.addi %mul3A_57, %add3A_58 : i32
      %multiple_of3A_60 = tpu.assume_multiple %add3A_59, 8 : i32
      "tpu.region"() ({
        %run_scoped3A = tpu.sem_alloc : memref<!tpu.dma_semaphore, #tpu.memory_space<semaphore_mem>>
        %dma_start3A = arith.constant 0 : i32
        %dma_start3A_61 = tpu.memref_slice %arg4[%multiple_of3A_60, %dma_start3A] : memref<20000x128xf32, #tpu.memory_space<hbm>> -> memref<16x128xf32, #tpu.memory_space<hbm>>
        %dma_start3A_62 = arith.constant 9984 : i32
        %dma_start3A_63 = arith.constant 0 : i32
        %dma_start3A_64 = tpu.memref_slice %arg10[%dma_start3A_62, %dma_start3A_63] : memref<10000x128xf32, #tpu.memory_space<vmem_shared>> -> memref<16x128xf32, #tpu.memory_space<vmem_shared>>
        tpu.enqueue_dma source(%dma_start3A_64 : memref<16x128xf32, #tpu.memory_space<vmem_shared>>) target(%dma_start3A_61 : memref<16x128xf32, #tpu.memory_space<hbm>>) target_semaphore(%run_scoped3A : memref<!tpu.dma_semaphore, #tpu.memory_space<semaphore_mem>>)
        %dma_wait3A = arith.constant 0 : i32
        %dma_wait3A_65 = tpu.memref_slice %arg4[%multiple_of3A_60, %dma_wait3A] : memref<20000x128xf32, #tpu.memory_space<hbm>> -> memref<16x128xf32, #tpu.memory_space<hbm>>
        %dma_wait3A_66 = arith.constant 9984 : i32
        %dma_wait3A_67 = arith.constant 0 : i32
        %dma_wait3A_68 = tpu.memref_slice %arg10[%dma_wait3A_66, %dma_wait3A_67] : memref<10000x128xf32, #tpu.memory_space<vmem_shared>> -> memref<16x128xf32, #tpu.memory_space<vmem_shared>>
        tpu.wait_dma2 semaphore(%run_scoped3A : memref<!tpu.dma_semaphore, #tpu.memory_space<semaphore_mem>>) src(%dma_wait3A_68 : memref<16x128xf32, #tpu.memory_space<vmem_shared>>) dst(%dma_wait3A_65 : memref<16x128xf32, #tpu.memory_space<hbm>>)
        tpu.yield
      }) : () -> ()
    } else {
    }
    return
  }
}

module attributes {stable_mosaic.version = 14 : i64} {
  func.func @_tc2_body(%arg0: i32, %arg1: memref<2x1000x128xf32, #tpu.memory_space<vmem>>, %arg2: memref<2x1000x128xf32, #tpu.memory_space<vmem>>, %arg3: memref<2x1000x128xf32, #tpu.memory_space<vmem>>, %arg4: memref<1x256xf32, #tpu.memory_space<vmem>>, %arg5: memref<256x128xf32, #tpu.memory_space<vmem>>, %arg6: memref<1000x128xf32, #tpu.memory_space<vmem>>) attributes {dimension_semantics = [#tpu.dimension_semantics<arbitrary>], iteration_bounds = array<i64: 10>, scalar_prefetch = 0 : i64, scratch_operands = 0 : i64, tpu.core_type = #tpu.core_type<tc>, window_params = [{transform_indices = @transform_0, window_bounds = array<i64: 2, 1000, 128>}, {transform_indices = @transform_1, window_bounds = array<i64: 2, 1000, 128>}, {transform_indices = @transform_2, window_bounds = array<i64: 2, 1000, 128>}, {pipeline_mode = #tpu.pipeline_mode<synchronous>, transform_indices = @transform_3, window_bounds = array<i64: 1, 256>}, {pipeline_mode = #tpu.pipeline_mode<synchronous>, transform_indices = @transform_4, window_bounds = array<i64: 256, 128>}, {transform_indices = @transform_5, window_bounds = array<i64: 1000, 128>}]} {
    %get3A = arith.constant 0 : index
    %get3A_0 = arith.constant 0 : index
    %get3A_1 = arith.constant 0 : index
    %get3A_2 = vector.load %arg3[%get3A, %get3A_0, %get3A_1] : memref<2x1000x128xf32, #tpu.memory_space<vmem>>, vector<1x1000x1xf32>
    %get3A_3 = vector.shape_cast %get3A_2 : vector<1x1000x1xf32> to vector<1000x1xf32>
    %get3A_4 = arith.constant 1 : index
    %get3A_5 = arith.constant 0 : index
    %get3A_6 = arith.constant 0 : index
    %get3A_7 = vector.load %arg3[%get3A_4, %get3A_5, %get3A_6] : memref<2x1000x128xf32, #tpu.memory_space<vmem>>, vector<1x1000x1xf32>
    %get3A_8 = vector.shape_cast %get3A_7 : vector<1x1000x1xf32> to vector<1000x1xf32>
    %add3A = arith.addf %get3A_3, %get3A_8 : vector<1000x1xf32>
    %add3A_9 = arith.constant 1.000000e+00 : f32
    %add3A_10 = vector.broadcast %add3A_9 : f32 to vector<1000x1xf32>
    %add3A_11 = arith.addf %add3A, %add3A_10 : vector<1000x1xf32>
    %rsqrt3A = math.rsqrt %add3A_11 : vector<1000x1xf32>
    %get3A_12 = arith.constant 0 : index
    %get3A_13 = arith.constant 0 : index
    %get3A_14 = arith.constant 0 : index
    %get3A_15 = vector.load %arg1[%get3A_12, %get3A_13, %get3A_14] : memref<2x1000x128xf32, #tpu.memory_space<vmem>>, vector<1x1000x128xf32>
    %get3A_16 = vector.shape_cast %get3A_15 : vector<1x1000x128xf32> to vector<1000x128xf32>
    %get3A_17 = arith.constant 0 : index
    %get3A_18 = arith.constant 0 : index
    %get3A_19 = arith.constant 0 : index
    %get3A_20 = vector.load %arg2[%get3A_17, %get3A_18, %get3A_19] : memref<2x1000x128xf32, #tpu.memory_space<vmem>>, vector<1x1000x128xf32>
    %get3A_21 = vector.shape_cast %get3A_20 : vector<1x1000x128xf32> to vector<1000x128xf32>
    %add3A_22 = arith.addf %get3A_16, %get3A_21 : vector<1000x128xf32>
    %mul3A = vector.broadcast %rsqrt3A : vector<1000x1xf32> to vector<1000x128xf32>
    %mul3A_23 = arith.mulf %mul3A, %add3A_22 : vector<1000x128xf32>
    %get3A_24 = arith.constant 0 : index
    %get3A_25 = arith.constant 0 : index
    %get3A_26 = vector.load %arg4[%get3A_24, %get3A_25] : memref<1x256xf32, #tpu.memory_space<vmem>>, vector<1x128xf32>
    %add3A_27 = vector.broadcast %get3A_26 : vector<1x128xf32> to vector<1000x128xf32>
    %add3A_28 = arith.addf %mul3A_23, %add3A_27 : vector<1000x128xf32>
    %max3A = arith.constant 0.000000e+00 : f32
    %max3A_29 = vector.broadcast %max3A : f32 to vector<1000x128xf32>
    %max3A_30 = arith.maximumf %add3A_28, %max3A_29 : vector<1000x128xf32>
    %get3A_31 = arith.constant 1 : index
    %get3A_32 = arith.constant 0 : index
    %get3A_33 = arith.constant 0 : index
    %get3A_34 = vector.load %arg1[%get3A_31, %get3A_32, %get3A_33] : memref<2x1000x128xf32, #tpu.memory_space<vmem>>, vector<1x1000x128xf32>
    %get3A_35 = vector.shape_cast %get3A_34 : vector<1x1000x128xf32> to vector<1000x128xf32>
    %get3A_36 = arith.constant 1 : index
    %get3A_37 = arith.constant 0 : index
    %get3A_38 = arith.constant 0 : index
    %get3A_39 = vector.load %arg2[%get3A_36, %get3A_37, %get3A_38] : memref<2x1000x128xf32, #tpu.memory_space<vmem>>, vector<1x1000x128xf32>
    %get3A_40 = vector.shape_cast %get3A_39 : vector<1x1000x128xf32> to vector<1000x128xf32>
    %add3A_41 = arith.addf %get3A_35, %get3A_40 : vector<1000x128xf32>
    %mul3A_42 = vector.broadcast %rsqrt3A : vector<1000x1xf32> to vector<1000x128xf32>
    %mul3A_43 = arith.mulf %mul3A_42, %add3A_41 : vector<1000x128xf32>
    %get3A_44 = arith.constant 0 : index
    %get3A_45 = arith.constant 128 : index
    %get3A_46 = vector.load %arg4[%get3A_44, %get3A_45] : memref<1x256xf32, #tpu.memory_space<vmem>>, vector<1x128xf32>
    %add3A_47 = vector.broadcast %get3A_46 : vector<1x128xf32> to vector<1000x128xf32>
    %add3A_48 = arith.addf %mul3A_43, %add3A_47 : vector<1000x128xf32>
    %max3A_49 = arith.constant 0.000000e+00 : f32
    %max3A_50 = vector.broadcast %max3A_49 : f32 to vector<1000x128xf32>
    %max3A_51 = arith.maximumf %add3A_48, %max3A_50 : vector<1000x128xf32>
    %get3A_52 = arith.constant 0 : index
    %get3A_53 = arith.constant 0 : index
    %get3A_54 = vector.load %arg5[%get3A_52, %get3A_53] : memref<256x128xf32, #tpu.memory_space<vmem>>, vector<128x128xf32>
    %dot_general3A = arith.constant dense<0.000000e+00> : vector<1000x128xf32>
    %dot_general3A_55 = tpu.matmul %max3A_30, %get3A_54, %dot_general3A {dimension_numbers = #tpu.dot_dimension_numbers<[1], [0], [0], [1], [0, 0, 1, 1], [], []>, precision = #tpu.contract_precision<fp32>, transpose_lhs_hint = false} : vector<1000x128xf32>, vector<128x128xf32>, vector<1000x128xf32> -> vector<1000x128xf32>
    %get3A_56 = arith.constant 128 : index
    %get3A_57 = arith.constant 0 : index
    %get3A_58 = vector.load %arg5[%get3A_56, %get3A_57] : memref<256x128xf32, #tpu.memory_space<vmem>>, vector<128x128xf32>
    %dot_general3A_59 = arith.constant dense<0.000000e+00> : vector<1000x128xf32>
    %dot_general3A_60 = tpu.matmul %max3A_51, %get3A_58, %dot_general3A_59 {dimension_numbers = #tpu.dot_dimension_numbers<[1], [0], [0], [1], [0, 0, 1, 1], [], []>, precision = #tpu.contract_precision<fp32>, transpose_lhs_hint = false} : vector<1000x128xf32>, vector<128x128xf32>, vector<1000x128xf32> -> vector<1000x128xf32>
    %add3A_61 = arith.addf %dot_general3A_55, %dot_general3A_60 : vector<1000x128xf32>
    %mul3A_62 = vector.broadcast %rsqrt3A : vector<1000x1xf32> to vector<1000x128xf32>
    %mul3A_63 = arith.mulf %mul3A_62, %add3A_61 : vector<1000x128xf32>
    %swap3A = arith.constant 0 : index
    %swap3A_64 = arith.constant 0 : index
    %swap3A_65 = vector.load %arg6[%swap3A, %swap3A_64] : memref<1000x128xf32, #tpu.memory_space<vmem>>, vector<1000x128xf32>
    tpu.vector_store %arg6[%swap3A, %swap3A_64], %mul3A_63 {strides = array<i32>} : memref<1000x128xf32, #tpu.memory_space<vmem>>, vector<1000x128xf32>,
    return
  }
  func.func @transform_0(%arg0: i32) -> (i32, i32, i32) {
    %c0_i32 = arith.constant 0 : i32
    %c0_i32_0 = arith.constant 0 : i32
    %c0_i32_1 = arith.constant 0 : i32
    return %c0_i32, %arg0, %c0_i32_0 : i32, i32, i32
  }
  func.func @transform_1(%arg0: i32) -> (i32, i32, i32) {
    %c0_i32 = arith.constant 0 : i32
    %c0_i32_0 = arith.constant 0 : i32
    %c0_i32_1 = arith.constant 0 : i32
    return %c0_i32, %arg0, %c0_i32_0 : i32, i32, i32
  }
  func.func @transform_2(%arg0: i32) -> (i32, i32, i32) {
    %c0_i32 = arith.constant 0 : i32
    %c0_i32_0 = arith.constant 0 : i32
    %c0_i32_1 = arith.constant 0 : i32
    return %c0_i32, %arg0, %c0_i32_0 : i32, i32, i32
  }
  func.func @transform_3(%arg0: i32) -> (i32, i32) {
    %c0_i32 = arith.constant 0 : i32
    %c0_i32_0 = arith.constant 0 : i32
    %c0_i32_1 = arith.constant 0 : i32
    return %c0_i32, %c0_i32_0 : i32, i32
  }
  func.func @transform_4(%arg0: i32) -> (i32, i32) {
    %c0_i32 = arith.constant 0 : i32
    %c0_i32_0 = arith.constant 0 : i32
    %c0_i32_1 = arith.constant 0 : i32
    return %c0_i32, %c0_i32_0 : i32, i32
  }
  func.func @transform_5(%arg0: i32) -> (i32, i32) {
    %c0_i32 = arith.constant 0 : i32
    %c0_i32_0 = arith.constant 0 : i32
    return %arg0, %c0_i32 : i32, i32
  }
}

module attributes {stable_mosaic.version = 14 : i64} {
  func.func @_tc1_body(%arg0: i32, %arg1: memref<1000x128xf32, #tpu.memory_space<vmem>>, %arg2: memref<128x256xf32, #tpu.memory_space<vmem>>, %arg3: memref<2x1000x128xf32, #tpu.memory_space<vmem>>, %arg4: memref<2x1000x128xf32, #tpu.memory_space<vmem>>) attributes {dimension_semantics = [#tpu.dimension_semantics<arbitrary>], iteration_bounds = array<i64: 10>, scalar_prefetch = 0 : i64, scratch_operands = 0 : i64, tpu.core_type = #tpu.core_type<tc>, window_params = [{transform_indices = @transform_0, window_bounds = array<i64: 1000, 128>}, {pipeline_mode = #tpu.pipeline_mode<synchronous>, transform_indices = @transform_1, window_bounds = array<i64: 128, 256>}, {transform_indices = @transform_2, window_bounds = array<i64: 2, 1000, 128>}, {transform_indices = @transform_3, window_bounds = array<i64: 2, 1000, 128>}]} {
    %get3A = arith.constant 0 : index
    %get3A_0 = arith.constant 0 : index
    %get3A_1 = vector.load %arg1[%get3A, %get3A_0] : memref<1000x128xf32, #tpu.memory_space<vmem>>, vector<1000x128xf32>
    %get3A_2 = arith.constant 0 : index
    %get3A_3 = arith.constant 0 : index
    %get3A_4 = vector.load %arg2[%get3A_2, %get3A_3] : memref<128x256xf32, #tpu.memory_space<vmem>>, vector<128x256xf32>
    %dot_general3A = arith.constant dense<0.000000e+00> : vector<1000x256xf32>
    %dot_general3A_5 = tpu.matmul %get3A_1, %get3A_4, %dot_general3A {dimension_numbers = #tpu.dot_dimension_numbers<[1], [0], [0], [1], [0, 0, 1, 1], [], []>, precision = #tpu.contract_precision<fp32>, transpose_lhs_hint = false} : vector<1000x128xf32>, vector<128x256xf32>, vector<1000x256xf32> -> vector<1000x256xf32>
    %get3A_6 = arith.constant 0 : index
    %get3A_7 = arith.constant 0 : index
    %get3A_8 = arith.constant 0 : index
    %get3A_9 = vector.load %arg3[%get3A_6, %get3A_7, %get3A_8] : memref<2x1000x128xf32, #tpu.memory_space<vmem>>, vector<1x1000x1xf32>
    %get3A_10 = vector.shape_cast %get3A_9 : vector<1x1000x1xf32> to vector<1000x1xf32>
    %get3A_11 = arith.constant 1 : index
    %get3A_12 = arith.constant 0 : index
    %get3A_13 = arith.constant 0 : index
    %get3A_14 = vector.load %arg3[%get3A_11, %get3A_12, %get3A_13] : memref<2x1000x128xf32, #tpu.memory_space<vmem>>, vector<1x1000x1xf32>
    %get3A_15 = vector.shape_cast %get3A_14 : vector<1x1000x1xf32> to vector<1000x1xf32>
    %add3A = arith.addf %get3A_10, %get3A_15 : vector<1000x1xf32>
    %add3A_16 = arith.constant 1.000000e+00 : f32
    %add3A_17 = vector.broadcast %add3A_16 : f32 to vector<1000x1xf32>
    %add3A_18 = arith.addf %add3A, %add3A_17 : vector<1000x1xf32>
    %rsqrt3A = math.rsqrt %add3A_18 : vector<1000x1xf32>
    %slice3A = vector.extract_strided_slice %dot_general3A_5 {offsets = [0, 0], sizes = [1000, 128], strides = [1, 1]} : vector<1000x256xf32> to vector<1000x128xf32>
    %mul3A = vector.broadcast %rsqrt3A : vector<1000x1xf32> to vector<1000x128xf32>
    %mul3A_19 = arith.mulf %slice3A, %mul3A : vector<1000x128xf32>
    %swap3A = arith.constant 0 : index
    %swap3A_20 = arith.constant 0 : index
    %swap3A_21 = arith.constant 0 : index
    %swap3A_22 = vector.load %arg4[%swap3A, %swap3A_20, %swap3A_21] : memref<2x1000x128xf32, #tpu.memory_space<vmem>>, vector<1x1000x128xf32>
    %swap3A_23 = vector.shape_cast %swap3A_22 : vector<1x1000x128xf32> to vector<1000x128xf32>
    %swap3A_24 = vector.shape_cast %mul3A_19 : vector<1000x128xf32> to vector<1x1000x128xf32>
    tpu.vector_store %arg4[%swap3A, %swap3A_20, %swap3A_21], %swap3A_24 {strides = array<i32>} : memref<2x1000x128xf32, #tpu.memory_space<vmem>>, vector<1x1000x128xf32>,
    %slice3A_25 = vector.extract_strided_slice %dot_general3A_5 {offsets = [0, 128], sizes = [1000, 128], strides = [1, 1]} : vector<1000x256xf32> to vector<1000x128xf32>
    %mul3A_26 = vector.broadcast %rsqrt3A : vector<1000x1xf32> to vector<1000x128xf32>
    %mul3A_27 = arith.mulf %slice3A_25, %mul3A_26 : vector<1000x128xf32>
    %swap3A_28 = arith.constant 1 : index
    %swap3A_29 = arith.constant 0 : index
    %swap3A_30 = arith.constant 0 : index
    %swap3A_31 = vector.load %arg4[%swap3A_28, %swap3A_29, %swap3A_30] : memref<2x1000x128xf32, #tpu.memory_space<vmem>>, vector<1x1000x128xf32>
    %swap3A_32 = vector.shape_cast %swap3A_31 : vector<1x1000x128xf32> to vector<1000x128xf32>
    %swap3A_33 = vector.shape_cast %mul3A_27 : vector<1000x128xf32> to vector<1x1000x128xf32>
    tpu.vector_store %arg4[%swap3A_28, %swap3A_29, %swap3A_30], %swap3A_33 {strides = array<i32>} : memref<2x1000x128xf32, #tpu.memory_space<vmem>>, vector<1x1000x128xf32>,
    return
  }
  func.func @transform_0(%arg0: i32) -> (i32, i32) {
    %c0_i32 = arith.constant 0 : i32
    %c0_i32_0 = arith.constant 0 : i32
    return %arg0, %c0_i32 : i32, i32
  }
  func.func @transform_1(%arg0: i32) -> (i32, i32) {
    %c0_i32 = arith.constant 0 : i32
    %c0_i32_0 = arith.constant 0 : i32
    %c0_i32_1 = arith.constant 0 : i32
    return %c0_i32, %c0_i32_0 : i32, i32
  }
  func.func @transform_2(%arg0: i32) -> (i32, i32, i32) {
    %c0_i32 = arith.constant 0 : i32
    %c0_i32_0 = arith.constant 0 : i32
    %c0_i32_1 = arith.constant 0 : i32
    return %c0_i32, %arg0, %c0_i32_0 : i32, i32, i32
  }
  func.func @transform_3(%arg0: i32) -> (i32, i32, i32) {
    %c0_i32 = arith.constant 0 : i32
    %c0_i32_0 = arith.constant 0 : i32
    %c0_i32_1 = arith.constant 0 : i32
    return %c0_i32, %arg0, %c0_i32_0 : i32, i32, i32
  }
}

module attributes {stable_mosaic.version = 14 : i64} {
  func.func @_tc3_body(%arg0: i32, %arg1: memref<2x1000x128xf32, #tpu.memory_space<vmem>>, %arg2: memref<1000x128xf32, #tpu.memory_space<vmem>>, %arg3: memref<2x1000x128xf32, #tpu.memory_space<vmem>>, %arg4: memref<1x128xf32, #tpu.memory_space<vmem>>, %arg5: memref<1000x128xf32, #tpu.memory_space<vmem>>) attributes {dimension_semantics = [#tpu.dimension_semantics<arbitrary>], iteration_bounds = array<i64: 10>, scalar_prefetch = 0 : i64, scratch_operands = 0 : i64, tpu.core_type = #tpu.core_type<tc>, window_params = [{transform_indices = @transform_0, window_bounds = array<i64: 2, 1000, 128>}, {transform_indices = @transform_1, window_bounds = array<i64: 1000, 128>}, {transform_indices = @transform_2, window_bounds = array<i64: 2, 1000, 128>}, {pipeline_mode = #tpu.pipeline_mode<synchronous>, transform_indices = @transform_3, window_bounds = array<i64: 1, 128>}, {transform_indices = @transform_4, window_bounds = array<i64: 1000, 128>}]} {
    %get3A = arith.constant 0 : index
    %get3A_0 = arith.constant 0 : index
    %get3A_1 = arith.constant 0 : index
    %get3A_2 = vector.load %arg3[%get3A, %get3A_0, %get3A_1] : memref<2x1000x128xf32, #tpu.memory_space<vmem>>, vector<1x1000x1xf32>
    %get3A_3 = vector.shape_cast %get3A_2 : vector<1x1000x1xf32> to vector<1000x1xf32>
    %get3A_4 = arith.constant 1 : index
    %get3A_5 = arith.constant 0 : index
    %get3A_6 = arith.constant 0 : index
    %get3A_7 = vector.load %arg3[%get3A_4, %get3A_5, %get3A_6] : memref<2x1000x128xf32, #tpu.memory_space<vmem>>, vector<1x1000x1xf32>
    %get3A_8 = vector.shape_cast %get3A_7 : vector<1x1000x1xf32> to vector<1000x1xf32>
    %add3A = arith.addf %get3A_3, %get3A_8 : vector<1000x1xf32>
    %add3A_9 = arith.constant 1.000000e+00 : f32
    %add3A_10 = vector.broadcast %add3A_9 : f32 to vector<1000x1xf32>
    %add3A_11 = arith.addf %add3A, %add3A_10 : vector<1000x1xf32>
    %rsqrt3A = math.rsqrt %add3A_11 : vector<1000x1xf32>
    %get3A_12 = arith.constant 0 : index
    %get3A_13 = arith.constant 0 : index
    %get3A_14 = arith.constant 0 : index
    %get3A_15 = vector.load %arg1[%get3A_12, %get3A_13, %get3A_14] : memref<2x1000x128xf32, #tpu.memory_space<vmem>>, vector<1x1000x128xf32>
    %get3A_16 = vector.shape_cast %get3A_15 : vector<1x1000x128xf32> to vector<1000x128xf32>
    %get3A_17 = arith.constant 1 : index
    %get3A_18 = arith.constant 0 : index
    %get3A_19 = arith.constant 0 : index
    %get3A_20 = vector.load %arg1[%get3A_17, %get3A_18, %get3A_19] : memref<2x1000x128xf32, #tpu.memory_space<vmem>>, vector<1x1000x128xf32>
    %get3A_21 = vector.shape_cast %get3A_20 : vector<1x1000x128xf32> to vector<1000x128xf32>
    %add3A_22 = arith.addf %get3A_16, %get3A_21 : vector<1000x128xf32>
    %get3A_23 = arith.constant 0 : index
    %get3A_24 = arith.constant 0 : index
    %get3A_25 = vector.load %arg2[%get3A_23, %get3A_24] : memref<1000x128xf32, #tpu.memory_space<vmem>>, vector<1000x128xf32>
    %add3A_26 = arith.addf %add3A_22, %get3A_25 : vector<1000x128xf32>
    %mul3A = vector.broadcast %rsqrt3A : vector<1000x1xf32> to vector<1000x128xf32>
    %mul3A_27 = arith.mulf %mul3A, %add3A_26 : vector<1000x128xf32>
    %get3A_28 = arith.constant 0 : index
    %get3A_29 = arith.constant 0 : index
    %get3A_30 = vector.load %arg4[%get3A_28, %get3A_29] : memref<1x128xf32, #tpu.memory_space<vmem>>, vector<1x128xf32>
    %add3A_31 = vector.broadcast %get3A_30 : vector<1x128xf32> to vector<1000x128xf32>
    %add3A_32 = arith.addf %mul3A_27, %add3A_31 : vector<1000x128xf32>
    %swap3A = arith.constant 0 : index
    %swap3A_33 = arith.constant 0 : index
    %swap3A_34 = vector.load %arg5[%swap3A, %swap3A_33] : memref<1000x128xf32, #tpu.memory_space<vmem>>, vector<1000x128xf32>
    tpu.vector_store %arg5[%swap3A, %swap3A_33], %add3A_32 {strides = array<i32>} : memref<1000x128xf32, #tpu.memory_space<vmem>>, vector<1000x128xf32>,
    return
  }
  func.func @transform_0(%arg0: i32) -> (i32, i32, i32) {
    %c0_i32 = arith.constant 0 : i32
    %c0_i32_0 = arith.constant 0 : i32
    %c0_i32_1 = arith.constant 0 : i32
    return %c0_i32, %arg0, %c0_i32_0 : i32, i32, i32
  }
  func.func @transform_1(%arg0: i32) -> (i32, i32) {
    %c0_i32 = arith.constant 0 : i32
    %c0_i32_0 = arith.constant 0 : i32
    return %arg0, %c0_i32 : i32, i32
  }
  func.func @transform_2(%arg0: i32) -> (i32, i32, i32) {
    %c0_i32 = arith.constant 0 : i32
    %c0_i32_0 = arith.constant 0 : i32
    %c0_i32_1 = arith.constant 0 : i32
    return %c0_i32, %arg0, %c0_i32_0 : i32, i32, i32
  }
  func.func @transform_3(%arg0: i32) -> (i32, i32) {
    %c0_i32 = arith.constant 0 : i32
    %c0_i32_0 = arith.constant 0 : i32
    %c0_i32_1 = arith.constant 0 : i32
    return %c0_i32, %c0_i32_0 : i32, i32
  }
  func.func @transform_4(%arg0: i32) -> (i32, i32) {
    %c0_i32 = arith.constant 0 : i32
    %c0_i32_0 = arith.constant 0 : i32
    return %arg0, %c0_i32 : i32, i32
  }
}

</mosaic_0001>

<sc_bundles>
// kernel: kernel.11.cloned.1.call-start
scs
__scs_entry_jumppad:
0x0: {  	(pc) =	sbr.rel $0x88, $3  }
0x1: {  	(tag) =	ssettag $0x0;
	lr =	simm.s32 $0x1  }
0x2: {  	[smem:$0x3F9B] =	sst lr;
	_ =	strace $0xD0000000  }
0x3: {  	_ = 	snop  }
0x4: {  	_ = 	snop  }
0x5: {  	_ = 	snop  }
0x6: {  	_ = 	snop  }
0x7: {  	_ = 	snop  }
__scs_overlays_trampoline_lowered:
0x8: {  	[smem:$0x3FAA] =	sst s0  }
0x9: {  	[smem:$0x3FAB] =	sst s1  }
0xa: {  	[smem:$0x3FAC] =	sst s2  }
0xb: {  	[smem:$0x3FAD] =	sst s3  }
0xc: {  	[smem:$0x3FAE] =	sst s4  }
0xd: {  	[smem:$0x3FAF] =	sst s5  }
0xe: {  	[smem:$0x3FB0] =	sst s6  }
0xf: {  	[smem:$0x3FB1] =	sst s7  }
0x10: {  	[smem:$0x3FB2] =	sst s8  }
0x11: {  	[smem:$0x3FB3] =	sst s9;
	s0 =	simm.s32 @!p0 $0x0  }
0x12: {  	s1 =	sld [smem:$0x3F99];
	s0 =	simm.s32 @p0 $0x1  }
0x13: {  	[smem:$0x3FB4] =	sst s0;
	s0 =	simm.s32 @!p1 $0x0  }
0x14: {  	s2 =	sld [smem:$0x3F98];
	s0 =	simm.s32 @p1 $0x1  }
0x15: {  	[smem:$0x3FB5] =	sst s0;
	s0 =	simm.s32 @!p2 $0x0  }
0x16: {  	s3 =	sld [smem:$0x3FDB];
	s0 =	simm.s32 @p2 $0x1  }
0x17: {  	s4 =	simm.s32 $0x1BF5;
	[smem:$0x3FB7] =	sst s0  }
0x18: {  	s0 =	sld [smem:$0x3F9A];
	_ =	swait.ge [sflag:s4], $0x0  }
0x19: {  	s7 =	sld [smem:$0x3F9B]  }
0x1a: {  	s8 =	sadd.s32 $0xFFFFE003, lr  }
0x1b: {  	s9 =	sadd.s32 $0xFFFFFEF7, lr;
	s5 =	simm.s32 $0xFFFFFFFF;
	p2 =	slt.u32 s8, $0xFFFFF086  }
0x1c: {  	p1 =	slt.u32 s9, $0xF7A;
	s5 =	simm.s32 @!p2 $0x0  }
0x1d: {  	s5 =	simm.s32 @p1 $0x1;
	p0 =	seq.s32 s7, s2  }
0x1e: {  	s7 =	smul.u32 @!p0 $0xF7A, s2;
	p2 =	seq.s32 @!p0 s5, $0x0  }
0x1f: {  	s9 =	smul.u32 $0xF7A, s1;
	s8 =	simm.s32 @!p0 $0x1BF5;
	p2 =	por !p2, p0  }
0x20: {  	[sflag:s8] =	ssyncset.s32 @!p0 $0xFFFFF086;
	s6 =	sadd.s32 @!p0 s3, s7;
	s7 =	simm.s32 @!p0 $0x108  }
0x21: {  	s3 =	sadd.s32 s3, s9;
	s6 =	sadd.s32 @!p0 $0x88, s6;
	s7 =	simm.s32 @p2 $0x1082  }
0x22: {  	[simem:s7], [sflag:s8] =	dma.local @!p0 [hbm:s6], $0xF7A  }
0x23: {  	s9 =	sor.u32 $0xD0000000, s2;
	s6 =	simm.s32 $0x108;
	_ =	swait.ge @!p0 [sflag:s8], $0x0  }
0x24: {  	s3 =	sadd.s32 $0x88, s3;
	s6 =	simm.s32 @!p1 $0x1082;
	[sflag:s4] =	ssyncset.s32 $0xFFFFF086  }
0x25: {  	[simem:s6], [sflag:s4] =	dma.local [hbm:s3], $0xF7A  }
0x26: {  	[smem:$0x3F9B] =	sst s1;
	(tag) =	ssettag s2;
	_ =	strace s9  }
0x27: {  	s1 =	sld [smem:$0x3FAB]  }
0x28: {  	s2 =	sld [smem:$0x3FAC]  }
0x29: {  	s4 =	sld [smem:$0x3FAE]  }
0x2a: {  	p0 =	seq.s32 s5, $0x0;
	s5 =	sld [smem:$0x3FAF]  }
0x2b: {  	s6 =	sld [smem:$0x3FB0]  }
0x2c: {  	s7 =	sld [smem:$0x3FB1]  }
0x2d: {  	s3 =	simm.s32 $0x108;
	s8 =	sld [smem:$0x3FB2]  }
0x2e: {  	s3 =	simm.s32 @!p0 $0x1082;
	s9 =	sld [smem:$0x3FB3]  }
0x2f: {  	lr =	sadd.s32 s0, s3;
	s0 =	sld [smem:$0x3FAA]  }
0x30: {  	s3 =	sld [smem:$0x3FAD]  }
0x31: {  	[smem:$0x3FB6] =	sst s10  }
0x32: {  	s10 =	sld [smem:$0x3FB4];
	_ =	sdelay $0x3  }
0x33: {  	p0 =	seq.s32 s10, $0x1;
	s10 =	sld [smem:$0x3FB6];
	_ =	sdelay $0x3  }
0x34: {  	[smem:$0x3FB6] =	sst s10  }
0x35: {  	s10 =	sld [smem:$0x3FB5];
	_ =	sdelay $0x3  }
0x36: {  	p1 =	seq.s32 s10, $0x1;
	s10 =	sld [smem:$0x3FB6];
	_ =	sdelay $0x3  }
0x37: {  	[smem:$0x3FB6] =	sst s10  }
0x38: {  	s10 =	sld [smem:$0x3FB7]  }
0x39: {  	_ = 	snop;
	(pc) =	sbr.ind lr, $3  }
0x3a: {  	_ = 	snop  }
0x3b: {  	_ = 	snop  }
0x3c: {  	p2 =	seq.s32 s10, $0x1;
	s10 =	sld [smem:$0x3FB6]  }
0x3d: {  	_ =	shalt  }
0x3e: {  	_ =	shalt  }
0x3f: {  	_ =	shalt  }
0x40: {  	_ =	shalt  }
0x41: {  	_ =	shalt  }
0x42: {  	_ =	shalt  }
0x43: {  	_ =	shalt  }
0x44: {  	_ =	shalt  }
0x45: {  	_ =	shalt  }
0x46: {  	_ =	shalt  }
0x47: {  	_ =	shalt  }
0x48: {  	_ =	shalt  }
0x49: {  	_ =	shalt  }
0x4a: {  	_ =	shalt  }
0x4b: {  	_ =	shalt  }
0x4c: {  	_ =	shalt  }
0x4d: {  	_ =	shalt  }
0x4e: {  	_ =	shalt  }
0x4f: {  	_ =	shalt  }
0x50: {  	_ =	shalt  }
0x51: {  	_ =	shalt  }
0x52: {  	_ =	shalt  }
0x53: {  	_ =	shalt  }
0x54: {  	_ =	shalt  }
0x55: {  	_ =	shalt  }
0x56: {  	_ =	shalt  }
0x57: {  	_ =	shalt  }
0x58: {  	_ =	shalt  }
0x59: {  	_ =	shalt  }
0x5a: {  	_ =	shalt  }
0x5b: {  	_ =	shalt  }
0x5c: {  	_ =	shalt  }
0x5d: {  	_ =	shalt  }
0x5e: {  	_ =	shalt  }
0x5f: {  	_ =	shalt  }
0x60: {  	_ =	shalt  }
0x61: {  	_ =	shalt  }
0x62: {  	_ =	shalt  }
0x63: {  	_ =	shalt  }
0x64: {  	_ =	shalt  }
0x65: {  	_ =	shalt  }
0x66: {  	_ =	shalt  }
0x67: {  	_ =	shalt  }
0x68: {  	_ =	shalt  }
0x69: {  	_ =	shalt  }
0x6a: {  	_ =	shalt  }
0x6b: {  	_ =	shalt  }
0x6c: {  	_ =	shalt  }
0x6d: {  	_ =	shalt  }
0x6e: {  	_ =	shalt  }
0x6f: {  	_ =	shalt  }
0x70: {  	_ =	shalt  }
0x71: {  	_ =	shalt  }
0x72: {  	_ =	shalt  }
0x73: {  	_ =	shalt  }
0x74: {  	_ =	shalt  }
0x75: {  	_ =	shalt  }
0x76: {  	_ =	shalt  }
0x77: {  	_ =	shalt  }
0x78: {  	_ =	shalt  }
0x79: {  	_ =	shalt  }
0x7a: {  	_ =	shalt  }
0x7b: {  	_ =	shalt  }
0x7c: {  	_ =	shalt  }
0x7d: {  	_ =	shalt  }
0x7e: {  	_ =	shalt  }
0x7f: {  	_ =	shalt  }
0x80: {  	_ =	shalt  }
0x81: {  	_ =	shalt  }
0x82: {  	_ =	shalt  }
0x83: {  	_ =	shalt  }
0x84: {  	_ =	shalt  }
0x85: {  	_ =	shalt  }
0x86: {  	_ =	shalt  }
0x87: {  	_ =	shalt  }
.Lfunc_end0:
.L_simem_size_0:
called_computation.1_lowered:
.L_overlay_start_0:
0x88: {  	s2 =	sld [smem:$0x3FD9]  }
0x89: {  	s3 =	sld [smem:$0x3FFE];
	_ =	sdelay $0x1  }
0x8a: {  	s1 =	srdreg.scid  }
0x8b: {  	s0 =	sand.u32 $0x1, s1  }
0x8c: {  	s16 =	sshll.u32 s0, $0xA;
	s2 =	sadd.s32 s3, s2  }
0x8d: {  	s2 =	sadd.s32 s2, s16  }
0x8e: {  	[smem:$0x3FC2] =	sst s2  }
0x8f: {  	_ = 	snop  }
0x90: {  	(tm) =	ssettm $0x1  }
0x91: {  	s17 =	sld [smem:$0x3FFB];
	_ =	sdelay $0x3  }
0x92: {  	_ =	strace s17  }
0x93: {  	s2 =	sld [smem:$0x3FFC];
	_ =	sdelay $0x3  }
0x94: {  	_ =	strace s2  }
0x95: {  	s2 =	sld [smem:$0x3FFD];
	_ =	sdelay $0x3  }
0x96: {  	_ =	strace s2  }
0x97: {  	_ =	strace $0x8FFFFFFF  }
0x98: {  	s18 =	sld [smem:$0x3FDB];
	_ =	sdelay $0x1  }
0x99: {  	s19 =	simm.s32 $_scs_section_size  }
0x9a: {  	s4 =	simm.s32 $_size__tile_overlayer_lowered;
	s5 =	simm.s32 $_tile_overlayer_lowered  }
0x9b: {  	s22 =	simm.s32 $0x1BFF;
	s21 =	sshll.u32 s5, $0x1;
	s2 =	sadd.s32 s19, s18  }
0x9c: {  	s6 =	simm.s32 $0x0;
	s20 =	sshll.u32 s4, $0x1;
	s4 =	sadd.s32 s21, s2  }
0x9d: {  	[timem:s6], [sflag:s22] =	dma.local [hbm:s4], s20  }
0x9e: {  	_ =	swait.ge [sflag:s22], s20  }
0x9f: {  	s3 =	ssub.s32 $0x0, s20;
	[sflag:s22] =	ssyncset.done $0x0  }
0xa0: {  	[sflag:s22] =	ssyncadd.s32 s3;
	_ =	sdelay $0x1  }
0xa1: {  	s23 =	simm.s32 $0x1B8B  }
0xa2: {  	_ =	swait.ge [sflag:s23], $0x1  }
0xa3: {  	[sflag:s23] =	ssyncset.done $0x0  }
0xa4: {  	s25 =	simm.s32 $0x1B8E;
	s24 =	sld [smem:$0x3FFE];
	[sflag:s23] =	ssyncadd.s32 $0xFFFFFFFF  }
0xa5: {  	s26 =	simm.s32 $execute0_lowered;
	[smem:$0x3FD2] =	sst s25  }
0xa6: {  	s4 =	sshll.u32 s26, $0x1;
	_ =	strace $0x80000049;
	[dreg:$0x1] =	wrdreg $0xFFFFFFFF  }
0xa7: {  	s28 =	simm.s32 $_size_execute0_lowered;
	s2 =	sadd.s32 s2, s4;
	[dreg:$0x0] =	wrdreg $0x0  }
0xa8: {  	s4 =	sshll.u32 s28, $0x1;
	[dreg:$0x2] =	wrdreg s2  }
0xa9: {  	[dreg:$0x3] =	wrdreg s4  }
0xaa: {  	[dreg:$0x4] =	wrdreg $0xC0  }
0xab: {  	_ =	task [dreg:s6], $0x5FFFF  }
0xac: {  	[dreg:$0x1] =	wrdreg $0xFFFFFFFF  }
0xad: {  	[dreg:$0x0] =	wrdreg $0x60  }
0xae: {  	[dreg:$0x2] =	wrdreg s24  }
0xaf: {  	[dreg:$0x3] =	wrdreg $0x42000  }
0xb0: {  	[dreg:$0x4] =	wrdreg $0x9  }
0xb1: {  	_ =	task.clear_ibuf [dreg:s6], $0x5FFFF;
	_ =	strace $0x90000049  }
0xb2: {  	s29 =	simm.s32 $0x9;
	_ =	strace $0x8000004B  }
0xb3: {  	_ =	swait.ge [sflag:s29], $0x1  }
0xb4: {  	[sflag:s29] =	ssyncadd.s32 $0xFFFFFFFF  }
0xb5: {  	_ =	strace $0x9000004B  }
0xb6: {  	_ =	sfence  }
0xb7: {  	s30 =	sld [smem:$0x0];
	_ =	sdelay $0x2  }
0xb8: {  	s31 =	sshll.u32 s1, $0xD;
	s1 =	sshrl.u32 s1, $0x2  }
0xb9: {  	s3 =	sand.u32 $0x4000, s31;
	s1 =	sadd.s32 s1, s30  }
0xba: {  	s0 =	sor.u32 s3, s0;
	s1 =	sshll.u32 s1, $0x11  }
0xbb: {  	s0 =	sor.u32 s1, s0  }
0xbc: {  	s0 =	sadd.s32 $0x8F2B, s0  }
0xbd: {  	[sflag:s0] =	ssyncadd.remote.s32 $0x1  }
0xbe: {  	_ =	sfence.sel $0xFFFF  }
0xbf: {  	[dreg:$0x0] =	wrdreg $0xFFFFFFFF;
	(pc) =	sbr.abs _section_cstart, $3  }
0xc0: {  	[dreg:$0x1] =	wrdreg $0xFFFFFFFF  }
0xc1: {  	_ =	task.clear_ibuf [dreg:s6], $0x2FFFF;
	_ =	strace $0x9FFFFFFF  }
0xc2: {  	(tm) =	ssettm $0x7FFFFFFF  }
0xc3: {  	_ =	shalt  }
tec
execute0_lowered:
.L_overlay_start_1:
0x0: {  	(tag) =	ssettag $0x1  }
0x1: {  	s6 =	rddreg [dreg:$0x0]  }
0x2: {  	s1 =	rddreg [dreg:$0x1];
	s0 =	simm.s32 $0x0  }
0x3: {  	s3 =	stileid.u32;
	s7 =	srdreg.scid;
	s20 =	simm.s32 $0x2  }
0x4: {  	s21 =	simm.s32 $0x0;
	[smem:$0x7FF] =	sst s0;
	s5 =	sshll.u32 s3, $0x5  }
0x5: {  	s8 =	smul.u32 $0x4E000, s3;
	s4 =	sadd.s32 $0x63A00, s6;
	s9 =	sand.u32 $0x1, s7  }
0x6: {  	s10 =	smul.u32 $0x270, s3;
	s14 =	sadd.s32 $0xB1C00, s6;
	p0 =	sne.s32 s3, $0x0  }
0x7: {  	_ =	strace $0x8000004A;
	s18 =	sadd.s32 s5, s6;
	s19 =	smul.u32 $0x2710, s9  }
0x8: {  	s7 =	ssub.s32 $0x2, s9;
	s12 =	smul.u32 $0x138800, s9;
	s30 =	sshrl.u32 s8, $0x2  }
0x9: {  	s31 =	sshrl.u32 s7, $0x1;
	s18 =	sadd.s32 $0x1E00, s18;
	s5 =	sadd.s32 s30, s1  }
0xa: {  	s17 =	ssub.s32 s7, s31;
	s10 =	sadd.s32 s10, s19;
	s15 =	sshrl.u32 s12, $0x3  }
0xb: {  	v0 =	vmov s19;
	s19 =	simm.s32 $0x200;
	s6 =	sadd.s32 $0x4000, s5;
	s7 =	sadd.s32 $0x8000, s5  }
0xc: {  	s8 =	sadd.s32 $0xC000, s5;
	s9 =	sadd.s32 $0x10000, s5;
	s11 =	sshll.u32 s10, $0x4  }
0xd: {  	s10 =	sadd.s32 $0x138000, s1;
	s16 =	sadd.s32 s14, s15;
	s11 =	sadd.s32 s14, s11  }
0xe: {  	s17 =	smax.u32 s17, $0x1;
	s16 =	sadd.s32 $0x27000, s16;
	s12 =	sadd.s32 $0x800, s11  }
0xf: {  	v1 =	vimm.f32 $0.0e+00;
	s13 =	sadd.s32 $0x1000, s11;
	s14 =	sadd.s32 $0x1800, s11;
	s15 =	sadd.s32 $0x2000, s11  }
.LBB2_1:
0x10: {  	s0 =	simm.s32 $0x0  }
0x11: {  	s22 =	sand.u32 $0xFE00, s0  }
0x12: {  	s23 =	sand.u32 $0x70, s0;
	s24 =	sshrl.u32 s22, $0x2  }
0x13: {  	s22 =	simm.s32 $0x40;
	s24 =	sor.u32 s23, s24;
	s23 =	simm.s32 $0x0  }
.LBB2_2:
0x14: {  	p1 =	sne.s32 s22, $0xFFC0  }
0x15: {  	[tilespmem:s24+$0x200] =	vst v1;
	s23 =	sadd.s32 $0x10, s23;
	s24 =	smov.u32 s22;
	s22 =	sadd.s32 $0x40, s22  }
.Ltmp0:
0x16: {  	(pc) =	sbr.rel @p1 .LBB2_2-.Ltmp0, $4  }
0x17: {  	_ = 	snop  }
0x18: {  	s24 =	sand.u32 $0xFE00, s24  }
0x19: {  	s25 =	sand.u32 $0x70, s23;
	s24 =	sshrl.u32 s24, $0x2  }
0x1a: {  	s24 =	sor.u32 s25, s24  }
0x1b: {  	[tilespmem:s24+$0x200] =	vst v1  }
0x1c: {  	[spmem:s5] =	stream.linear.scatter [tilespmem:s19], [sflag:$0x2], $0x4000, $0x38;
	[tilespmem:$0x17A80] =	vst v63  }
0x1d: {  	_ =	swait.ge [sflag:s20], $0x4000  }
0x1e: {  	[sflag:s20] =	ssyncset.done $0x0  }
0x1f: {  	[sflag:s20] =	ssyncadd.s32 $0xFFFFC000  }
0x20: {  	[spmem:s6] =	stream.linear.scatter [tilespmem:s19], [sflag:$0x2], $0x4000, $0x38;
	[tilespmem:$0x17A80] =	vst v63  }
0x21: {  	_ =	swait.ge [sflag:s20], $0x4000  }
0x22: {  	[sflag:s20] =	ssyncset.done $0x0  }
0x23: {  	[sflag:s20] =	ssyncadd.s32 $0xFFFFC000  }
0x24: {  	[spmem:s7] =	stream.linear.scatter [tilespmem:s19], [sflag:$0x2], $0x4000, $0x38;
	[tilespmem:$0x17A80] =	vst v63  }
0x25: {  	_ =	swait.ge [sflag:s20], $0x4000  }
0x26: {  	[sflag:s20] =	ssyncset.done $0x0  }
0x27: {  	[sflag:s20] =	ssyncadd.s32 $0xFFFFC000  }
0x28: {  	[spmem:s8] =	stream.linear.scatter [tilespmem:s19], [sflag:$0x2], $0x4000, $0x38;
	[tilespmem:$0x17A80] =	vst v63  }
0x29: {  	_ =	swait.ge [sflag:s20], $0x4000  }
0x2a: {  	[sflag:s20] =	ssyncset.done $0x0  }
0x2b: {  	[sflag:s20] =	ssyncadd.s32 $0xFFFFC000  }
0x2c: {  	[spmem:s9] =	stream.linear.scatter [tilespmem:s19], [sflag:$0x2], $0x3800, $0x38;
	[tilespmem:$0x17A80] =	vst v63  }
0x2d: {  	_ =	swait.ge [sflag:s20], $0x3800  }
0x2e: {  	[sflag:s20] =	ssyncset.done $0x0  }
0x2f: {  	s22 =	simm.s32 @!p0 $0x200;
	[sflag:s20] =	ssyncadd.s32 $0xFFFFC800  }
0x30: {  	[spmem:s10] =	stream.linear.scatter @!p0 [tilespmem:s22], [sflag:$0x2], $0x800, $0x38;
	[tilespmem:$0x17A80] =	vst v63  }
0x31: {  	s22 =	simm.s32 @!p0 $0x2  }
0x32: {  	_ =	swait.ge @!p0 [sflag:s22], $0x800  }
0x33: {  	s23 =	sadd.s32 $0x0, s3;
	[sflag:s22] =	ssyncset.done @!p0 $0x0  }
0x34: {  	p1 =	sgt.u32 s23, $0x9C3;
	[sflag:s22] =	ssyncadd.s32 @!p0 $0xFFFFF800  }
0x35: {  	s23 =	simm.s32 @!p1 $0x3;
	s22 =	simm.s32 @!p1 $0x0;
	[bflag:$0x0] =	sbarrier.arrive $0xFFFF  }
0x36: {  	[tilespmem:s22], [sflag:$0x3] =	stream.linear.gather @!p1 [hbm4b:s18+s22], $0x100, $0x38;
	[tilespmem:$0x17A80] =	vst v63  }
0x37: {  	_ =	swait.ge @!p1 [sflag:s23], $0x100  }
0x38: {  	[sflag:s23] =	ssyncset.done @!p1 $0x0;
	p1 =	por p1, p1  }
0x39: {  	[sflag:s23] =	ssyncadd.s32 @!p1 $0xFFFFFF00  }
0x3a: {  	v2 =	vld @!p1 [tilespmem:$0x80]  }
0x3b: {  	v3 =	vld @!p1 [tilespmem:$0x70]  }
0x3c: {  	v4 =	vld @!p1 [tilespmem:$0xE0]  }
0x3d: {  	v6 =	vld @!p1 [tilespmem:$0xC0]  }
0x3e: {  	v7 =	vld @!p1 [tilespmem:$0xA0]  }
0x3f: {  	v9 =	vld @!p1 [tilespmem:$0xB0]  }
0x40: {  	v5 =	vld @!p1 [tilespmem:$0x0];
	[tilespmem:$0x180] =	vst @!p1 v2  }
0x41: {  	v2 =	vld @!p1 [tilespmem:$0x10];
	[tilespmem:$0x1E0] =	vst @!p1 v4  }
0x42: {  	v8 =	vld @!p1 [tilespmem:$0x40];
	[tilespmem:$0x1C0] =	vst @!p1 v6  }
0x43: {  	v4 =	vld @!p1 [tilespmem:$0x30];
	[tilespmem:$0x1A0] =	vst @!p1 v7  }
0x44: {  	v3 =	vadd.s32 @!p1 v0, v3;
	v7 =	vld @!p1 [tilespmem:$0xD0];
	[tilespmem:$0x1B0] =	vst @!p1 v9  }
0x45: {  	[tilespmem:$0x170] =	vst @!p1 v3;
	v3 =	vadd.s32 @!p1 v0, v5;
	v5 =	vld @!p1 [tilespmem:$0x20]  }
0x46: {  	[tilespmem:$0x100] =	vst @!p1 v3;
	v3 =	vld @!p1 [tilespmem:$0xF0];
	v2 =	vadd.s32 @!p1 v0, v2  }
0x47: {  	v6 =	vadd.s32 @!p1 v0, v8;
	[tilespmem:$0x110] =	vst @!p1 v2;
	v2 =	vld @!p1 [tilespmem:$0x60]  }
0x48: {  	s24 =	sadd.s32 $0x200, s18;
	[tilespmem:$0x140] =	vst @!p1 v6;
	v8 =	vadd.s32 @!p1 v0, v4;
	v4 =	vld @!p1 [tilespmem:$0x50]  }
0x49: {  	s25 =	simm.s32 $0x10;
	s26 =	sadd.s32 $0x200, s24;
	[tilespmem:$0x1D0] =	vst @!p1 v7  }
0x4a: {  	s28 =	simm.s32 $0x30;
	s22 =	smov.u32 s26;
	s23 =	simm.s32 $0x20;
	[tilespmem:$0x130] =	vst @!p1 v8;
	v6 =	vadd.s32 @!p1 v0, v5;
	v5 =	vld @!p1 [tilespmem:$0x90]  }
.LBB2_4:
0x4b: {  	s26 =	sadd.s32 $0x200, s26;
	[tilespmem:$0x1F0] =	vst @!p1 v3;
	s29 =	smov.u32 s28;
	s28 =	sadd.s32 $0x10, s28  }
0x4c: {  	p2 =	sne.s32 s28, $0x9D0;
	[tilespmem:$0x120] =	vst @!p1 v6;
	v2 =	vadd.s32 @!p1 v0, v2  }
0x4d: {  	v3 =	vadd.s32 @!p1 v0, v4;
	[tilespmem:$0x160] =	vst @!p1 v2  }
0x4e: {  	s30 =	simm.s32 @!p1 $0x1;
	[tilespmem:$0x150] =	vst @!p1 v3  }
0x4f: {  	s31 =	simm.s32 @!p1 $0x80;
	s0 =	simm.s32 @!p1 $0x100;
	s2 =	simm.s32 @!p1 $0x200;
	[tilespmem:$0x190] =	vst @!p1 v5  }
0x50: {  	[tilespmem:s2], [sflag:$0x1] =	stream.indirect.gather @!p1 [hbm4b:s4+s31], $0x80, s0, s31, $0xb8;
	[tilespmem:$0x17A80] =	vst v63  }
0x51: {  	_ =	swait.ge @!p1 [sflag:s30], $0x4000  }
0x52: {  	[sflag:s30] =	ssyncset.done @!p1 $0x0  }
0x53: {  	s0 =	simm.s32 @!p1 $0x180;
	[sflag:s30] =	ssyncadd.s32 @!p1 $0xFFFFC000;
	s30 =	simm.s32 @!p1 $0x2  }
0x54: {  	[spmem:s1] =	stream.indirect.scatter.add.f32 @!p1 [tilespmem:s2], [sflag:$0x2], $0x80, s0, s31, $0xb8;
	[tilespmem:$0x17A80] =	vst v63  }
0x55: {  	s0 =	sadd.s32 s25, s3;
	s25 =	smov.u32 s23;
	_ =	swait.ge @!p1 [sflag:s30], $0x4000  }
0x56: {  	s23 =	smov.u32 s29;
	p3 =	sgt.u32 s0, $0x9C3;
	[sflag:s30] =	ssyncset.done @!p1 $0x0  }
0x57: {  	s0 =	simm.s32 @!p3 $0x0;
	s2 =	simm.s32 @!p3 $0x3;
	[sflag:s30] =	ssyncadd.s32 @!p1 $0xFFFFC000  }
0x58: {  	[tilespmem:s0], [sflag:$0x3] =	stream.linear.gather @!p3 [hbm4b:s24+s0], $0x100, $0x38;
	[tilespmem:$0x17A80] =	vst v63  }
0x59: {  	s24 =	smov.u32 s22;
	s22 =	smov.u32 s26;
	_ =	swait.ge @!p3 [sflag:s2], $0x100  }
0x5a: {  	p1 =	por p3, p3;
	[sflag:s2] =	ssyncset.done @!p3 $0x0  }
0x5b: {  	[sflag:s2] =	ssyncadd.s32 @!p1 $0xFFFFFF00  }
0x5c: {  	v2 =	vld @!p1 [tilespmem:$0x80]  }
0x5d: {  	v3 =	vld @!p1 [tilespmem:$0x70]  }
0x5e: {  	v4 =	vld @!p1 [tilespmem:$0xE0]  }
0x5f: {  	v5 =	vld @!p1 [tilespmem:$0x0]  }
0x60: {  	v6 =	vld @!p1 [tilespmem:$0xC0]  }
0x61: {  	v7 =	vld @!p1 [tilespmem:$0xA0]  }
0x62: {  	[tilespmem:$0x180] =	vst @!p1 v2;
	v2 =	vld @!p1 [tilespmem:$0x10];
	v3 =	vadd.s32 @!p1 v0, v3  }
0x63: {  	v8 =	vld @!p1 [tilespmem:$0x40];
	[tilespmem:$0x170] =	vst @!p1 v3  }
0x64: {  	v3 =	vadd.s32 @!p1 v0, v5;
	v5 =	vld @!p1 [tilespmem:$0xB0];
	[tilespmem:$0x1E0] =	vst @!p1 v4  }
0x65: {  	v4 =	vld @!p1 [tilespmem:$0x30];
	[tilespmem:$0x1C0] =	vst @!p1 v6  }
0x66: {  	v6 =	vld @!p1 [tilespmem:$0x20];
	[tilespmem:$0x1A0] =	vst @!p1 v7  }
0x67: {  	[tilespmem:$0x100] =	vst @!p1 v3;
	v2 =	vadd.s32 @!p1 v0, v2;
	v7 =	vld @!p1 [tilespmem:$0xD0]  }
.Ltmp1:
0x68: {  	[tilespmem:$0x110] =	vst @!p1 v2;
	v8 =	vadd.s32 @!p1 v0, v8;
	v3 =	vld @!p1 [tilespmem:$0xF0];
	(pc) =	sbr.rel @p2 .LBB2_4-.Ltmp1, $4  }
0x69: {  	[tilespmem:$0x1B0] =	vst @!p1 v5;
	v2 =	vld @!p1 [tilespmem:$0x60]  }
0x6a: {  	v5 =	vadd.s32 @!p1 v0, v4;
	[tilespmem:$0x140] =	vst @!p1 v8;
	v4 =	vld @!p1 [tilespmem:$0x50]  }
0x6b: {  	v6 =	vadd.s32 @!p1 v0, v6;
	[tilespmem:$0x130] =	vst @!p1 v5  }
0x6c: {  	v5 =	vld @!p1 [tilespmem:$0x90];
	[tilespmem:$0x1D0] =	vst @!p1 v7  }
0x6d: {  	[tilespmem:$0x1F0] =	vst @!p1 v3  }
0x6e: {  	[tilespmem:$0x120] =	vst @!p1 v6;
	v2 =	vadd.s32 @!p1 v0, v2  }
0x6f: {  	v3 =	vadd.s32 @!p1 v0, v4;
	[tilespmem:$0x160] =	vst @!p1 v2  }
0x70: {  	s0 =	simm.s32 @!p1 $0x1;
	[tilespmem:$0x150] =	vst @!p1 v3  }
0x71: {  	s2 =	simm.s32 @!p1 $0x80;
	s26 =	simm.s32 @!p1 $0x100;
	s28 =	simm.s32 @!p1 $0x200;
	[tilespmem:$0x190] =	vst @!p1 v5  }
0x72: {  	[tilespmem:s28], [sflag:$0x1] =	stream.indirect.gather @!p1 [hbm4b:s4+s2], $0x80, s26, s2, $0xb8;
	[tilespmem:$0x17A80] =	vst v63  }
0x73: {  	_ =	swait.ge @!p1 [sflag:s0], $0x4000  }
0x74: {  	[sflag:s0] =	ssyncset.done @!p1 $0x0  }
0x75: {  	s26 =	simm.s32 @!p1 $0x2;
	[sflag:s0] =	ssyncadd.s32 @!p1 $0xFFFFC000;
	s0 =	simm.s32 @!p1 $0x180  }
0x76: {  	[spmem:s1] =	stream.indirect.scatter.add.f32 @!p1 [tilespmem:s28], [sflag:$0x2], $0x80, s0, s2, $0xb8;
	[tilespmem:$0x17A80] =	vst v63  }
0x77: {  	s2 =	sadd.s32 s25, s3;
	_ =	swait.ge @!p1 [sflag:s26], $0x4000  }
0x78: {  	p2 =	sgt.u32 s2, $0x9C3;
	[sflag:s26] =	ssyncset.done @!p1 $0x0  }
0x79: {  	s0 =	simm.s32 @!p2 $0x0;
	s2 =	simm.s32 @!p2 $0x3;
	[sflag:s26] =	ssyncadd.s32 @!p1 $0xFFFFC000  }
0x7a: {  	[tilespmem:s0], [sflag:$0x3] =	stream.linear.gather @!p2 [hbm4b:s24+s0], $0x100, $0x38;
	[tilespmem:$0x17A80] =	vst v63  }
0x7b: {  	_ =	swait.ge @!p2 [sflag:s2], $0x100  }
0x7c: {  	p1 =	por p2, p2;
	[sflag:s2] =	ssyncset.done @!p2 $0x0  }
0x7d: {  	[sflag:s2] =	ssyncadd.s32 @!p1 $0xFFFFFF00  }
0x7e: {  	v2 =	vld @!p1 [tilespmem:$0x80]  }
0x7f: {  	v3 =	vld @!p1 [tilespmem:$0x70]  }
0x80: {  	v4 =	vld @!p1 [tilespmem:$0xE0]  }
0x81: {  	v5 =	vld @!p1 [tilespmem:$0x0]  }
0x82: {  	v6 =	vld @!p1 [tilespmem:$0xC0]  }
0x83: {  	v7 =	vld @!p1 [tilespmem:$0xA0]  }
0x84: {  	[tilespmem:$0x180] =	vst @!p1 v2;
	v2 =	vld @!p1 [tilespmem:$0x10]  }
0x85: {  	v3 =	vadd.s32 @!p1 v0, v3;
	[tilespmem:$0x1E0] =	vst @!p1 v4;
	v4 =	vld @!p1 [tilespmem:$0x30]  }
0x86: {  	[tilespmem:$0x170] =	vst @!p1 v3;
	v3 =	vld @!p1 [tilespmem:$0xB0]  }
0x87: {  	v8 =	vld @!p1 [tilespmem:$0x40];
	[tilespmem:$0x1C0] =	vst @!p1 v6  }
0x88: {  	v5 =	vadd.s32 @!p1 v0, v5;
	v6 =	vld @!p1 [tilespmem:$0x20];
	[tilespmem:$0x1A0] =	vst @!p1 v7  }
0x89: {  	[tilespmem:$0x100] =	vst @!p1 v5;
	v5 =	vld @!p1 [tilespmem:$0xD0];
	v2 =	vadd.s32 @!p1 v0, v2  }
0x8a: {  	[tilespmem:$0x110] =	vst @!p1 v2;
	v2 =	vld @!p1 [tilespmem:$0xF0]  }
0x8b: {  	v4 =	vadd.s32 @!p1 v0, v4;
	[tilespmem:$0x1B0] =	vst @!p1 v3;
	v3 =	vld @!p1 [tilespmem:$0x60]  }
0x8c: {  	v7 =	vadd.s32 @!p1 v0, v8;
	[tilespmem:$0x130] =	vst @!p1 v4;
	v4 =	vld @!p1 [tilespmem:$0x90]  }
0x8d: {  	[tilespmem:$0x140] =	vst @!p1 v7;
	v7 =	vld @!p1 [tilespmem:$0x50]  }
0x8e: {  	[tilespmem:$0x1D0] =	vst @!p1 v5;
	v5 =	vadd.s32 @!p1 v0, v6  }
0x8f: {  	[tilespmem:$0x120] =	vst @!p1 v5  }
0x90: {  	[tilespmem:$0x1F0] =	vst @!p1 v2  }
0x91: {  	v2 =	vadd.s32 @!p1 v0, v3;
	[tilespmem:$0x190] =	vst @!p1 v4  }
0x92: {  	s0 =	simm.s32 @!p1 $0x1;
	v3 =	vadd.s32 @!p1 v0, v7;
	[tilespmem:$0x160] =	vst @!p1 v2  }
0x93: {  	s24 =	simm.s32 @!p1 $0x100;
	s25 =	simm.s32 @!p1 $0x200;
	s2 =	simm.s32 @!p1 $0x80;
	[tilespmem:$0x150] =	vst @!p1 v3  }
0x94: {  	[tilespmem:s25], [sflag:$0x1] =	stream.indirect.gather @!p1 [hbm4b:s4+s2], $0x80, s24, s2, $0xb8;
	[tilespmem:$0x17A80] =	vst v63  }
0x95: {  	_ =	swait.ge @!p1 [sflag:s0], $0x4000  }
0x96: {  	[sflag:s0] =	ssyncset.done @!p1 $0x0  }
0x97: {  	s24 =	simm.s32 @!p1 $0x2;
	[sflag:s0] =	ssyncadd.s32 @!p1 $0xFFFFC000;
	s0 =	simm.s32 @!p1 $0x180  }
0x98: {  	[spmem:s1] =	stream.indirect.scatter.add.f32 @!p1 [tilespmem:s25], [sflag:$0x2], $0x80, s0, s2, $0xb8;
	[tilespmem:$0x17A80] =	vst v63  }
0x99: {  	s23 =	sadd.s32 s23, s3;
	_ =	swait.ge @!p1 [sflag:s24], $0x4000  }
0x9a: {  	p2 =	sgt.u32 s23, $0x9C3;
	[sflag:s24] =	ssyncset.done @!p1 $0x0  }
0x9b: {  	s0 =	simm.s32 @!p2 $0x0;
	s2 =	simm.s32 @!p2 $0x3;
	[sflag:s24] =	ssyncadd.s32 @!p1 $0xFFFFC000  }
0x9c: {  	[tilespmem:s0], [sflag:$0x3] =	stream.linear.gather @!p2 [hbm4b:s22+s0], $0x100, $0x38;
	[tilespmem:$0x17A80] =	vst v63  }
0x9d: {  	_ =	swait.ge @!p2 [sflag:s2], $0x100  }
0x9e: {  	p1 =	por p2, p2;
	[sflag:s2] =	ssyncset.done @!p2 $0x0  }
0x9f: {  	[sflag:s2] =	ssyncadd.s32 @!p1 $0xFFFFFF00  }
0xa0: {  	v2 =	vld @!p1 [tilespmem:$0x80]  }
0xa1: {  	v3 =	vld @!p1 [tilespmem:$0x70]  }
0xa2: {  	v4 =	vld @!p1 [tilespmem:$0xE0]  }
0xa3: {  	v5 =	vld @!p1 [tilespmem:$0x0]  }
0xa4: {  	v6 =	vld @!p1 [tilespmem:$0xC0]  }
0xa5: {  	v7 =	vld @!p1 [tilespmem:$0xA0]  }
0xa6: {  	[tilespmem:$0x180] =	vst @!p1 v2;
	v2 =	vld @!p1 [tilespmem:$0x10]  }
0xa7: {  	v3 =	vadd.s32 @!p1 v0, v3;
	[tilespmem:$0x1E0] =	vst @!p1 v4;
	v4 =	vld @!p1 [tilespmem:$0x30]  }
0xa8: {  	[tilespmem:$0x170] =	vst @!p1 v3;
	v3 =	vld @!p1 [tilespmem:$0xB0]  }
0xa9: {  	v8 =	vld @!p1 [tilespmem:$0x40];
	[tilespmem:$0x1C0] =	vst @!p1 v6  }
0xaa: {  	v5 =	vadd.s32 @!p1 v0, v5;
	v6 =	vld @!p1 [tilespmem:$0x20];
	[tilespmem:$0x1A0] =	vst @!p1 v7  }
0xab: {  	[tilespmem:$0x100] =	vst @!p1 v5;
	v5 =	vld @!p1 [tilespmem:$0xD0];
	v2 =	vadd.s32 @!p1 v0, v2  }
0xac: {  	[tilespmem:$0x110] =	vst @!p1 v2;
	v2 =	vld @!p1 [tilespmem:$0xF0]  }
0xad: {  	v4 =	vadd.s32 @!p1 v0, v4;
	[tilespmem:$0x1B0] =	vst @!p1 v3;
	v3 =	vld @!p1 [tilespmem:$0x60]  }
0xae: {  	v7 =	vadd.s32 @!p1 v0, v8;
	[tilespmem:$0x130] =	vst @!p1 v4;
	v4 =	vld @!p1 [tilespmem:$0x90]  }
0xaf: {  	[tilespmem:$0x140] =	vst @!p1 v7;
	v7 =	vld @!p1 [tilespmem:$0x50]  }
0xb0: {  	[tilespmem:$0x1D0] =	vst @!p1 v5;
	v5 =	vadd.s32 @!p1 v0, v6  }
0xb1: {  	[tilespmem:$0x120] =	vst @!p1 v5  }
0xb2: {  	[tilespmem:$0x1F0] =	vst @!p1 v2  }
0xb3: {  	v2 =	vadd.s32 @!p1 v0, v3;
	[tilespmem:$0x190] =	vst @!p1 v4  }
0xb4: {  	s0 =	simm.s32 @!p1 $0x1;
	v3 =	vadd.s32 @!p1 v0, v7;
	[tilespmem:$0x160] =	vst @!p1 v2  }
0xb5: {  	s22 =	simm.s32 @!p1 $0x100;
	s23 =	simm.s32 @!p1 $0x200;
	s2 =	simm.s32 @!p1 $0x80;
	[tilespmem:$0x150] =	vst @!p1 v3  }
0xb6: {  	[tilespmem:s23], [sflag:$0x1] =	stream.indirect.gather @!p1 [hbm4b:s4+s2], $0x80, s22, s2, $0xb8;
	[tilespmem:$0x17A80] =	vst v63  }
0xb7: {  	_ =	swait.ge @!p1 [sflag:s0], $0x4000  }
0xb8: {  	[sflag:s0] =	ssyncset.done @!p1 $0x0  }
0xb9: {  	s22 =	simm.s32 @!p1 $0x2;
	[sflag:s0] =	ssyncadd.s32 @!p1 $0xFFFFC000;
	s0 =	simm.s32 @!p1 $0x180  }
0xba: {  	[spmem:s1] =	stream.indirect.scatter.add.f32 @!p1 [tilespmem:s23], [sflag:$0x2], $0x80, s0, s2, $0xb8;
	[tilespmem:$0x17A80] =	vst v63  }
0xbb: {  	_ =	swait.ge @!p1 [sflag:s22], $0x4000  }
0xbc: {  	[sflag:s22] =	ssyncset.done @!p1 $0x0  }
0xbd: {  	s25 =	sshll.u32 s3, $0x6;
	[sflag:s22] =	ssyncadd.s32 @!p1 $0xFFFFC000  }
0xbe: {  	s26 =	sshrl.u32 s5, $0x3;
	s0 =	sor.u32 $0x1C02, s25;
	[bflag:$0x0] =	sbarrier.arrive $0xFFFF  }
0xbf: {  	[hbm:s11], [sflag:s0] =	dma.local [spmem:s26], $0x800  }
0xc0: {  	_ =	swait.ge [sflag:s20], $0x800  }
0xc1: {  	[sflag:s20] =	ssyncset.done $0x0  }
0xc2: {  	s28 =	sshrl.u32 s6, $0x3;
	[sflag:s20] =	ssyncadd.s32 $0xFFFFF800  }
0xc3: {  	[hbm:s12], [sflag:s0] =	dma.local [spmem:s28], $0x800  }
0xc4: {  	_ =	swait.ge [sflag:s20], $0x800  }
0xc5: {  	[sflag:s20] =	ssyncset.done $0x0  }
0xc6: {  	s29 =	sshrl.u32 s7, $0x3;
	[sflag:s20] =	ssyncadd.s32 $0xFFFFF800  }
0xc7: {  	[hbm:s13], [sflag:s0] =	dma.local [spmem:s29], $0x800  }
0xc8: {  	_ =	swait.ge [sflag:s20], $0x800  }
0xc9: {  	[sflag:s20] =	ssyncset.done $0x0  }
0xca: {  	s30 =	sshrl.u32 s8, $0x3;
	[sflag:s20] =	ssyncadd.s32 $0xFFFFF800  }
0xcb: {  	[hbm:s14], [sflag:s0] =	dma.local [spmem:s30], $0x800  }
0xcc: {  	_ =	swait.ge [sflag:s20], $0x800  }
0xcd: {  	[sflag:s20] =	ssyncset.done $0x0  }
0xce: {  	s31 =	sshrl.u32 s9, $0x3;
	[sflag:s20] =	ssyncadd.s32 $0xFFFFF800  }
0xcf: {  	[hbm:s15], [sflag:s0] =	dma.local [spmem:s31], $0x700  }
0xd0: {  	_ =	swait.ge [sflag:s20], $0x700  }
0xd1: {  	s21 =	sadd.s32 $0x1, s21;
	[sflag:s20] =	ssyncset.done $0x0  }
0xd2: {  	s2 =	sshrl.u32 @!p0 s10, $0x3;
	p1 =	sne.s32 s21, s17;
	[sflag:s20] =	ssyncadd.s32 $0xFFFFF900  }
0xd3: {  	[hbm:s16], [sflag:s0] =	dma.local @!p0 [spmem:s2], $0x100  }
.Ltmp2:
0xd4: {  	_ = 	snop;
	(pc) =	sbr.rel @p1 .LBB2_1-.Ltmp2, $4  }
0xd5: {  	s0 =	simm.s32 @!p0 $0x2  }
0xd6: {  	_ =	swait.ge @!p0 [sflag:s0], $0x100  }
0xd7: {  	[sflag:s0] =	ssyncset.done @!p0 $0x0  }
0xd8: {  	[sflag:s0] =	ssyncadd.s32 @!p0 $0xFFFFFF00  }
0xd9: {  	_ =	sfence.sel $0x180000  }
0xda: {  	[bflag:$0x0] =	sbarrier.arrive $0xFFFF  }
0xdb: {  	_ =	strace $0x9000004A  }
0xdc: {  	[bflag:$0x2] =	sbarrier.arrive $0xFFFF  }
0xdd: {  	s0 =	rddreg [dreg:$0x2]  }
0xde: {  	s0 =	sadd.s32 @!p0 $0x100000, s0  }
0xdf: {  	[sflag:s0] =	ssyncadd.tile.s32 @!p0 $0x1;
	_ =	shalt  }
.Lfunc_end2:
_tile_overlayer_lowered:
.L_overlay_start_2:
0xe0: {  	(tag) =	ssettag $0x2  }
0xe1: {  	s0 =	rddreg [dreg:$0x0];
	s2 =	stileid.u32  }
0xe2: {  	s1 =	rddreg [dreg:$0x1];
	p0 =	sne.s32 s2, $0x0  }
0xe3: {  	s3 =	rddreg [dreg:$0x2];
	[bflag:$0x3] =	sbarrier.arrive $0xFFFF;
	s2 =	simm.s32 @!p0 $0x1C02  }
0xe4: {  	[timem:s3], [sflag:s2] =	dma.local @!p0 [hbm:s0], s1  }
0xe5: {  	s0 =	simm.s32 @!p0 $0x2  }
0xe6: {  	_ =	swait.ge @!p0 [sflag:s0], s1  }
0xe7: {  	s1 =	ssub.s32 @!p0 $0x0, s1;
	[sflag:s0] =	ssyncset.done @!p0 $0x0  }
0xe8: {  	[sflag:s0] =	ssyncadd.s32 @!p0 s1  }
0xe9: {  	[bflag:$0x3] =	sbarrier.arrive $0xFFFF  }
0xea: {  	_ =	shalt  }

// kernel: kernel.14.cloned.1.call-start
scs
__scs_entry_jumppad:
0x0: {  	(pc) =	sbr.rel $0x88, $3  }
0x1: {  	(tag) =	ssettag $0x0;
	lr =	simm.s32 $0x1  }
0x2: {  	[smem:$0x3F9B] =	sst lr;
	_ =	strace $0xD0000000  }
0x3: {  	_ = 	snop  }
0x4: {  	_ = 	snop  }
0x5: {  	_ = 	snop  }
0x6: {  	_ = 	snop  }
0x7: {  	_ = 	snop  }
__scs_overlays_trampoline_lowered:
0x8: {  	[smem:$0x3FAA] =	sst s0  }
0x9: {  	[smem:$0x3FAB] =	sst s1  }
0xa: {  	[smem:$0x3FAC] =	sst s2  }
0xb: {  	[smem:$0x3FAD] =	sst s3  }
0xc: {  	[smem:$0x3FAE] =	sst s4  }
0xd: {  	[smem:$0x3FAF] =	sst s5  }
0xe: {  	[smem:$0x3FB0] =	sst s6  }
0xf: {  	[smem:$0x3FB1] =	sst s7  }
0x10: {  	[smem:$0x3FB2] =	sst s8  }
0x11: {  	[smem:$0x3FB3] =	sst s9;
	s0 =	simm.s32 @!p0 $0x0  }
0x12: {  	s1 =	sld [smem:$0x3F99];
	s0 =	simm.s32 @p0 $0x1  }
0x13: {  	[smem:$0x3FB4] =	sst s0;
	s0 =	simm.s32 @!p1 $0x0  }
0x14: {  	s2 =	sld [smem:$0x3F98];
	s0 =	simm.s32 @p1 $0x1  }
0x15: {  	[smem:$0x3FB5] =	sst s0;
	s0 =	simm.s32 @!p2 $0x0  }
0x16: {  	s3 =	sld [smem:$0x3FDB];
	s0 =	simm.s32 @p2 $0x1  }
0x17: {  	s4 =	simm.s32 $0x1BF5;
	[smem:$0x3FB7] =	sst s0  }
0x18: {  	s0 =	sld [smem:$0x3F9A];
	_ =	swait.ge [sflag:s4], $0x0  }
0x19: {  	s7 =	sld [smem:$0x3F9B]  }
0x1a: {  	s8 =	sadd.s32 $0xFFFFE003, lr  }
0x1b: {  	s9 =	sadd.s32 $0xFFFFFEF7, lr;
	s5 =	simm.s32 $0xFFFFFFFF;
	p2 =	slt.u32 s8, $0xFFFFF086  }
0x1c: {  	p1 =	slt.u32 s9, $0xF7A;
	s5 =	simm.s32 @!p2 $0x0  }
0x1d: {  	s5 =	simm.s32 @p1 $0x1;
	p0 =	seq.s32 s7, s2  }
0x1e: {  	s7 =	smul.u32 @!p0 $0xF7A, s2;
	p2 =	seq.s32 @!p0 s5, $0x0  }
0x1f: {  	s9 =	smul.u32 $0xF7A, s1;
	s8 =	simm.s32 @!p0 $0x1BF5;
	p2 =	por !p2, p0  }
0x20: {  	[sflag:s8] =	ssyncset.s32 @!p0 $0xFFFFF086;
	s6 =	sadd.s32 @!p0 s3, s7;
	s7 =	simm.s32 @!p0 $0x108  }
0x21: {  	s3 =	sadd.s32 s3, s9;
	s6 =	sadd.s32 @!p0 $0x88, s6;
	s7 =	simm.s32 @p2 $0x1082  }
0x22: {  	[simem:s7], [sflag:s8] =	dma.local @!p0 [hbm:s6], $0xF7A  }
0x23: {  	s9 =	sor.u32 $0xD0000000, s2;
	s6 =	simm.s32 $0x108;
	_ =	swait.ge @!p0 [sflag:s8], $0x0  }
0x24: {  	s3 =	sadd.s32 $0x88, s3;
	s6 =	simm.s32 @!p1 $0x1082;
	[sflag:s4] =	ssyncset.s32 $0xFFFFF086  }
0x25: {  	[simem:s6], [sflag:s4] =	dma.local [hbm:s3], $0xF7A  }
0x26: {  	[smem:$0x3F9B] =	sst s1;
	(tag) =	ssettag s2;
	_ =	strace s9  }
0x27: {  	s1 =	sld [smem:$0x3FAB]  }
0x28: {  	s2 =	sld [smem:$0x3FAC]  }
0x29: {  	s4 =	sld [smem:$0x3FAE]  }
0x2a: {  	p0 =	seq.s32 s5, $0x0;
	s5 =	sld [smem:$0x3FAF]  }
0x2b: {  	s6 =	sld [smem:$0x3FB0]  }
0x2c: {  	s7 =	sld [smem:$0x3FB1]  }
0x2d: {  	s3 =	simm.s32 $0x108;
	s8 =	sld [smem:$0x3FB2]  }
0x2e: {  	s3 =	simm.s32 @!p0 $0x1082;
	s9 =	sld [smem:$0x3FB3]  }
0x2f: {  	lr =	sadd.s32 s0, s3;
	s0 =	sld [smem:$0x3FAA]  }
0x30: {  	s3 =	sld [smem:$0x3FAD]  }
0x31: {  	[smem:$0x3FB6] =	sst s10  }
0x32: {  	s10 =	sld [smem:$0x3FB4];
	_ =	sdelay $0x3  }
0x33: {  	p0 =	seq.s32 s10, $0x1;
	s10 =	sld [smem:$0x3FB6];
	_ =	sdelay $0x3  }
0x34: {  	[smem:$0x3FB6] =	sst s10  }
0x35: {  	s10 =	sld [smem:$0x3FB5];
	_ =	sdelay $0x3  }
0x36: {  	p1 =	seq.s32 s10, $0x1;
	s10 =	sld [smem:$0x3FB6];
	_ =	sdelay $0x3  }
0x37: {  	[smem:$0x3FB6] =	sst s10  }
0x38: {  	s10 =	sld [smem:$0x3FB7]  }
0x39: {  	_ = 	snop;
	(pc) =	sbr.ind lr, $3  }
0x3a: {  	_ = 	snop  }
0x3b: {  	_ = 	snop  }
0x3c: {  	p2 =	seq.s32 s10, $0x1;
	s10 =	sld [smem:$0x3FB6]  }
0x3d: {  	_ =	shalt  }
0x3e: {  	_ =	shalt  }
0x3f: {  	_ =	shalt  }
0x40: {  	_ =	shalt  }
0x41: {  	_ =	shalt  }
0x42: {  	_ =	shalt  }
0x43: {  	_ =	shalt  }
0x44: {  	_ =	shalt  }
0x45: {  	_ =	shalt  }
0x46: {  	_ =	shalt  }
0x47: {  	_ =	shalt  }
0x48: {  	_ =	shalt  }
0x49: {  	_ =	shalt  }
0x4a: {  	_ =	shalt  }
0x4b: {  	_ =	shalt  }
0x4c: {  	_ =	shalt  }
0x4d: {  	_ =	shalt  }
0x4e: {  	_ =	shalt  }
0x4f: {  	_ =	shalt  }
0x50: {  	_ =	shalt  }
0x51: {  	_ =	shalt  }
0x52: {  	_ =	shalt  }
0x53: {  	_ =	shalt  }
0x54: {  	_ =	shalt  }
0x55: {  	_ =	shalt  }
0x56: {  	_ =	shalt  }
0x57: {  	_ =	shalt  }
0x58: {  	_ =	shalt  }
0x59: {  	_ =	shalt  }
0x5a: {  	_ =	shalt  }
0x5b: {  	_ =	shalt  }
0x5c: {  	_ =	shalt  }
0x5d: {  	_ =	shalt  }
0x5e: {  	_ =	shalt  }
0x5f: {  	_ =	shalt  }
0x60: {  	_ =	shalt  }
0x61: {  	_ =	shalt  }
0x62: {  	_ =	shalt  }
0x63: {  	_ =	shalt  }
0x64: {  	_ =	shalt  }
0x65: {  	_ =	shalt  }
0x66: {  	_ =	shalt  }
0x67: {  	_ =	shalt  }
0x68: {  	_ =	shalt  }
0x69: {  	_ =	shalt  }
0x6a: {  	_ =	shalt  }
0x6b: {  	_ =	shalt  }
0x6c: {  	_ =	shalt  }
0x6d: {  	_ =	shalt  }
0x6e: {  	_ =	shalt  }
0x6f: {  	_ =	shalt  }
0x70: {  	_ =	shalt  }
0x71: {  	_ =	shalt  }
0x72: {  	_ =	shalt  }
0x73: {  	_ =	shalt  }
0x74: {  	_ =	shalt  }
0x75: {  	_ =	shalt  }
0x76: {  	_ =	shalt  }
0x77: {  	_ =	shalt  }
0x78: {  	_ =	shalt  }
0x79: {  	_ =	shalt  }
0x7a: {  	_ =	shalt  }
0x7b: {  	_ =	shalt  }
0x7c: {  	_ =	shalt  }
0x7d: {  	_ =	shalt  }
0x7e: {  	_ =	shalt  }
0x7f: {  	_ =	shalt  }
0x80: {  	_ =	shalt  }
0x81: {  	_ =	shalt  }
0x82: {  	_ =	shalt  }
0x83: {  	_ =	shalt  }
0x84: {  	_ =	shalt  }
0x85: {  	_ =	shalt  }
0x86: {  	_ =	shalt  }
0x87: {  	_ =	shalt  }
.Lfunc_end0:
.L_simem_size_0:
called_computation.2_lowered:
.L_overlay_start_0:
0x88: {  	s2 =	sld [smem:$0x3FD9]  }
0x89: {  	s3 =	sld [smem:$0x3FFE];
	_ =	sdelay $0x1  }
0x8a: {  	s1 =	srdreg.scid  }
0x8b: {  	s0 =	sand.u32 $0x1, s1  }
0x8c: {  	s17 =	sshll.u32 s0, $0xA;
	s2 =	sadd.s32 s3, s2  }
0x8d: {  	s2 =	sadd.s32 s2, s17  }
0x8e: {  	[smem:$0x3FC2] =	sst s2  }
0x8f: {  	_ = 	snop  }
0x90: {  	s2 =	sld [smem:$0x3FD0];
	(tm) =	ssettm $0x1  }
0x91: {  	s18 =	sld [smem:$0x3FFB];
	_ =	sdelay $0x3  }
0x92: {  	_ =	strace s18  }
0x93: {  	s3 =	sld [smem:$0x3FFC];
	_ =	sdelay $0x3  }
0x94: {  	_ =	strace s3  }
0x95: {  	s3 =	sld [smem:$0x3FFD];
	_ =	sdelay $0x3  }
0x96: {  	_ =	strace s3  }
0x97: {  	_ =	strace $0x8FFFFFFF  }
0x98: {  	s19 =	sld [smem:$0x3FDB];
	_ =	sdelay $0x1  }
0x99: {  	s4 =	simm.s32 $_scs_section_size  }
0x9a: {  	s5 =	simm.s32 $_size__tile_overlayer_lowered;
	s6 =	simm.s32 $_tile_overlayer_lowered  }
0x9b: {  	s22 =	simm.s32 $0x1BFF;
	s21 =	sshll.u32 s6, $0x1;
	s3 =	sadd.s32 s4, s19  }
0x9c: {  	s7 =	simm.s32 $0x0;
	s20 =	sshll.u32 s5, $0x1;
	s5 =	sadd.s32 s21, s3  }
0x9d: {  	[timem:s7], [sflag:s22] =	dma.local [hbm:s5], s20  }
0x9e: {  	_ =	swait.ge [sflag:s22], s20  }
0x9f: {  	s4 =	ssub.s32 $0x0, s20;
	[sflag:s22] =	ssyncset.done $0x0  }
0xa0: {  	[sflag:s22] =	ssyncadd.s32 s4;
	_ =	sdelay $0x1  }
0xa1: {  	s23 =	simm.s32 $0x1B8B  }
0xa2: {  	_ =	swait.ge [sflag:s23], $0x1  }
0xa3: {  	[sflag:s23] =	ssyncset.done $0x0  }
0xa4: {  	s25 =	simm.s32 $0x1B8E;
	s24 =	sld [smem:$0x3FFE];
	[sflag:s23] =	ssyncadd.s32 $0xFFFFFFFF  }
0xa5: {  	s26 =	simm.s32 $execute0_lowered;
	[smem:$0x3FD2] =	sst s25  }
0xa6: {  	s5 =	sshll.u32 s26, $0x1;
	_ =	strace $0x8000004C;
	[dreg:$0x1] =	wrdreg $0xFFFFFFFF  }
0xa7: {  	s28 =	simm.s32 $_size_execute0_lowered;
	s3 =	sadd.s32 s3, s5;
	[dreg:$0x0] =	wrdreg $0x0  }
0xa8: {  	s5 =	sshll.u32 s28, $0x1;
	[dreg:$0x2] =	wrdreg s3  }
0xa9: {  	[dreg:$0x3] =	wrdreg s5  }
0xaa: {  	[dreg:$0x4] =	wrdreg $0xC0  }
0xab: {  	_ =	task [dreg:s7], $0x5FFFF  }
0xac: {  	[dreg:$0x1] =	wrdreg $0xFFFFFFFF  }
0xad: {  	[dreg:$0x0] =	wrdreg $0x60  }
0xae: {  	[dreg:$0x2] =	wrdreg s2  }
0xaf: {  	[dreg:$0x3] =	wrdreg s24  }
0xb0: {  	[dreg:$0x4] =	wrdreg $0x42000  }
0xb1: {  	[dreg:$0x5] =	wrdreg $0x9  }
0xb2: {  	_ =	task.clear_ibuf [dreg:s7], $0x6FFFF;
	_ =	strace $0x9000004C  }
0xb3: {  	s29 =	simm.s32 $0x9;
	_ =	strace $0x8000004E  }
0xb4: {  	_ =	swait.ge [sflag:s29], $0x1  }
0xb5: {  	[sflag:s29] =	ssyncadd.s32 $0xFFFFFFFF  }
0xb6: {  	_ =	strace $0x9000004E  }
0xb7: {  	_ =	sfence  }
0xb8: {  	s30 =	sld [smem:$0x0];
	_ =	sdelay $0x2  }
0xb9: {  	s31 =	sshll.u32 s1, $0xD;
	s1 =	sshrl.u32 s1, $0x2  }
0xba: {  	s3 =	sand.u32 $0x4000, s31;
	s1 =	sadd.s32 s1, s30  }
0xbb: {  	s0 =	sor.u32 s3, s0;
	s1 =	sshll.u32 s1, $0x11  }
0xbc: {  	s0 =	sor.u32 s1, s0  }
0xbd: {  	s0 =	sadd.s32 $0x8F2B, s0  }
0xbe: {  	[sflag:s0] =	ssyncadd.remote.s32 $0x1  }
0xbf: {  	_ =	sfence.sel $0xFFFF  }
0xc0: {  	[dreg:$0x0] =	wrdreg $0xFFFFFFFF;
	(pc) =	sbr.abs _section_cstart, $3  }
0xc1: {  	[dreg:$0x1] =	wrdreg $0xFFFFFFFF  }
0xc2: {  	_ =	task.clear_ibuf [dreg:s7], $0x2FFFF;
	_ =	strace $0x9FFFFFFF  }
0xc3: {  	(tm) =	ssettm $0x7FFFFFFF  }
tec
execute0_lowered:
.L_overlay_start_1:
0x0: {  	(tag) =	ssettag $0x1  }
0x1: {  	s1 =	rddreg [dreg:$0x0]  }
0x2: {  	s5 =	rddreg [dreg:$0x1]  }
0x3: {  	s2 =	rddreg [dreg:$0x2];
	s4 =	srdreg.scid  }
0x4: {  	s0 =	rddreg [dreg:$0x3];
	s9 =	sand.u32 $0x1, s4  }
0x5: {  	s3 =	simm.s32 $0x0;
	s4 =	stileid.u32;
	s6 =	smul.u32 $0x9C40, s9  }
0x6: {  	s20 =	simm.s32 $0x2;
	s21 =	simm.s32 $0x0;
	s7 =	smul.u32 $0x4E000, s4  }
0x7: {  	[smem:$0x7FF] =	sst s3;
	s15 =	sadd.s32 $0x63A00, s5;
	s8 =	smul.u32 $0x270, s4  }
0x8: {  	_ =	strace $0x8000004D;
	s30 =	ssub.s32 $0x2, s9;
	s11 =	smul.u32 $0x2710, s9  }
0x9: {  	s14 =	smul.u32 $0x138800, s9;
	s19 =	sshll.u32 s4, $0x5;
	p0 =	sne.s32 s4, $0x0  }
0xa: {  	s10 =	sshrl.u32 s30, $0x1;
	s17 =	sadd.s32 s6, s5;
	s7 =	sshrl.u32 s7, $0x2  }
0xb: {  	s18 =	ssub.s32 s30, s10;
	s31 =	sadd.s32 s8, s11;
	s10 =	sadd.s32 $0x138000, s2  }
0xc: {  	s16 =	sshrl.u32 s14, $0x3;
	s5 =	sadd.s32 s7, s2;
	s11 =	sshll.u32 s31, $0x4  }
0xd: {  	s16 =	sadd.s32 s15, s16;
	s19 =	sadd.s32 s19, s17;
	s17 =	smax.u32 s18, $0x1  }
0xe: {  	s6 =	sadd.s32 $0x4000, s5;
	s7 =	sadd.s32 $0x8000, s5;
	s8 =	sadd.s32 $0xC000, s5  }
0xf: {  	s9 =	sadd.s32 $0x10000, s5;
	s11 =	sadd.s32 s15, s11;
	s16 =	sadd.s32 $0x27000, s16  }
0x10: {  	s18 =	sadd.s32 $0x1E00, s19;
	s19 =	simm.s32 $0x200;
	s12 =	sadd.s32 $0x800, s11  }
0x11: {  	v0 =	vimm.f32 $0.0e+00;
	s13 =	sadd.s32 $0x1000, s11;
	s14 =	sadd.s32 $0x1800, s11;
	s15 =	sadd.s32 $0x2000, s11  }
.LBB2_1:
0x12: {  	s22 =	sand.u32 $0xFE00, s3  }
0x13: {  	s23 =	sand.u32 $0x70, s3;
	s24 =	sshrl.u32 s22, $0x2  }
0x14: {  	s22 =	simm.s32 $0x40;
	s24 =	sor.u32 s23, s24;
	s23 =	simm.s32 $0x0  }
.LBB2_2:
0x15: {  	p1 =	sne.s32 s22, $0xFFC0  }
0x16: {  	[tilespmem:s24+$0x200] =	vst v0;
	s23 =	sadd.s32 $0x10, s23;
	s24 =	smov.u32 s22;
	s22 =	sadd.s32 $0x40, s22  }
.Ltmp0:
0x17: {  	(pc) =	sbr.rel @p1 .LBB2_2-.Ltmp0, $4  }
0x18: {  	_ = 	snop  }
0x19: {  	s24 =	sand.u32 $0xFE00, s24  }
0x1a: {  	s25 =	sand.u32 $0x70, s23;
	s24 =	sshrl.u32 s24, $0x2  }
0x1b: {  	s24 =	sor.u32 s25, s24  }
0x1c: {  	[tilespmem:s24+$0x200] =	vst v0  }
0x1d: {  	[spmem:s5] =	stream.linear.scatter [tilespmem:s19], [sflag:$0x2], $0x4000, $0x38;
	[tilespmem:$0x17A80] =	vst v63  }
0x1e: {  	_ =	swait.ge [sflag:s20], $0x4000  }
0x1f: {  	[sflag:s20] =	ssyncset.done $0x0  }
0x20: {  	[sflag:s20] =	ssyncadd.s32 $0xFFFFC000  }
0x21: {  	[spmem:s6] =	stream.linear.scatter [tilespmem:s19], [sflag:$0x2], $0x4000, $0x38;
	[tilespmem:$0x17A80] =	vst v63  }
0x22: {  	_ =	swait.ge [sflag:s20], $0x4000  }
0x23: {  	[sflag:s20] =	ssyncset.done $0x0  }
0x24: {  	[sflag:s20] =	ssyncadd.s32 $0xFFFFC000  }
0x25: {  	[spmem:s7] =	stream.linear.scatter [tilespmem:s19], [sflag:$0x2], $0x4000, $0x38;
	[tilespmem:$0x17A80] =	vst v63  }
0x26: {  	_ =	swait.ge [sflag:s20], $0x4000  }
0x27: {  	[sflag:s20] =	ssyncset.done $0x0  }
0x28: {  	[sflag:s20] =	ssyncadd.s32 $0xFFFFC000  }
0x29: {  	[spmem:s8] =	stream.linear.scatter [tilespmem:s19], [sflag:$0x2], $0x4000, $0x38;
	[tilespmem:$0x17A80] =	vst v63  }
0x2a: {  	_ =	swait.ge [sflag:s20], $0x4000  }
0x2b: {  	[sflag:s20] =	ssyncset.done $0x0  }
0x2c: {  	[sflag:s20] =	ssyncadd.s32 $0xFFFFC000  }
0x2d: {  	[spmem:s9] =	stream.linear.scatter [tilespmem:s19], [sflag:$0x2], $0x3800, $0x38;
	[tilespmem:$0x17A80] =	vst v63  }
0x2e: {  	_ =	swait.ge [sflag:s20], $0x3800  }
0x2f: {  	[sflag:s20] =	ssyncset.done $0x0  }
0x30: {  	s22 =	simm.s32 @!p0 $0x200;
	[sflag:s20] =	ssyncadd.s32 $0xFFFFC800  }
0x31: {  	[spmem:s10] =	stream.linear.scatter @!p0 [tilespmem:s22], [sflag:$0x2], $0x800, $0x38;
	[tilespmem:$0x17A80] =	vst v63  }
0x32: {  	s22 =	simm.s32 @!p0 $0x2  }
0x33: {  	_ =	swait.ge @!p0 [sflag:s22], $0x800  }
0x34: {  	s23 =	sadd.s32 $0x0, s4;
	[sflag:s22] =	ssyncset.done @!p0 $0x0  }
0x35: {  	p1 =	sgt.u32 s23, $0x4E1;
	[sflag:s22] =	ssyncadd.s32 @!p0 $0xFFFFF800  }
0x36: {  	s23 =	simm.s32 @!p1 $0x3;
	s22 =	simm.s32 @!p1 $0x0;
	[bflag:$0x0] =	sbarrier.arrive $0xFFFF  }
0x37: {  	[tilespmem:s22], [sflag:$0x3] =	stream.linear.gather @!p1 [hbm4b:s18+s22], $0x100, $0x38;
	[tilespmem:$0x17A80] =	vst v63  }
0x38: {  	_ =	swait.ge @!p1 [sflag:s23], $0x100;
	p1 =	por p1, p1  }
0x39: {  	[sflag:s23] =	ssyncset.done @!p1 $0x0  }
0x3a: {  	[sflag:s23] =	ssyncadd.s32 @!p1 $0xFFFFFF00  }
0x3b: {  	v1 =	vld @!p1 [tilespmem:$0xF0]  }
0x3c: {  	v2 =	vld @!p1 [tilespmem:$0xE0]  }
0x3d: {  	v3 =	vld @!p1 [tilespmem:$0x70]  }
0x3e: {  	v5 =	vld @!p1 [tilespmem:$0xD0]  }
0x3f: {  	v6 =	vld @!p1 [tilespmem:$0x60]  }
0x40: {  	v7 =	vld @!p1 [tilespmem:$0xC0];
	[tilespmem:$0x1F0] =	vst @!p1 v1  }
0x41: {  	v8 =	vld @!p1 [tilespmem:$0x50];
	[tilespmem:$0x1E0] =	vst @!p1 v2  }
0x42: {  	v9 =	vld @!p1 [tilespmem:$0xB0];
	[tilespmem:$0x170] =	vst @!p1 v3  }
0x43: {  	v4 =	vld @!p1 [tilespmem:$0x40];
	[tilespmem:$0x1D0] =	vst @!p1 v5  }
0x44: {  	v1 =	vld @!p1 [tilespmem:$0x30];
	[tilespmem:$0x160] =	vst @!p1 v6  }
0x45: {  	v2 =	vld @!p1 [tilespmem:$0xA0];
	[tilespmem:$0x1C0] =	vst @!p1 v7  }
0x46: {  	v3 =	vld @!p1 [tilespmem:$0x90];
	[tilespmem:$0x150] =	vst @!p1 v8  }
0x47: {  	s22 =	simm.s32 $0x10;
	s23 =	smov.u32 s18;
	v5 =	vld @!p1 [tilespmem:$0x20];
	[tilespmem:$0x1B0] =	vst @!p1 v9  }
.LBB2_4:
0x48: {  	v6 =	vld @!p1 [tilespmem:$0x0];
	[tilespmem:$0x140] =	vst @!p1 v4;
	s23 =	sadd.s32 $0x200, s23;
	s24 =	smov.u32 s22;
	s22 =	sadd.s32 $0x10, s22  }
0x49: {  	p2 =	sne.s32 s22, $0x4F0;
	v4 =	vld @!p1 [tilespmem:$0x10];
	[tilespmem:$0x130] =	vst @!p1 v1  }
0x4a: {  	v1 =	vld @!p1 [tilespmem:$0x80];
	[tilespmem:$0x1A0] =	vst @!p1 v2  }
0x4b: {  	[tilespmem:$0x190] =	vst @!p1 v3  }
0x4c: {  	[tilespmem:$0x120] =	vst @!p1 v5  }
0x4d: {  	[tilespmem:$0x100] =	vst @!p1 v6  }
0x4e: {  	s25 =	simm.s32 @!p1 $0x80;
	s26 =	simm.s32 @!p1 $0x100;
	s28 =	simm.s32 @!p1 $0x200;
	[tilespmem:$0x110] =	vst @!p1 v4  }
0x4f: {  	s29 =	simm.s32 @!p1 $0x1;
	[tilespmem:$0x180] =	vst @!p1 v1  }
0x50: {  	[tilespmem:s28], [sflag:$0x1] =	stream.indirect.gather @!p1 [hbm4b:s1+s25], $0x80, s26, s25, $0xb8;
	[tilespmem:$0x17A80] =	vst v63  }
0x51: {  	_ =	swait.ge @!p1 [sflag:s29], $0x4000  }
0x52: {  	s26 =	simm.s32 @!p1 $0x180;
	[sflag:s29] =	ssyncset.done @!p1 $0x0  }
0x53: {  	[sflag:s29] =	ssyncadd.s32 @!p1 $0xFFFFC000;
	s29 =	simm.s32 @!p1 $0x2  }
0x54: {  	[spmem:s2] =	stream.indirect.scatter.add.f32 @!p1 [tilespmem:s28], [sflag:$0x2], $0x80, s26, s25, $0xb8;
	[tilespmem:$0x17A80] =	vst v63  }
0x55: {  	s24 =	sadd.s32 s24, s4;
	_ =	swait.ge @!p1 [sflag:s29], $0x4000  }
0x56: {  	p3 =	sgt.u32 s24, $0x4E1;
	[sflag:s29] =	ssyncset.done @!p1 $0x0  }
0x57: {  	s24 =	simm.s32 @!p3 $0x0;
	s25 =	simm.s32 @!p3 $0x3;
	[sflag:s29] =	ssyncadd.s32 @!p1 $0xFFFFC000  }
0x58: {  	[tilespmem:s24], [sflag:$0x3] =	stream.linear.gather @!p3 [hbm4b:s23+s24], $0x100, $0x38;
	[tilespmem:$0x17A80] =	vst v63  }
0x59: {  	p1 =	por p3, p3;
	_ =	swait.ge @!p3 [sflag:s25], $0x100  }
0x5a: {  	[sflag:s25] =	ssyncset.done @!p1 $0x0  }
0x5b: {  	[sflag:s25] =	ssyncadd.s32 @!p1 $0xFFFFFF00  }
0x5c: {  	v1 =	vld @!p1 [tilespmem:$0xF0]  }
0x5d: {  	v2 =	vld @!p1 [tilespmem:$0xE0]  }
0x5e: {  	v3 =	vld @!p1 [tilespmem:$0x70]  }
0x5f: {  	v5 =	vld @!p1 [tilespmem:$0xD0]  }
0x60: {  	v6 =	vld @!p1 [tilespmem:$0x60]  }
0x61: {  	v7 =	vld @!p1 [tilespmem:$0xC0];
	[tilespmem:$0x1F0] =	vst @!p1 v1  }
0x62: {  	v8 =	vld @!p1 [tilespmem:$0x50];
	[tilespmem:$0x1E0] =	vst @!p1 v2  }
0x63: {  	v9 =	vld @!p1 [tilespmem:$0xB0];
	[tilespmem:$0x170] =	vst @!p1 v3  }
.Ltmp1:
0x64: {  	v4 =	vld @!p1 [tilespmem:$0x40];
	[tilespmem:$0x1D0] =	vst @!p1 v5;
	(pc) =	sbr.rel @p2 .LBB2_4-.Ltmp1, $4  }
0x65: {  	v1 =	vld @!p1 [tilespmem:$0x30];
	[tilespmem:$0x160] =	vst @!p1 v6  }
0x66: {  	v2 =	vld @!p1 [tilespmem:$0xA0];
	[tilespmem:$0x1C0] =	vst @!p1 v7  }
0x67: {  	v3 =	vld @!p1 [tilespmem:$0x90];
	[tilespmem:$0x150] =	vst @!p1 v8  }
0x68: {  	v5 =	vld @!p1 [tilespmem:$0x20];
	[tilespmem:$0x1B0] =	vst @!p1 v9  }
0x69: {  	v6 =	vld @!p1 [tilespmem:$0x0];
	[tilespmem:$0x140] =	vst @!p1 v4  }
0x6a: {  	v4 =	vld @!p1 [tilespmem:$0x10];
	[tilespmem:$0x130] =	vst @!p1 v1  }
0x6b: {  	v1 =	vld @!p1 [tilespmem:$0x80];
	[tilespmem:$0x1A0] =	vst @!p1 v2  }
0x6c: {  	[tilespmem:$0x190] =	vst @!p1 v3  }
0x6d: {  	[tilespmem:$0x120] =	vst @!p1 v5  }
0x6e: {  	[tilespmem:$0x100] =	vst @!p1 v6  }
0x6f: {  	s22 =	simm.s32 @!p1 $0x80;
	[tilespmem:$0x110] =	vst @!p1 v4  }
0x70: {  	s23 =	simm.s32 @!p1 $0x100;
	s24 =	simm.s32 @!p1 $0x200;
	s25 =	simm.s32 @!p1 $0x1;
	[tilespmem:$0x180] =	vst @!p1 v1  }
0x71: {  	[tilespmem:s24], [sflag:$0x1] =	stream.indirect.gather @!p1 [hbm4b:s1+s22], $0x80, s23, s22, $0xb8;
	[tilespmem:$0x17A80] =	vst v63  }
0x72: {  	_ =	swait.ge @!p1 [sflag:s25], $0x4000  }
0x73: {  	[sflag:s25] =	ssyncset.done @!p1 $0x0  }
0x74: {  	s23 =	simm.s32 @!p1 $0x180;
	[sflag:s25] =	ssyncadd.s32 @!p1 $0xFFFFC000;
	s25 =	simm.s32 @!p1 $0x2  }
0x75: {  	[spmem:s2] =	stream.indirect.scatter.add.f32 @!p1 [tilespmem:s24], [sflag:$0x2], $0x80, s23, s22, $0xb8;
	[tilespmem:$0x17A80] =	vst v63  }
0x76: {  	_ =	swait.ge @!p1 [sflag:s25], $0x4000  }
0x77: {  	[sflag:s25] =	ssyncset.done @!p1 $0x0  }
0x78: {  	[sflag:s25] =	ssyncadd.s32 @!p1 $0xFFFFC000;
	s25 =	sshll.u32 s4, $0x6  }
0x79: {  	s26 =	sshrl.u32 s5, $0x3;
	[bflag:$0x0] =	sbarrier.arrive $0xFFFF;
	s22 =	sor.u32 $0x1C02, s25  }
0x7a: {  	[hbm:s11], [sflag:s22] =	dma.local [spmem:s26], $0x800  }
0x7b: {  	_ =	swait.ge [sflag:s20], $0x800  }
0x7c: {  	[sflag:s20] =	ssyncset.done $0x0  }
0x7d: {  	s28 =	sshrl.u32 s6, $0x3;
	[sflag:s20] =	ssyncadd.s32 $0xFFFFF800  }
0x7e: {  	[hbm:s12], [sflag:s22] =	dma.local [spmem:s28], $0x800  }
0x7f: {  	_ =	swait.ge [sflag:s20], $0x800  }
0x80: {  	[sflag:s20] =	ssyncset.done $0x0  }
0x81: {  	s29 =	sshrl.u32 s7, $0x3;
	[sflag:s20] =	ssyncadd.s32 $0xFFFFF800  }
0x82: {  	[hbm:s13], [sflag:s22] =	dma.local [spmem:s29], $0x800  }
0x83: {  	_ =	swait.ge [sflag:s20], $0x800  }
0x84: {  	[sflag:s20] =	ssyncset.done $0x0  }
0x85: {  	s30 =	sshrl.u32 s8, $0x3;
	[sflag:s20] =	ssyncadd.s32 $0xFFFFF800  }
0x86: {  	[hbm:s14], [sflag:s22] =	dma.local [spmem:s30], $0x800  }
0x87: {  	_ =	swait.ge [sflag:s20], $0x800  }
0x88: {  	[sflag:s20] =	ssyncset.done $0x0  }
0x89: {  	s31 =	sshrl.u32 s9, $0x3;
	[sflag:s20] =	ssyncadd.s32 $0xFFFFF800  }
0x8a: {  	[hbm:s15], [sflag:s22] =	dma.local [spmem:s31], $0x700  }
0x8b: {  	_ =	swait.ge [sflag:s20], $0x700  }
0x8c: {  	s21 =	sadd.s32 $0x1, s21;
	[sflag:s20] =	ssyncset.done $0x0  }
0x8d: {  	s23 =	sshrl.u32 @!p0 s10, $0x3;
	p1 =	sne.s32 s21, s17;
	[sflag:s20] =	ssyncadd.s32 $0xFFFFF900  }
0x8e: {  	[hbm:s16], [sflag:s22] =	dma.local @!p0 [spmem:s23], $0x100  }
.Ltmp2:
0x8f: {  	_ = 	snop;
	(pc) =	sbr.rel @p1 .LBB2_1-.Ltmp2, $4  }
0x90: {  	s22 =	simm.s32 @!p0 $0x2  }
0x91: {  	_ =	swait.ge @!p0 [sflag:s22], $0x100  }
0x92: {  	[sflag:s22] =	ssyncset.done @!p0 $0x0  }
0x93: {  	[sflag:s22] =	ssyncadd.s32 @!p0 $0xFFFFFF00  }
0x94: {  	_ =	sfence.sel $0x180000  }
0x95: {  	[bflag:$0x0] =	sbarrier.arrive $0xFFFF  }
0x96: {  	_ =	strace $0x9000004D  }
0x97: {  	s0 =	sadd.s32 @!p0 $0x100000, s0;
	[bflag:$0x2] =	sbarrier.arrive $0xFFFF  }
0x98: {  	[sflag:s0] =	ssyncadd.tile.s32 @!p0 $0x1;
	_ =	shalt  }
.Lfunc_end2:
_tile_overlayer_lowered:
.L_overlay_start_2:
0x99: {  	(tag) =	ssettag $0x2  }
0x9a: {  	s0 =	rddreg [dreg:$0x0];
	s2 =	stileid.u32  }
0x9b: {  	s1 =	rddreg [dreg:$0x1];
	p0 =	sne.s32 s2, $0x0  }
0x9c: {  	s3 =	rddreg [dreg:$0x2];
	[bflag:$0x3] =	sbarrier.arrive $0xFFFF;
	s2 =	simm.s32 @!p0 $0x1C02  }
0x9d: {  	[timem:s3], [sflag:s2] =	dma.local @!p0 [hbm:s0], s1  }
0x9e: {  	s0 =	simm.s32 @!p0 $0x2  }
0x9f: {  	_ =	swait.ge @!p0 [sflag:s0], s1  }
0xa0: {  	s1 =	ssub.s32 @!p0 $0x0, s1;
	[sflag:s0] =	ssyncset.done @!p0 $0x0  }
0xa1: {  	[sflag:s0] =	ssyncadd.s32 @!p0 s1  }
0xa2: {  	[bflag:$0x3] =	sbarrier.arrive $0xFFFF  }
0xa3: {  	_ =	shalt  }

// kernel: kernel.8.cloned.1.call-start
scs
__scs_entry_jumppad:
0x0: {  	(pc) =	sbr.rel $0x88, $3  }
0x1: {  	(tag) =	ssettag $0x0;
	lr =	simm.s32 $0x1  }
0x2: {  	[smem:$0x3F9B] =	sst lr;
	_ =	strace $0xD0000000  }
0x3: {  	_ = 	snop  }
0x4: {  	_ = 	snop  }
0x5: {  	_ = 	snop  }
0x6: {  	_ = 	snop  }
0x7: {  	_ = 	snop  }
__scs_overlays_trampoline_lowered:
0x8: {  	[smem:$0x3FAA] =	sst s0  }
0x9: {  	[smem:$0x3FAB] =	sst s1  }
0xa: {  	[smem:$0x3FAC] =	sst s2  }
0xb: {  	[smem:$0x3FAD] =	sst s3  }
0xc: {  	[smem:$0x3FAE] =	sst s4  }
0xd: {  	[smem:$0x3FAF] =	sst s5  }
0xe: {  	[smem:$0x3FB0] =	sst s6  }
0xf: {  	[smem:$0x3FB1] =	sst s7  }
0x10: {  	[smem:$0x3FB2] =	sst s8  }
0x11: {  	[smem:$0x3FB3] =	sst s9;
	s0 =	simm.s32 @!p0 $0x0  }
0x12: {  	s1 =	sld [smem:$0x3F99];
	s0 =	simm.s32 @p0 $0x1  }
0x13: {  	[smem:$0x3FB4] =	sst s0;
	s0 =	simm.s32 @!p1 $0x0  }
0x14: {  	s2 =	sld [smem:$0x3F98];
	s0 =	simm.s32 @p1 $0x1  }
0x15: {  	[smem:$0x3FB5] =	sst s0;
	s0 =	simm.s32 @!p2 $0x0  }
0x16: {  	s3 =	sld [smem:$0x3FDB];
	s0 =	simm.s32 @p2 $0x1  }
0x17: {  	s4 =	simm.s32 $0x1BF5;
	[smem:$0x3FB7] =	sst s0  }
0x18: {  	s0 =	sld [smem:$0x3F9A];
	_ =	swait.ge [sflag:s4], $0x0  }
0x19: {  	s7 =	sld [smem:$0x3F9B]  }
0x1a: {  	s8 =	sadd.s32 $0xFFFFE003, lr  }
0x1b: {  	s9 =	sadd.s32 $0xFFFFFEF7, lr;
	s5 =	simm.s32 $0xFFFFFFFF;
	p2 =	slt.u32 s8, $0xFFFFF086  }
0x1c: {  	p1 =	slt.u32 s9, $0xF7A;
	s5 =	simm.s32 @!p2 $0x0  }
0x1d: {  	s5 =	simm.s32 @p1 $0x1;
	p0 =	seq.s32 s7, s2  }
0x1e: {  	s7 =	smul.u32 @!p0 $0xF7A, s2;
	p2 =	seq.s32 @!p0 s5, $0x0  }
0x1f: {  	s9 =	smul.u32 $0xF7A, s1;
	s8 =	simm.s32 @!p0 $0x1BF5;
	p2 =	por !p2, p0  }
0x20: {  	[sflag:s8] =	ssyncset.s32 @!p0 $0xFFFFF086;
	s6 =	sadd.s32 @!p0 s3, s7;
	s7 =	simm.s32 @!p0 $0x108  }
0x21: {  	s3 =	sadd.s32 s3, s9;
	s6 =	sadd.s32 @!p0 $0x88, s6;
	s7 =	simm.s32 @p2 $0x1082  }
0x22: {  	[simem:s7], [sflag:s8] =	dma.local @!p0 [hbm:s6], $0xF7A  }
0x23: {  	s9 =	sor.u32 $0xD0000000, s2;
	s6 =	simm.s32 $0x108;
	_ =	swait.ge @!p0 [sflag:s8], $0x0  }
0x24: {  	s3 =	sadd.s32 $0x88, s3;
	s6 =	simm.s32 @!p1 $0x1082;
	[sflag:s4] =	ssyncset.s32 $0xFFFFF086  }
0x25: {  	[simem:s6], [sflag:s4] =	dma.local [hbm:s3], $0xF7A  }
0x26: {  	[smem:$0x3F9B] =	sst s1;
	(tag) =	ssettag s2;
	_ =	strace s9  }
0x27: {  	s1 =	sld [smem:$0x3FAB]  }
0x28: {  	s2 =	sld [smem:$0x3FAC]  }
0x29: {  	s4 =	sld [smem:$0x3FAE]  }
0x2a: {  	p0 =	seq.s32 s5, $0x0;
	s5 =	sld [smem:$0x3FAF]  }
0x2b: {  	s6 =	sld [smem:$0x3FB0]  }
0x2c: {  	s7 =	sld [smem:$0x3FB1]  }
0x2d: {  	s3 =	simm.s32 $0x108;
	s8 =	sld [smem:$0x3FB2]  }
0x2e: {  	s3 =	simm.s32 @!p0 $0x1082;
	s9 =	sld [smem:$0x3FB3]  }
0x2f: {  	lr =	sadd.s32 s0, s3;
	s0 =	sld [smem:$0x3FAA]  }
0x30: {  	s3 =	sld [smem:$0x3FAD]  }
0x31: {  	[smem:$0x3FB6] =	sst s10  }
0x32: {  	s10 =	sld [smem:$0x3FB4];
	_ =	sdelay $0x3  }
0x33: {  	p0 =	seq.s32 s10, $0x1;
	s10 =	sld [smem:$0x3FB6];
	_ =	sdelay $0x3  }
0x34: {  	[smem:$0x3FB6] =	sst s10  }
0x35: {  	s10 =	sld [smem:$0x3FB5];
	_ =	sdelay $0x3  }
0x36: {  	p1 =	seq.s32 s10, $0x1;
	s10 =	sld [smem:$0x3FB6];
	_ =	sdelay $0x3  }
0x37: {  	[smem:$0x3FB6] =	sst s10  }
0x38: {  	s10 =	sld [smem:$0x3FB7]  }
0x39: {  	_ = 	snop;
	(pc) =	sbr.ind lr, $3  }
0x3a: {  	_ = 	snop  }
0x3b: {  	_ = 	snop  }
0x3c: {  	p2 =	seq.s32 s10, $0x1;
	s10 =	sld [smem:$0x3FB6]  }
0x3d: {  	_ =	shalt  }
0x3e: {  	_ =	shalt  }
0x3f: {  	_ =	shalt  }
0x40: {  	_ =	shalt  }
0x41: {  	_ =	shalt  }
0x42: {  	_ =	shalt  }
0x43: {  	_ =	shalt  }
0x44: {  	_ =	shalt  }
0x45: {  	_ =	shalt  }
0x46: {  	_ =	shalt  }
0x47: {  	_ =	shalt  }
0x48: {  	_ =	shalt  }
0x49: {  	_ =	shalt  }
0x4a: {  	_ =	shalt  }
0x4b: {  	_ =	shalt  }
0x4c: {  	_ =	shalt  }
0x4d: {  	_ =	shalt  }
0x4e: {  	_ =	shalt  }
0x4f: {  	_ =	shalt  }
0x50: {  	_ =	shalt  }
0x51: {  	_ =	shalt  }
0x52: {  	_ =	shalt  }
0x53: {  	_ =	shalt  }
0x54: {  	_ =	shalt  }
0x55: {  	_ =	shalt  }
0x56: {  	_ =	shalt  }
0x57: {  	_ =	shalt  }
0x58: {  	_ =	shalt  }
0x59: {  	_ =	shalt  }
0x5a: {  	_ =	shalt  }
0x5b: {  	_ =	shalt  }
0x5c: {  	_ =	shalt  }
0x5d: {  	_ =	shalt  }
0x5e: {  	_ =	shalt  }
0x5f: {  	_ =	shalt  }
0x60: {  	_ =	shalt  }
0x61: {  	_ =	shalt  }
0x62: {  	_ =	shalt  }
0x63: {  	_ =	shalt  }
0x64: {  	_ =	shalt  }
0x65: {  	_ =	shalt  }
0x66: {  	_ =	shalt  }
0x67: {  	_ =	shalt  }
0x68: {  	_ =	shalt  }
0x69: {  	_ =	shalt  }
0x6a: {  	_ =	shalt  }
0x6b: {  	_ =	shalt  }
0x6c: {  	_ =	shalt  }
0x6d: {  	_ =	shalt  }
0x6e: {  	_ =	shalt  }
0x6f: {  	_ =	shalt  }
0x70: {  	_ =	shalt  }
0x71: {  	_ =	shalt  }
0x72: {  	_ =	shalt  }
0x73: {  	_ =	shalt  }
0x74: {  	_ =	shalt  }
0x75: {  	_ =	shalt  }
0x76: {  	_ =	shalt  }
0x77: {  	_ =	shalt  }
0x78: {  	_ =	shalt  }
0x79: {  	_ =	shalt  }
0x7a: {  	_ =	shalt  }
0x7b: {  	_ =	shalt  }
0x7c: {  	_ =	shalt  }
0x7d: {  	_ =	shalt  }
0x7e: {  	_ =	shalt  }
0x7f: {  	_ =	shalt  }
0x80: {  	_ =	shalt  }
0x81: {  	_ =	shalt  }
0x82: {  	_ =	shalt  }
0x83: {  	_ =	shalt  }
0x84: {  	_ =	shalt  }
0x85: {  	_ =	shalt  }
0x86: {  	_ =	shalt  }
0x87: {  	_ =	shalt  }
.Lfunc_end0:
.L_simem_size_0:
called_computation_lowered:
.L_overlay_start_0:
0x88: {  	s2 =	sld [smem:$0x3FD9]  }
0x89: {  	s3 =	sld [smem:$0x3FFE];
	_ =	sdelay $0x1  }
0x8a: {  	s1 =	srdreg.scid  }
0x8b: {  	s0 =	sand.u32 $0x1, s1  }
0x8c: {  	s17 =	sshll.u32 s0, $0xA;
	s2 =	sadd.s32 s3, s2  }
0x8d: {  	s2 =	sadd.s32 s2, s17  }
0x8e: {  	[smem:$0x3FC2] =	sst s2  }
0x8f: {  	_ = 	snop  }
0x90: {  	s2 =	sld [smem:$0x3FD0];
	(tm) =	ssettm $0x1  }
0x91: {  	s18 =	sld [smem:$0x3FFB];
	_ =	sdelay $0x3  }
0x92: {  	_ =	strace s18  }
0x93: {  	s3 =	sld [smem:$0x3FFC];
	_ =	sdelay $0x3  }
0x94: {  	_ =	strace s3  }
0x95: {  	s3 =	sld [smem:$0x3FFD];
	_ =	sdelay $0x3  }
0x96: {  	_ =	strace s3  }
0x97: {  	_ =	strace $0x8FFFFFFF  }
0x98: {  	s19 =	sld [smem:$0x3FDB];
	_ =	sdelay $0x1  }
0x99: {  	s4 =	simm.s32 $_scs_section_size  }
0x9a: {  	s5 =	simm.s32 $_size__tile_overlayer_lowered;
	s6 =	simm.s32 $_tile_overlayer_lowered  }
0x9b: {  	s22 =	simm.s32 $0x1BFF;
	s21 =	sshll.u32 s6, $0x1;
	s3 =	sadd.s32 s4, s19  }
0x9c: {  	s7 =	simm.s32 $0x0;
	s20 =	sshll.u32 s5, $0x1;
	s5 =	sadd.s32 s21, s3  }
0x9d: {  	[timem:s7], [sflag:s22] =	dma.local [hbm:s5], s20  }
0x9e: {  	_ =	swait.ge [sflag:s22], s20  }
0x9f: {  	s4 =	ssub.s32 $0x0, s20;
	[sflag:s22] =	ssyncset.done $0x0  }
0xa0: {  	[sflag:s22] =	ssyncadd.s32 s4;
	_ =	sdelay $0x1  }
0xa1: {  	s23 =	simm.s32 $0x1B8B  }
0xa2: {  	_ =	swait.ge [sflag:s23], $0x1  }
0xa3: {  	[sflag:s23] =	ssyncset.done $0x0  }
0xa4: {  	s25 =	simm.s32 $0x1B8E;
	s24 =	sld [smem:$0x3FFE];
	[sflag:s23] =	ssyncadd.s32 $0xFFFFFFFF  }
0xa5: {  	s26 =	simm.s32 $execute0_lowered;
	[smem:$0x3FD2] =	sst s25  }
0xa6: {  	s5 =	sshll.u32 s26, $0x1;
	_ =	strace $0x80000046;
	[dreg:$0x1] =	wrdreg $0xFFFFFFFF  }
0xa7: {  	s28 =	simm.s32 $_size_execute0_lowered;
	s3 =	sadd.s32 s3, s5;
	[dreg:$0x0] =	wrdreg $0x0  }
0xa8: {  	s5 =	sshll.u32 s28, $0x1;
	[dreg:$0x2] =	wrdreg s3  }
0xa9: {  	[dreg:$0x3] =	wrdreg s5  }
0xaa: {  	[dreg:$0x4] =	wrdreg $0xC0  }
0xab: {  	_ =	task [dreg:s7], $0x5FFFF  }
0xac: {  	[dreg:$0x1] =	wrdreg $0xFFFFFFFF  }
0xad: {  	[dreg:$0x0] =	wrdreg $0x60  }
0xae: {  	[dreg:$0x2] =	wrdreg s2  }
0xaf: {  	[dreg:$0x3] =	wrdreg s24  }
0xb0: {  	[dreg:$0x4] =	wrdreg $0x42000  }
0xb1: {  	[dreg:$0x5] =	wrdreg $0x9  }
0xb2: {  	_ =	task.clear_ibuf [dreg:s7], $0x6FFFF;
	_ =	strace $0x90000046  }
0xb3: {  	s29 =	simm.s32 $0x9;
	_ =	strace $0x80000048  }
0xb4: {  	_ =	swait.ge [sflag:s29], $0x1  }
0xb5: {  	[sflag:s29] =	ssyncadd.s32 $0xFFFFFFFF  }
0xb6: {  	_ =	strace $0x90000048  }
0xb7: {  	_ =	sfence  }
0xb8: {  	s30 =	sld [smem:$0x0];
	_ =	sdelay $0x2  }
0xb9: {  	s31 =	sshll.u32 s1, $0xD;
	s1 =	sshrl.u32 s1, $0x2  }
0xba: {  	s3 =	sand.u32 $0x4000, s31;
	s1 =	sadd.s32 s1, s30  }
0xbb: {  	s0 =	sor.u32 s3, s0;
	s1 =	sshll.u32 s1, $0x11  }
0xbc: {  	s0 =	sor.u32 s1, s0  }
0xbd: {  	s0 =	sadd.s32 $0x8F2B, s0  }
0xbe: {  	[sflag:s0] =	ssyncadd.remote.s32 $0x1  }
0xbf: {  	_ =	sfence.sel $0xFFFF  }
0xc0: {  	[dreg:$0x0] =	wrdreg $0xFFFFFFFF;
	(pc) =	sbr.abs _section_cstart, $3  }
0xc1: {  	[dreg:$0x1] =	wrdreg $0xFFFFFFFF  }
0xc2: {  	_ =	task.clear_ibuf [dreg:s7], $0x2FFFF;
	_ =	strace $0x9FFFFFFF  }
0xc3: {  	(tm) =	ssettm $0x7FFFFFFF  }
tec
execute0_lowered:
.L_overlay_start_1:
0x0: {  	(tag) =	ssettag $0x1  }
0x1: {  	s1 =	rddreg [dreg:$0x0]  }
0x2: {  	s5 =	rddreg [dreg:$0x1]  }
0x3: {  	s2 =	rddreg [dreg:$0x2];
	s4 =	srdreg.scid  }
0x4: {  	s0 =	rddreg [dreg:$0x3];
	s9 =	sand.u32 $0x1, s4  }
0x5: {  	s3 =	simm.s32 $0x0;
	s4 =	stileid.u32;
	s6 =	smul.u32 $0x9C40, s9  }
0x6: {  	s20 =	simm.s32 $0x2;
	s21 =	simm.s32 $0x0;
	s7 =	smul.u32 $0x4E000, s4  }
0x7: {  	[smem:$0x7FF] =	sst s3;
	s15 =	sadd.s32 $0x15800, s5;
	s8 =	smul.u32 $0x270, s4  }
0x8: {  	_ =	strace $0x80000047;
	s30 =	ssub.s32 $0x2, s9;
	s11 =	smul.u32 $0x2710, s9  }
0x9: {  	s14 =	smul.u32 $0x138800, s9;
	s19 =	sshll.u32 s4, $0x5;
	p0 =	sne.s32 s4, $0x0  }
0xa: {  	s10 =	sshrl.u32 s30, $0x1;
	s17 =	sadd.s32 s6, s5;
	s7 =	sshrl.u32 s7, $0x2  }
0xb: {  	s18 =	ssub.s32 s30, s10;
	s31 =	sadd.s32 s8, s11;
	s10 =	sadd.s32 $0x138000, s2  }
0xc: {  	s16 =	sshrl.u32 s14, $0x3;
	s5 =	sadd.s32 s7, s2;
	s11 =	sshll.u32 s31, $0x4  }
0xd: {  	s16 =	sadd.s32 s15, s16;
	s19 =	sadd.s32 s19, s17;
	s17 =	smax.u32 s18, $0x1  }
0xe: {  	s6 =	sadd.s32 $0x4000, s5;
	s7 =	sadd.s32 $0x8000, s5;
	s8 =	sadd.s32 $0xC000, s5  }
0xf: {  	s9 =	sadd.s32 $0x10000, s5;
	s11 =	sadd.s32 s15, s11;
	s16 =	sadd.s32 $0x27000, s16  }
0x10: {  	s18 =	sadd.s32 $0x1E00, s19;
	s19 =	simm.s32 $0x200;
	s12 =	sadd.s32 $0x800, s11  }
0x11: {  	v0 =	vimm.f32 $0.0e+00;
	s13 =	sadd.s32 $0x1000, s11;
	s14 =	sadd.s32 $0x1800, s11;
	s15 =	sadd.s32 $0x2000, s11  }
.LBB2_1:
0x12: {  	s22 =	sand.u32 $0xFE00, s3  }
0x13: {  	s23 =	sand.u32 $0x70, s3;
	s24 =	sshrl.u32 s22, $0x2  }
0x14: {  	s22 =	simm.s32 $0x40;
	s24 =	sor.u32 s23, s24;
	s23 =	simm.s32 $0x0  }
.LBB2_2:
0x15: {  	p1 =	sne.s32 s22, $0xFFC0  }
0x16: {  	[tilespmem:s24+$0x200] =	vst v0;
	s23 =	sadd.s32 $0x10, s23;
	s24 =	smov.u32 s22;
	s22 =	sadd.s32 $0x40, s22  }
.Ltmp0:
0x17: {  	(pc) =	sbr.rel @p1 .LBB2_2-.Ltmp0, $4  }
0x18: {  	_ = 	snop  }
0x19: {  	s24 =	sand.u32 $0xFE00, s24  }
0x1a: {  	s25 =	sand.u32 $0x70, s23;
	s24 =	sshrl.u32 s24, $0x2  }
0x1b: {  	s24 =	sor.u32 s25, s24  }
0x1c: {  	[tilespmem:s24+$0x200] =	vst v0  }
0x1d: {  	[spmem:s5] =	stream.linear.scatter [tilespmem:s19], [sflag:$0x2], $0x4000, $0x38;
	[tilespmem:$0x17A80] =	vst v63  }
0x1e: {  	_ =	swait.ge [sflag:s20], $0x4000  }
0x1f: {  	[sflag:s20] =	ssyncset.done $0x0  }
0x20: {  	[sflag:s20] =	ssyncadd.s32 $0xFFFFC000  }
0x21: {  	[spmem:s6] =	stream.linear.scatter [tilespmem:s19], [sflag:$0x2], $0x4000, $0x38;
	[tilespmem:$0x17A80] =	vst v63  }
0x22: {  	_ =	swait.ge [sflag:s20], $0x4000  }
0x23: {  	[sflag:s20] =	ssyncset.done $0x0  }
0x24: {  	[sflag:s20] =	ssyncadd.s32 $0xFFFFC000  }
0x25: {  	[spmem:s7] =	stream.linear.scatter [tilespmem:s19], [sflag:$0x2], $0x4000, $0x38;
	[tilespmem:$0x17A80] =	vst v63  }
0x26: {  	_ =	swait.ge [sflag:s20], $0x4000  }
0x27: {  	[sflag:s20] =	ssyncset.done $0x0  }
0x28: {  	[sflag:s20] =	ssyncadd.s32 $0xFFFFC000  }
0x29: {  	[spmem:s8] =	stream.linear.scatter [tilespmem:s19], [sflag:$0x2], $0x4000, $0x38;
	[tilespmem:$0x17A80] =	vst v63  }
0x2a: {  	_ =	swait.ge [sflag:s20], $0x4000  }
0x2b: {  	[sflag:s20] =	ssyncset.done $0x0  }
0x2c: {  	[sflag:s20] =	ssyncadd.s32 $0xFFFFC000  }
0x2d: {  	[spmem:s9] =	stream.linear.scatter [tilespmem:s19], [sflag:$0x2], $0x3800, $0x38;
	[tilespmem:$0x17A80] =	vst v63  }
0x2e: {  	_ =	swait.ge [sflag:s20], $0x3800  }
0x2f: {  	[sflag:s20] =	ssyncset.done $0x0  }
0x30: {  	s22 =	simm.s32 @!p0 $0x200;
	[sflag:s20] =	ssyncadd.s32 $0xFFFFC800  }
0x31: {  	[spmem:s10] =	stream.linear.scatter @!p0 [tilespmem:s22], [sflag:$0x2], $0x800, $0x38;
	[tilespmem:$0x17A80] =	vst v63  }
0x32: {  	s22 =	simm.s32 @!p0 $0x2  }
0x33: {  	_ =	swait.ge @!p0 [sflag:s22], $0x800  }
0x34: {  	s23 =	sadd.s32 $0x0, s4;
	[sflag:s22] =	ssyncset.done @!p0 $0x0  }
0x35: {  	p1 =	sgt.u32 s23, $0x4E1;
	[sflag:s22] =	ssyncadd.s32 @!p0 $0xFFFFF800  }
0x36: {  	s23 =	simm.s32 @!p1 $0x3;
	s22 =	simm.s32 @!p1 $0x0;
	[bflag:$0x0] =	sbarrier.arrive $0xFFFF  }
0x37: {  	[tilespmem:s22], [sflag:$0x3] =	stream.linear.gather @!p1 [hbm4b:s18+s22], $0x100, $0x38;
	[tilespmem:$0x17A80] =	vst v63  }
0x38: {  	_ =	swait.ge @!p1 [sflag:s23], $0x100;
	p1 =	por p1, p1  }
0x39: {  	[sflag:s23] =	ssyncset.done @!p1 $0x0  }
0x3a: {  	[sflag:s23] =	ssyncadd.s32 @!p1 $0xFFFFFF00  }
0x3b: {  	v1 =	vld @!p1 [tilespmem:$0xF0]  }
0x3c: {  	v2 =	vld @!p1 [tilespmem:$0xE0]  }
0x3d: {  	v3 =	vld @!p1 [tilespmem:$0x70]  }
0x3e: {  	v5 =	vld @!p1 [tilespmem:$0xD0]  }
0x3f: {  	v6 =	vld @!p1 [tilespmem:$0x60]  }
0x40: {  	v7 =	vld @!p1 [tilespmem:$0xC0];
	[tilespmem:$0x1F0] =	vst @!p1 v1  }
0x41: {  	v8 =	vld @!p1 [tilespmem:$0x50];
	[tilespmem:$0x1E0] =	vst @!p1 v2  }
0x42: {  	v9 =	vld @!p1 [tilespmem:$0xB0];
	[tilespmem:$0x170] =	vst @!p1 v3  }
0x43: {  	v4 =	vld @!p1 [tilespmem:$0x40];
	[tilespmem:$0x1D0] =	vst @!p1 v5  }
0x44: {  	v1 =	vld @!p1 [tilespmem:$0x30];
	[tilespmem:$0x160] =	vst @!p1 v6  }
0x45: {  	v2 =	vld @!p1 [tilespmem:$0xA0];
	[tilespmem:$0x1C0] =	vst @!p1 v7  }
0x46: {  	v3 =	vld @!p1 [tilespmem:$0x90];
	[tilespmem:$0x150] =	vst @!p1 v8  }
0x47: {  	s22 =	simm.s32 $0x10;
	s23 =	smov.u32 s18;
	v5 =	vld @!p1 [tilespmem:$0x20];
	[tilespmem:$0x1B0] =	vst @!p1 v9  }
.LBB2_4:
0x48: {  	v6 =	vld @!p1 [tilespmem:$0x0];
	[tilespmem:$0x140] =	vst @!p1 v4;
	s23 =	sadd.s32 $0x200, s23;
	s24 =	smov.u32 s22;
	s22 =	sadd.s32 $0x10, s22  }
0x49: {  	p2 =	sne.s32 s22, $0x4F0;
	v4 =	vld @!p1 [tilespmem:$0x10];
	[tilespmem:$0x130] =	vst @!p1 v1  }
0x4a: {  	v1 =	vld @!p1 [tilespmem:$0x80];
	[tilespmem:$0x1A0] =	vst @!p1 v2  }
0x4b: {  	[tilespmem:$0x190] =	vst @!p1 v3  }
0x4c: {  	[tilespmem:$0x120] =	vst @!p1 v5  }
0x4d: {  	[tilespmem:$0x100] =	vst @!p1 v6  }
0x4e: {  	s25 =	simm.s32 @!p1 $0x80;
	s26 =	simm.s32 @!p1 $0x100;
	s28 =	simm.s32 @!p1 $0x200;
	[tilespmem:$0x110] =	vst @!p1 v4  }
0x4f: {  	s29 =	simm.s32 @!p1 $0x1;
	[tilespmem:$0x180] =	vst @!p1 v1  }
0x50: {  	[tilespmem:s28], [sflag:$0x1] =	stream.indirect.gather @!p1 [hbm4b:s1+s25], $0x80, s26, s25, $0xb8;
	[tilespmem:$0x17A80] =	vst v63  }
0x51: {  	_ =	swait.ge @!p1 [sflag:s29], $0x4000  }
0x52: {  	s26 =	simm.s32 @!p1 $0x180;
	[sflag:s29] =	ssyncset.done @!p1 $0x0  }
0x53: {  	[sflag:s29] =	ssyncadd.s32 @!p1 $0xFFFFC000;
	s29 =	simm.s32 @!p1 $0x2  }
0x54: {  	[spmem:s2] =	stream.indirect.scatter.add.f32 @!p1 [tilespmem:s28], [sflag:$0x2], $0x80, s26, s25, $0xb8;
	[tilespmem:$0x17A80] =	vst v63  }
0x55: {  	s24 =	sadd.s32 s24, s4;
	_ =	swait.ge @!p1 [sflag:s29], $0x4000  }
0x56: {  	p3 =	sgt.u32 s24, $0x4E1;
	[sflag:s29] =	ssyncset.done @!p1 $0x0  }
0x57: {  	s24 =	simm.s32 @!p3 $0x0;
	s25 =	simm.s32 @!p3 $0x3;
	[sflag:s29] =	ssyncadd.s32 @!p1 $0xFFFFC000  }
0x58: {  	[tilespmem:s24], [sflag:$0x3] =	stream.linear.gather @!p3 [hbm4b:s23+s24], $0x100, $0x38;
	[tilespmem:$0x17A80] =	vst v63  }
0x59: {  	p1 =	por p3, p3;
	_ =	swait.ge @!p3 [sflag:s25], $0x100  }
0x5a: {  	[sflag:s25] =	ssyncset.done @!p1 $0x0  }
0x5b: {  	[sflag:s25] =	ssyncadd.s32 @!p1 $0xFFFFFF00  }
0x5c: {  	v1 =	vld @!p1 [tilespmem:$0xF0]  }
0x5d: {  	v2 =	vld @!p1 [tilespmem:$0xE0]  }
0x5e: {  	v3 =	vld @!p1 [tilespmem:$0x70]  }
0x5f: {  	v5 =	vld @!p1 [tilespmem:$0xD0]  }
0x60: {  	v6 =	vld @!p1 [tilespmem:$0x60]  }
0x61: {  	v7 =	vld @!p1 [tilespmem:$0xC0];
	[tilespmem:$0x1F0] =	vst @!p1 v1  }
0x62: {  	v8 =	vld @!p1 [tilespmem:$0x50];
	[tilespmem:$0x1E0] =	vst @!p1 v2  }
0x63: {  	v9 =	vld @!p1 [tilespmem:$0xB0];
	[tilespmem:$0x170] =	vst @!p1 v3  }
.Ltmp1:
0x64: {  	v4 =	vld @!p1 [tilespmem:$0x40];
	[tilespmem:$0x1D0] =	vst @!p1 v5;
	(pc) =	sbr.rel @p2 .LBB2_4-.Ltmp1, $4  }
0x65: {  	v1 =	vld @!p1 [tilespmem:$0x30];
	[tilespmem:$0x160] =	vst @!p1 v6  }
0x66: {  	v2 =	vld @!p1 [tilespmem:$0xA0];
	[tilespmem:$0x1C0] =	vst @!p1 v7  }
0x67: {  	v3 =	vld @!p1 [tilespmem:$0x90];
	[tilespmem:$0x150] =	vst @!p1 v8  }
0x68: {  	v5 =	vld @!p1 [tilespmem:$0x20];
	[tilespmem:$0x1B0] =	vst @!p1 v9  }
0x69: {  	v6 =	vld @!p1 [tilespmem:$0x0];
	[tilespmem:$0x140] =	vst @!p1 v4  }
0x6a: {  	v4 =	vld @!p1 [tilespmem:$0x10];
	[tilespmem:$0x130] =	vst @!p1 v1  }
0x6b: {  	v1 =	vld @!p1 [tilespmem:$0x80];
	[tilespmem:$0x1A0] =	vst @!p1 v2  }
0x6c: {  	[tilespmem:$0x190] =	vst @!p1 v3  }
0x6d: {  	[tilespmem:$0x120] =	vst @!p1 v5  }
0x6e: {  	[tilespmem:$0x100] =	vst @!p1 v6  }
0x6f: {  	s22 =	simm.s32 @!p1 $0x80;
	[tilespmem:$0x110] =	vst @!p1 v4  }
0x70: {  	s23 =	simm.s32 @!p1 $0x100;
	s24 =	simm.s32 @!p1 $0x200;
	s25 =	simm.s32 @!p1 $0x1;
	[tilespmem:$0x180] =	vst @!p1 v1  }
0x71: {  	[tilespmem:s24], [sflag:$0x1] =	stream.indirect.gather @!p1 [hbm4b:s1+s22], $0x80, s23, s22, $0xb8;
	[tilespmem:$0x17A80] =	vst v63  }
0x72: {  	_ =	swait.ge @!p1 [sflag:s25], $0x4000  }
0x73: {  	[sflag:s25] =	ssyncset.done @!p1 $0x0  }
0x74: {  	s23 =	simm.s32 @!p1 $0x180;
	[sflag:s25] =	ssyncadd.s32 @!p1 $0xFFFFC000;
	s25 =	simm.s32 @!p1 $0x2  }
0x75: {  	[spmem:s2] =	stream.indirect.scatter.add.f32 @!p1 [tilespmem:s24], [sflag:$0x2], $0x80, s23, s22, $0xb8;
	[tilespmem:$0x17A80] =	vst v63  }
0x76: {  	_ =	swait.ge @!p1 [sflag:s25], $0x4000  }
0x77: {  	[sflag:s25] =	ssyncset.done @!p1 $0x0  }
0x78: {  	[sflag:s25] =	ssyncadd.s32 @!p1 $0xFFFFC000;
	s25 =	sshll.u32 s4, $0x6  }
0x79: {  	s26 =	sshrl.u32 s5, $0x3;
	[bflag:$0x0] =	sbarrier.arrive $0xFFFF;
	s22 =	sor.u32 $0x1C02, s25  }
0x7a: {  	[hbm:s11], [sflag:s22] =	dma.local [spmem:s26], $0x800  }
0x7b: {  	_ =	swait.ge [sflag:s20], $0x800  }
0x7c: {  	[sflag:s20] =	ssyncset.done $0x0  }
0x7d: {  	s28 =	sshrl.u32 s6, $0x3;
	[sflag:s20] =	ssyncadd.s32 $0xFFFFF800  }
0x7e: {  	[hbm:s12], [sflag:s22] =	dma.local [spmem:s28], $0x800  }
0x7f: {  	_ =	swait.ge [sflag:s20], $0x800  }
0x80: {  	[sflag:s20] =	ssyncset.done $0x0  }
0x81: {  	s29 =	sshrl.u32 s7, $0x3;
	[sflag:s20] =	ssyncadd.s32 $0xFFFFF800  }
0x82: {  	[hbm:s13], [sflag:s22] =	dma.local [spmem:s29], $0x800  }
0x83: {  	_ =	swait.ge [sflag:s20], $0x800  }
0x84: {  	[sflag:s20] =	ssyncset.done $0x0  }
0x85: {  	s30 =	sshrl.u32 s8, $0x3;
	[sflag:s20] =	ssyncadd.s32 $0xFFFFF800  }
0x86: {  	[hbm:s14], [sflag:s22] =	dma.local [spmem:s30], $0x800  }
0x87: {  	_ =	swait.ge [sflag:s20], $0x800  }
0x88: {  	[sflag:s20] =	ssyncset.done $0x0  }
0x89: {  	s31 =	sshrl.u32 s9, $0x3;
	[sflag:s20] =	ssyncadd.s32 $0xFFFFF800  }
0x8a: {  	[hbm:s15], [sflag:s22] =	dma.local [spmem:s31], $0x700  }
0x8b: {  	_ =	swait.ge [sflag:s20], $0x700  }
0x8c: {  	s21 =	sadd.s32 $0x1, s21;
	[sflag:s20] =	ssyncset.done $0x0  }
0x8d: {  	s23 =	sshrl.u32 @!p0 s10, $0x3;
	p1 =	sne.s32 s21, s17;
	[sflag:s20] =	ssyncadd.s32 $0xFFFFF900  }
0x8e: {  	[hbm:s16], [sflag:s22] =	dma.local @!p0 [spmem:s23], $0x100  }
.Ltmp2:
0x8f: {  	_ = 	snop;
	(pc) =	sbr.rel @p1 .LBB2_1-.Ltmp2, $4  }
0x90: {  	s22 =	simm.s32 @!p0 $0x2  }
0x91: {  	_ =	swait.ge @!p0 [sflag:s22], $0x100  }
0x92: {  	[sflag:s22] =	ssyncset.done @!p0 $0x0  }
0x93: {  	[sflag:s22] =	ssyncadd.s32 @!p0 $0xFFFFFF00  }
0x94: {  	_ =	sfence.sel $0x180000  }
0x95: {  	[bflag:$0x0] =	sbarrier.arrive $0xFFFF  }
0x96: {  	_ =	strace $0x90000047  }
0x97: {  	s0 =	sadd.s32 @!p0 $0x100000, s0;
	[bflag:$0x2] =	sbarrier.arrive $0xFFFF  }
0x98: {  	[sflag:s0] =	ssyncadd.tile.s32 @!p0 $0x1;
	_ =	shalt  }
.Lfunc_end2:
_tile_overlayer_lowered:
.L_overlay_start_2:
0x99: {  	(tag) =	ssettag $0x2  }
0x9a: {  	s0 =	rddreg [dreg:$0x0];
	s2 =	stileid.u32  }
0x9b: {  	s1 =	rddreg [dreg:$0x1];
	p0 =	sne.s32 s2, $0x0  }
0x9c: {  	s3 =	rddreg [dreg:$0x2];
	[bflag:$0x3] =	sbarrier.arrive $0xFFFF;
	s2 =	simm.s32 @!p0 $0x1C02  }
0x9d: {  	[timem:s3], [sflag:s2] =	dma.local @!p0 [hbm:s0], s1  }
0x9e: {  	s0 =	simm.s32 @!p0 $0x2  }
0x9f: {  	_ =	swait.ge @!p0 [sflag:s0], s1  }
0xa0: {  	s1 =	ssub.s32 @!p0 $0x0, s1;
	[sflag:s0] =	ssyncset.done @!p0 $0x0  }
0xa1: {  	[sflag:s0] =	ssyncadd.s32 @!p0 s1  }
0xa2: {  	[bflag:$0x3] =	sbarrier.arrive $0xFFFF  }
0xa3: {  	_ =	shalt  }

</sc_bundles>
